<compile_context>
chip_gen: v7x
topology: tpu7x:2x2x1
jax: 0.10.2.dev20260603
libtpu: 0.0.44.dev20260713+nightly
codegen_flags: <defaults>
</compile_context>

<pallas_src>
import jax
import jax.numpy as jnp
from jax import lax
from jax.experimental import pallas as pl
from jax.experimental.pallas import tpu as pltpu
from jax.experimental.pallas import tpu_sc as plsc

_K = 99
_PAD_K = 128
_STRIDE = 129
_EPS = 1e-05
_D = 26
_DP = 32
_B = 16384
_NW = 32
_ROWS = _B // _NW
_CHUNKS = 2
_CROWS = _ROWS // _CHUNKS


def _body(x_hbm, q_hbm, p_hbm, m_hbm, s_hbm, out_hbm,
          x_v, o_v, q_v, p_v, m_v, s_v, qpad_v, qlpad_v, ppad_v, spad_v, sem):
    wid = lax.axis_index("s") * 2 + lax.axis_index("c")
    rbase = wid * _ROWS

    xcopy = pltpu.async_copy(x_hbm.at[pl.ds(rbase, _CROWS), :], x_v, sem)
    pltpu.sync_copy(q_hbm, q_v)
    pltpu.sync_copy(p_hbm, p_v)
    pltpu.sync_copy(m_hbm, m_v)
    pltpu.sync_copy(s_hbm, s_v)

    @plsc.parallel_loop(0, _D * _PAD_K // 16, step=1, unroll=4)
    def build(j):
        flat = j * 16 + lax.iota(jnp.int32, 16)
        d = lax.shift_right_logical(flat, 7)
        c = lax.bitwise_and(flat, _PAD_K - 1)
        cc = jnp.minimum(c, _K - 1)
        cm = jnp.minimum(jnp.maximum(c - 1, 0), _K - 1)
        addr = flat + d
        sv = plsc.load_gather(s_v, [d])
        mv = plsc.load_gather(m_v, [d])
        qsk = plsc.load_gather(q_v, [d, cc]) * sv + mv
        qsm = plsc.load_gather(q_v, [d, cm]) * sv + mv
        pk = plsc.load_gather(p_v, [cc])
        pm = plsc.load_gather(p_v, [cm])
        slope = (pk - pm) / (qsk - qsm + _EPS * sv)
        slope = jnp.where((c == 0) | (c > _K - 1), 0.0, slope)
        plsc.store_scatter(qpad_v, [addr],
                           jnp.where(c > _K - 1, jnp.inf, qsk))
        plsc.store_scatter(qlpad_v, [addr], qsm)
        plsc.store_scatter(ppad_v, [addr], pm)
        plsc.store_scatter(spad_v, [addr], slope)

    iota16 = lax.iota(jnp.int32, 16)
    d0 = iota16
    d1 = (iota16 + 16) % _D
    sv0 = plsc.load_gather(s_v, [d0])
    sv1 = plsc.load_gather(s_v, [d1])
    halves = []
    for col, dd, sv in ((0, d0, sv0), (16, d1, sv1)):
        qb = dd * _STRIDE
        q63 = plsc.load_gather(qpad_v, [qb + 63])
        q31 = plsc.load_gather(qpad_v, [qb + 31])
        q95 = plsc.load_gather(qpad_v, [qb + 95])
        halves.append((col, qb, 1.0 / sv, q63, q31, q95))
    m10 = iota16 < (_D - 16)

    xcopy.wait()

    for chunk in range(_CHUNKS):
        if chunk > 0:
            pltpu.sync_copy(
                x_hbm.at[pl.ds(rbase + chunk * _CROWS, _CROWS), :], x_v)

        @plsc.parallel_loop(0, _CROWS, step=1, unroll=4)
        def body(r):
            rr = jnp.broadcast_to(r, (16,))
            for h, (col, qb, iv, q63, q31, q95) in enumerate(halves):
                if h == 0:
                    xv = x_v[r, pl.ds(0, 16)]
                else:
                    xv = plsc.load_gather(x_v, [rr, d1])

                apos = jnp.where(q63 < xv, qb + 64, qb)
                apos = jnp.where(jnp.where(q63 < xv, q95, q31) < xv,
                                 apos + 32, apos)
                for step in (16, 8, 4, 2, 1):
                    qv = plsc.load_gather(qpad_v, [apos + (step - 1)])
                    apos = jnp.where(qv < xv, apos + step, apos)
                idx = apos - qb

                qls = plsc.load_gather(qlpad_v, [apos])
                pL = plsc.load_gather(ppad_v, [apos])
                sl = plsc.load_gather(spad_v, [apos])

                res = pL + (xv - qls) * sl
                mlow = (idx == 0) & (xv < qls)
                mhigh = (idx == _K) & (xv > qls)
                ta = jnp.abs(xv - qls) * iv
                e = jnp.exp(-2.0 * ta)
                th = (1.0 - e) / (1.0 + e)
                res = jnp.where(mlow, pL - pL * th, res)
                res = jnp.where(mhigh, pL + (1.0 - pL) * th, res)
                if h == 0:
                    o_v[r, pl.ds(0, 16)] = res
                else:
                    plsc.store_scatter(o_v, [rr, d1], res, mask=m10)

        pltpu.sync_copy(
            o_v, out_hbm.at[pl.ds(rbase + chunk * _CROWS, _CROWS), :])


@jax.jit
def _qnorm(xp, quantiles, probs, initial_means, initial_stds):
    mesh = plsc.VectorSubcoreMesh(core_axis_name="c", subcore_axis_name="s")
    f = pl.kernel(
        _body,
        out_type=jax.ShapeDtypeStruct((_B, _D), jnp.float32),
        mesh=mesh,
        compiler_params=pltpu.CompilerParams(
            needs_layout_passes=False, use_tc_tiling_on_sc=True),
        scratch_types=[
            pltpu.VMEM((_CROWS, _D), jnp.float32),
            pltpu.VMEM((_CROWS, _D), jnp.float32),
            pltpu.VMEM((_D, _K), jnp.float32),
            pltpu.VMEM((_K,), jnp.float32),
            pltpu.VMEM((_D,), jnp.float32),
            pltpu.VMEM((_D,), jnp.float32),
            pltpu.VMEM((_D * _STRIDE,), jnp.float32),
            pltpu.VMEM((_D * _STRIDE,), jnp.float32),
            pltpu.VMEM((_D * _STRIDE,), jnp.float32),
            pltpu.VMEM((_D * _STRIDE,), jnp.float32),
            pltpu.SemaphoreType.DMA,
        ],
    )
    return f(xp, quantiles, probs, initial_means, initial_stds)


def kernel(x, quantiles, probs, initial_means, initial_stds):
    return _qnorm(x, quantiles, probs, initial_means, initial_stds)

# --- scband reference (transcript-rebuilt; emitter-appended) ---
"""Pipeline reference for scband-quantile-norm-65051574665440 (READ-ONLY COPY).

The authoritative reference and input builder live on the scoring server;
editing this copy changes nothing except your own understanding.
"""

import jax, jax.numpy as jnp
import numpy as np

NUM_BUCKETS = 99
EPS = 1e-05
DIMS = 26
BATCH = 16384


def _init_stats():
    # replicate torch __init__ with the deterministic 5x26 sample from init_kwargs
    sample = jnp.tile(jnp.array([-2.0, -1.0, 0.0, 1.0, 2.0], dtype=jnp.float32)[:, None], (1, DIMS))
    probs = jnp.linspace(1.0 / (NUM_BUCKETS + 1), NUM_BUCKETS / (NUM_BUCKETS + 1), NUM_BUCKETS, dtype=jnp.float32)
    means = jnp.nanmean(sample, axis=0)
    diff = sample - means[None, :]
    diff = jnp.where(jnp.isnan(diff), 0.0, diff)
    count = jnp.sum(~jnp.isnan(sample), axis=0).astype(jnp.float32)
    var = jnp.sum(diff ** 2, axis=0) / jnp.maximum(count, 1.0)
    stds = jnp.sqrt(var) + EPS
    normalized = (sample - means[None, :]) / stds[None, :]
    quantiles = jnp.quantile(normalized, probs, axis=0).T  # [DIMS, NUM_BUCKETS]
    return probs, means, stds, quantiles


def setup_inputs(seed: int = 0) -> dict:
    key = jax.random.key(seed)
    x = jax.random.normal(key, (BATCH, DIMS), dtype=jnp.float32)
    probs, means, stds, quantiles = _init_stats()
    return {"x": x, "quantiles": quantiles, "probs": probs, "initial_means": means, "initial_stds": stds}


def reference(x, quantiles, probs, initial_means, initial_stds):
    # eval-mode forward of QuantileNorm (quantiles_to_use = stored quantiles)
    K = NUM_BUCKETS
    xn = (x - initial_means[None, :]) / initial_stds[None, :]
    # torch.searchsorted(sorted, v) with right=False == number of elements strictly < v
    idx = jnp.sum(quantiles[None, :, :] < xn[:, :, None], axis=-1)  # [B, D], in 0..K
    left = jnp.clip(idx - 1, 0, K - 1)
    right = jnp.clip(idx, 0, K - 1)
    d_idx = jnp.arange(quantiles.shape[0])[None, :]
    q_left = quantiles[d_idx, left]
    q_right = quantiles[d_idx, right]
    p_left = probs[left]
    p_right = probs[right]
    denom = q_right - q_left + EPS
    out = p_left + (xn - q_left) * (p_right - p_left) / denom
    mask_low = (idx == 0) & (xn < q_left)
    out = jnp.where(mask_low, p_left - p_left * jnp.tanh(jnp.abs(xn - q_left)), out)
    mask_high = (idx == K) & (xn > q_right)
    out = jnp.where(mask_high, p_right + (1.0 - p_right) * jnp.tanh(jnp.abs(xn - q_right)), out)
    return out

if __name__ == "__main__":
    import jax
    _d = setup_inputs()
    print(jax.jit(kernel)(*tuple(_d.values())))

</pallas_src>

<mosaic_0001>
#map = affine_map<(d0, d1) -> (0, 0)>
#map1 = affine_map<(d0, d1) -> (0)>
module attributes {stable_mosaic.version = 14 : i64} {
  func.func @_body(%arg0: i32, %arg1: i32, %arg2: memref<16384x26xf32, #tpu.memory_space<hbm>>, %arg3: memref<26x99xf32, #tpu.memory_space<hbm>>, %arg4: memref<99xf32, #tpu.memory_space<hbm>>, %arg5: memref<26xf32, #tpu.memory_space<hbm>>, %arg6: memref<26xf32, #tpu.memory_space<hbm>>, %arg7: memref<16384x26xf32, #tpu.memory_space<hbm>>, %arg8: memref<256x26xf32, #tpu.memory_space<vmem>>, %arg9: memref<256x26xf32, #tpu.memory_space<vmem>>, %arg10: memref<26x99xf32, #tpu.memory_space<vmem>>, %arg11: memref<99xf32, #tpu.memory_space<vmem>>, %arg12: memref<26xf32, #tpu.memory_space<vmem>>, %arg13: memref<26xf32, #tpu.memory_space<vmem>>, %arg14: memref<3354xf32, #tpu.memory_space<vmem>>, %arg15: memref<3354xf32, #tpu.memory_space<vmem>>, %arg16: memref<3354xf32, #tpu.memory_space<vmem>>, %arg17: memref<3354xf32, #tpu.memory_space<vmem>>, %arg18: memref<!tpu.dma_semaphore, #tpu.memory_space<semaphore_mem>>) attributes {dimension_semantics = [#tpu.dimension_semantics<core_parallel>, #tpu.dimension_semantics<subcore_parallel>], iteration_bounds = array<i64: 2, 16>, scalar_prefetch = 0 : i64, scratch_operands = 11 : i64, tpu.core_type = #tpu.core_type<sc_vector_subcore>, window_params = [{transform_indices = #map}, {transform_indices = #map}, {transform_indices = #map1}, {transform_indices = #map1}, {transform_indices = #map1}, {transform_indices = #map}]} {
    %mul3A = arith.constant 2 : i32
    %mul3A_0 = arith.muli %arg1, %mul3A : i32
    %add3A = arith.addi %mul3A_0, %arg0 : i32
    %mul3A_1 = arith.constant 512 : i32
    %mul3A_2 = arith.muli %add3A, %mul3A_1 : i32
    %dma_start3A = arith.constant 0 : i32
    %dma_start3A_3 = tpu.memref_slice %arg2[%mul3A_2, %dma_start3A] : memref<16384x26xf32, #tpu.memory_space<hbm>> -> memref<256x26xf32, #tpu.memory_space<hbm>>
    %dma_start3A_4 = arith.constant 0 : i32
    %dma_start3A_5 = tpu.memref_slice %arg2[%mul3A_2, %dma_start3A_4] : memref<16384x26xf32, #tpu.memory_space<hbm>> -> memref<256x26xf32, #tpu.memory_space<hbm>>
    tpu.enqueue_dma source(%dma_start3A_5 : memref<256x26xf32, #tpu.memory_space<hbm>>) target(%arg8 : memref<256x26xf32, #tpu.memory_space<vmem>>) target_semaphore(%arg18 : memref<!tpu.dma_semaphore, #tpu.memory_space<semaphore_mem>>)
    "tpu.region"() ({
      %run_scoped3A = tpu.sem_alloc : memref<!tpu.dma_semaphore, #tpu.memory_space<semaphore_mem>>
      tpu.enqueue_dma source(%arg3 : memref<26x99xf32, #tpu.memory_space<hbm>>) target(%arg10 : memref<26x99xf32, #tpu.memory_space<vmem>>) target_semaphore(%run_scoped3A : memref<!tpu.dma_semaphore, #tpu.memory_space<semaphore_mem>>)
      tpu.wait_dma2 semaphore(%run_scoped3A : memref<!tpu.dma_semaphore, #tpu.memory_space<semaphore_mem>>) src(%arg3 : memref<26x99xf32, #tpu.memory_space<hbm>>) dst(%arg10 : memref<26x99xf32, #tpu.memory_space<vmem>>)
      tpu.yield
    }) : () -> ()
    "tpu.region"() ({
      %run_scoped3A = tpu.sem_alloc : memref<!tpu.dma_semaphore, #tpu.memory_space<semaphore_mem>>
      tpu.enqueue_dma source(%arg4 : memref<99xf32, #tpu.memory_space<hbm>>) target(%arg11 : memref<99xf32, #tpu.memory_space<vmem>>) target_semaphore(%run_scoped3A : memref<!tpu.dma_semaphore, #tpu.memory_space<semaphore_mem>>)
      tpu.wait_dma2 semaphore(%run_scoped3A : memref<!tpu.dma_semaphore, #tpu.memory_space<semaphore_mem>>) src(%arg4 : memref<99xf32, #tpu.memory_space<hbm>>) dst(%arg11 : memref<99xf32, #tpu.memory_space<vmem>>)
      tpu.yield
    }) : () -> ()
    "tpu.region"() ({
      %run_scoped3A = tpu.sem_alloc : memref<!tpu.dma_semaphore, #tpu.memory_space<semaphore_mem>>
      tpu.enqueue_dma source(%arg5 : memref<26xf32, #tpu.memory_space<hbm>>) target(%arg12 : memref<26xf32, #tpu.memory_space<vmem>>) target_semaphore(%run_scoped3A : memref<!tpu.dma_semaphore, #tpu.memory_space<semaphore_mem>>)
      tpu.wait_dma2 semaphore(%run_scoped3A : memref<!tpu.dma_semaphore, #tpu.memory_space<semaphore_mem>>) src(%arg5 : memref<26xf32, #tpu.memory_space<hbm>>) dst(%arg12 : memref<26xf32, #tpu.memory_space<vmem>>)
      tpu.yield
    }) : () -> ()
    "tpu.region"() ({
      %run_scoped3A = tpu.sem_alloc : memref<!tpu.dma_semaphore, #tpu.memory_space<semaphore_mem>>
      tpu.enqueue_dma source(%arg6 : memref<26xf32, #tpu.memory_space<hbm>>) target(%arg13 : memref<26xf32, #tpu.memory_space<vmem>>) target_semaphore(%run_scoped3A : memref<!tpu.dma_semaphore, #tpu.memory_space<semaphore_mem>>)
      tpu.wait_dma2 semaphore(%run_scoped3A : memref<!tpu.dma_semaphore, #tpu.memory_space<semaphore_mem>>) src(%arg6 : memref<26xf32, #tpu.memory_space<hbm>>) dst(%arg13 : memref<26xf32, #tpu.memory_space<vmem>>)
      tpu.yield
    }) : () -> ()
    %parallel_loop3A = arith.constant 0 : i32
    %parallel_loop3A_6 = arith.constant 208 : i32
    %parallel_loop3A_7 = arith.constant 1 : i32
    scf.for %parallel_loop3A_80 = %parallel_loop3A to %parallel_loop3A_6 step %parallel_loop3A_7  : i32 {
      %parallel_loop3A_81 = arith.constant 16 : i32
      %parallel_loop3A_82 = arith.muli %parallel_loop3A_80, %parallel_loop3A_81 : i32
      %parallel_loop3A_83 = tpu.iota {dimensions = array<i32: 0>} : vector<16xi32>
      %parallel_loop3A_84 = vector.broadcast %parallel_loop3A_82 : i32 to vector<16xi32>
      %parallel_loop3A_85 = arith.addi %parallel_loop3A_84, %parallel_loop3A_83 : vector<16xi32>
      %parallel_loop3A_86 = arith.constant 7 : i32
      %parallel_loop3A_87 = vector.broadcast %parallel_loop3A_86 : i32 to vector<16xi32>
      %parallel_loop3A_88 = arith.shrui %parallel_loop3A_85, %parallel_loop3A_87 : vector<16xi32>
      %parallel_loop3A_89 = arith.constant 127 : i32
      %parallel_loop3A_90 = vector.broadcast %parallel_loop3A_89 : i32 to vector<16xi32>
      %parallel_loop3A_91 = arith.andi %parallel_loop3A_85, %parallel_loop3A_90 : vector<16xi32>
      %parallel_loop3A_92 = arith.constant 98 : i32
      %parallel_loop3A_93 = vector.broadcast %parallel_loop3A_92 : i32 to vector<16xi32>
      %parallel_loop3A_94 = arith.minsi %parallel_loop3A_91, %parallel_loop3A_93 : vector<16xi32>
      %parallel_loop3A_95 = arith.constant 1 : i32
      %parallel_loop3A_96 = vector.broadcast %parallel_loop3A_95 : i32 to vector<16xi32>
      %parallel_loop3A_97 = arith.subi %parallel_loop3A_91, %parallel_loop3A_96 : vector<16xi32>
      %parallel_loop3A_98 = arith.constant 0 : i32
      %parallel_loop3A_99 = vector.broadcast %parallel_loop3A_98 : i32 to vector<16xi32>
      %parallel_loop3A_100 = arith.maxsi %parallel_loop3A_97, %parallel_loop3A_99 : vector<16xi32>
      %parallel_loop3A_101 = arith.constant 98 : i32
      %parallel_loop3A_102 = vector.broadcast %parallel_loop3A_101 : i32 to vector<16xi32>
      %parallel_loop3A_103 = arith.minsi %parallel_loop3A_100, %parallel_loop3A_102 : vector<16xi32>
      %parallel_loop3A_104 = arith.addi %parallel_loop3A_85, %parallel_loop3A_88 : vector<16xi32>
      %parallel_loop3A_105 = tpu.vector_load_idx %arg13[%parallel_loop3A_88] : memref<26xf32, #tpu.memory_space<vmem>>[vector<16xi32>], vector<16xf32>,
      %parallel_loop3A_106 = tpu.vector_load_idx %arg12[%parallel_loop3A_88] : memref<26xf32, #tpu.memory_space<vmem>>[vector<16xi32>], vector<16xf32>,
      %parallel_loop3A_107 = tpu.vector_load_idx %arg10[%parallel_loop3A_88, %parallel_loop3A_94] : memref<26x99xf32, #tpu.memory_space<vmem>>[vector<16xi32>, vector<16xi32>], vector<16xf32>,
      %parallel_loop3A_108 = arith.mulf %parallel_loop3A_107, %parallel_loop3A_105 : vector<16xf32>
      %parallel_loop3A_109 = arith.addf %parallel_loop3A_108, %parallel_loop3A_106 : vector<16xf32>
      %parallel_loop3A_110 = tpu.vector_load_idx %arg10[%parallel_loop3A_88, %parallel_loop3A_103] : memref<26x99xf32, #tpu.memory_space<vmem>>[vector<16xi32>, vector<16xi32>], vector<16xf32>,
      %parallel_loop3A_111 = arith.mulf %parallel_loop3A_110, %parallel_loop3A_105 : vector<16xf32>
      %parallel_loop3A_112 = arith.addf %parallel_loop3A_111, %parallel_loop3A_106 : vector<16xf32>
      %parallel_loop3A_113 = tpu.vector_load_idx %arg11[%parallel_loop3A_94] : memref<99xf32, #tpu.memory_space<vmem>>[vector<16xi32>], vector<16xf32>,
      %parallel_loop3A_114 = tpu.vector_load_idx %arg11[%parallel_loop3A_103] : memref<99xf32, #tpu.memory_space<vmem>>[vector<16xi32>], vector<16xf32>,
      %parallel_loop3A_115 = arith.subf %parallel_loop3A_113, %parallel_loop3A_114 : vector<16xf32>
      %parallel_loop3A_116 = arith.subf %parallel_loop3A_109, %parallel_loop3A_112 : vector<16xf32>
      %parallel_loop3A_117 = arith.constant 9.99999974E-6 : f32
      %parallel_loop3A_118 = vector.broadcast %parallel_loop3A_117 : f32 to vector<16xf32>
      %parallel_loop3A_119 = arith.mulf %parallel_loop3A_118, %parallel_loop3A_105 : vector<16xf32>
      %parallel_loop3A_120 = arith.addf %parallel_loop3A_116, %parallel_loop3A_119 : vector<16xf32>
      %parallel_loop3A_121 = arith.divf %parallel_loop3A_115, %parallel_loop3A_120 : vector<16xf32>
      %parallel_loop3A_122 = arith.constant 0 : i32
      %parallel_loop3A_123 = vector.broadcast %parallel_loop3A_122 : i32 to vector<16xi32>
      %parallel_loop3A_124 = arith.cmpi eq, %parallel_loop3A_91, %parallel_loop3A_123 : vector<16xi32>
      %parallel_loop3A_125 = arith.constant 98 : i32
      %parallel_loop3A_126 = vector.broadcast %parallel_loop3A_125 : i32 to vector<16xi32>
      %parallel_loop3A_127 = arith.cmpi sgt, %parallel_loop3A_91, %parallel_loop3A_126 : vector<16xi32>
      %parallel_loop3A_128 = arith.ori %parallel_loop3A_124, %parallel_loop3A_127 : vector<16xi1>
      %parallel_loop3A_129 = arith.constant 0.000000e+00 : f32
      %parallel_loop3A_130 = vector.broadcast %parallel_loop3A_129 : f32 to vector<16xf32>
      %parallel_loop3A_131 = arith.select %parallel_loop3A_128, %parallel_loop3A_130, %parallel_loop3A_121 : vector<16xi1>, vector<16xf32>
      %parallel_loop3A_132 = arith.constant 98 : i32
      %parallel_loop3A_133 = vector.broadcast %parallel_loop3A_132 : i32 to vector<16xi32>
      %parallel_loop3A_134 = arith.cmpi sgt, %parallel_loop3A_91, %parallel_loop3A_133 : vector<16xi32>
      %parallel_loop3A_135 = arith.constant 0x7F800000 : f32
      %parallel_loop3A_136 = vector.broadcast %parallel_loop3A_135 : f32 to vector<16xf32>
      %parallel_loop3A_137 = arith.select %parallel_loop3A_134, %parallel_loop3A_136, %parallel_loop3A_109 : vector<16xi1>, vector<16xf32>
      tpu.vector_store_idx %arg14[%parallel_loop3A_104], %parallel_loop3A_137 : memref<3354xf32, #tpu.memory_space<vmem>>[vector<16xi32>], vector<16xf32>,
      tpu.vector_store_idx %arg15[%parallel_loop3A_104], %parallel_loop3A_112 : memref<3354xf32, #tpu.memory_space<vmem>>[vector<16xi32>], vector<16xf32>,
      tpu.vector_store_idx %arg16[%parallel_loop3A_104], %parallel_loop3A_114 : memref<3354xf32, #tpu.memory_space<vmem>>[vector<16xi32>], vector<16xf32>,
      tpu.vector_store_idx %arg17[%parallel_loop3A_104], %parallel_loop3A_131 : memref<3354xf32, #tpu.memory_space<vmem>>[vector<16xi32>], vector<16xf32>,
    } {sc.loop_unroll_factor = 4 : i64, sc.parallel_access}
    %iota3A = tpu.iota {dimensions = array<i32: 0>} : vector<16xi32>
    %add3A_8 = arith.constant 16 : i32
    %add3A_9 = vector.broadcast %add3A_8 : i32 to vector<16xi32>
    %add3A_10 = arith.addi %iota3A, %add3A_9 : vector<16xi32>
    %jit3A = arith.constant 26 : i32
    %eq3A = arith.constant 0 : i32
    %eq3A_11 = arith.cmpi eq, %jit3A, %eq3A : i32
    %jit3A_12 = arith.constant 1 : i32
    %select_n3A = arith.select %eq3A_11, %jit3A_12, %jit3A : i32
    %rem3A = vector.broadcast %select_n3A : i32 to vector<16xi32>
    %rem3A_13 = arith.remsi %add3A_10, %rem3A : vector<16xi32>
    %ne3A = arith.constant 0 : i32
    %ne3A_14 = vector.broadcast %ne3A : i32 to vector<16xi32>
    %ne3A_15 = arith.cmpi ne, %rem3A_13, %ne3A_14 : vector<16xi32>
    %lt3A = arith.constant 0 : i32
    %lt3A_16 = vector.broadcast %lt3A : i32 to vector<16xi32>
    %lt3A_17 = arith.cmpi slt, %rem3A_13, %lt3A_16 : vector<16xi32>
    %lt3A_18 = arith.constant 0 : i32
    %lt3A_19 = arith.cmpi slt, %select_n3A, %lt3A_18 : i32
    %ne3A_20 = vector.broadcast %lt3A_19 : i1 to vector<16xi1>
    %ne3A_21 = vector.broadcast %ne3A_20 : vector<16xi1> to vector<16xi1>
    %ne3A_22 = arith.xori %lt3A_17, %ne3A_21 : vector<16xi1>
    %and3A = arith.andi %ne3A_22, %ne3A_15 : vector<16xi1>
    %add3A_23 = vector.broadcast %select_n3A : i32 to vector<16xi32>
    %add3A_24 = arith.addi %rem3A_13, %add3A_23 : vector<16xi32>
    %select_n3A_25 = arith.select %and3A, %add3A_24, %rem3A_13 : vector<16xi1>, vector<16xi32>
    %gather3A = tpu.vector_load_idx %arg13[%iota3A] : memref<26xf32, #tpu.memory_space<vmem>>[vector<16xi32>], vector<16xf32>,
    %gather3A_26 = tpu.vector_load_idx %arg13[%select_n3A_25] : memref<26xf32, #tpu.memory_space<vmem>>[vector<16xi32>], vector<16xf32>,
    %mul3A_27 = arith.constant 129 : i32
    %mul3A_28 = vector.broadcast %mul3A_27 : i32 to vector<16xi32>
    %mul3A_29 = arith.muli %iota3A, %mul3A_28 : vector<16xi32>
    %add3A_30 = arith.constant 63 : i32
    %add3A_31 = vector.broadcast %add3A_30 : i32 to vector<16xi32>
    %add3A_32 = arith.addi %mul3A_29, %add3A_31 : vector<16xi32>
    %gather3A_33 = tpu.vector_load_idx %arg14[%add3A_32] : memref<3354xf32, #tpu.memory_space<vmem>>[vector<16xi32>], vector<16xf32>,
    %add3A_34 = arith.constant 31 : i32
    %add3A_35 = vector.broadcast %add3A_34 : i32 to vector<16xi32>
    %add3A_36 = arith.addi %mul3A_29, %add3A_35 : vector<16xi32>
    %gather3A_37 = tpu.vector_load_idx %arg14[%add3A_36] : memref<3354xf32, #tpu.memory_space<vmem>>[vector<16xi32>], vector<16xf32>,
    %add3A_38 = arith.constant 95 : i32
    %add3A_39 = vector.broadcast %add3A_38 : i32 to vector<16xi32>
    %add3A_40 = arith.addi %mul3A_29, %add3A_39 : vector<16xi32>
    %gather3A_41 = tpu.vector_load_idx %arg14[%add3A_40] : memref<3354xf32, #tpu.memory_space<vmem>>[vector<16xi32>], vector<16xf32>,
    %div3A = arith.constant 1.000000e+00 : f32
    %div3A_42 = vector.broadcast %div3A : f32 to vector<16xf32>
    %div3A_43 = arith.divf %div3A_42, %gather3A : vector<16xf32>
    %mul3A_44 = arith.constant 129 : i32
    %mul3A_45 = vector.broadcast %mul3A_44 : i32 to vector<16xi32>
    %mul3A_46 = arith.muli %select_n3A_25, %mul3A_45 : vector<16xi32>
    %add3A_47 = arith.constant 63 : i32
    %add3A_48 = vector.broadcast %add3A_47 : i32 to vector<16xi32>
    %add3A_49 = arith.addi %mul3A_46, %add3A_48 : vector<16xi32>
    %gather3A_50 = tpu.vector_load_idx %arg14[%add3A_49] : memref<3354xf32, #tpu.memory_space<vmem>>[vector<16xi32>], vector<16xf32>,
    %add3A_51 = arith.constant 31 : i32
    %add3A_52 = vector.broadcast %add3A_51 : i32 to vector<16xi32>
    %add3A_53 = arith.addi %mul3A_46, %add3A_52 : vector<16xi32>
    %gather3A_54 = tpu.vector_load_idx %arg14[%add3A_53] : memref<3354xf32, #tpu.memory_space<vmem>>[vector<16xi32>], vector<16xf32>,
    %add3A_55 = arith.constant 95 : i32
    %add3A_56 = vector.broadcast %add3A_55 : i32 to vector<16xi32>
    %add3A_57 = arith.addi %mul3A_46, %add3A_56 : vector<16xi32>
    %gather3A_58 = tpu.vector_load_idx %arg14[%add3A_57] : memref<3354xf32, #tpu.memory_space<vmem>>[vector<16xi32>], vector<16xf32>,
    %div3A_59 = arith.constant 1.000000e+00 : f32
    %div3A_60 = vector.broadcast %div3A_59 : f32 to vector<16xf32>
    %div3A_61 = arith.divf %div3A_60, %gather3A_26 : vector<16xf32>
    %lt3A_62 = arith.constant 10 : i32
    %lt3A_63 = vector.broadcast %lt3A_62 : i32 to vector<16xi32>
    %lt3A_64 = arith.cmpi slt, %iota3A, %lt3A_63 : vector<16xi32>
    %dma_wait3A = arith.constant 0 : i32
    %dma_wait3A_65 = tpu.memref_slice %arg2[%mul3A_2, %dma_wait3A] : memref<16384x26xf32, #tpu.memory_space<hbm>> -> memref<256x26xf32, #tpu.memory_space<hbm>>
    %dma_wait3A_66 = arith.constant 0 : i32
    %dma_wait3A_67 = tpu.memref_slice %arg2[%mul3A_2, %dma_wait3A_66] : memref<16384x26xf32, #tpu.memory_space<hbm>> -> memref<256x26xf32, #tpu.memory_space<hbm>>
    tpu.wait_dma2 semaphore(%arg18 : memref<!tpu.dma_semaphore, #tpu.memory_space<semaphore_mem>>) src(%dma_wait3A_67 : memref<256x26xf32, #tpu.memory_space<hbm>>) dst(%arg8 : memref<256x26xf32, #tpu.memory_space<vmem>>)
    %parallel_loop3A_68 = arith.constant 0 : i32
    %parallel_loop3A_69 = arith.constant 256 : i32
    %parallel_loop3A_70 = arith.constant 1 : i32
    scf.for %parallel_loop3A_80 = %parallel_loop3A_68 to %parallel_loop3A_69 step %parallel_loop3A_70  : i32 {
      %parallel_loop3A_81 = vector.broadcast %parallel_loop3A_80 : i32 to vector<16xi32>
      %parallel_loop3A_82 = arith.index_cast %parallel_loop3A_80 : i32 to index
      %parallel_loop3A_83 = arith.constant 0 : index
      %parallel_loop3A_84 = tpu.vector_load %arg8[%parallel_loop3A_82, %parallel_loop3A_83] {strides = array<i32>} : memref<256x26xf32, #tpu.memory_space<vmem>>, vector<16xf32>,
      %parallel_loop3A_85 = arith.cmpf olt, %gather3A_33, %parallel_loop3A_84 : vector<16xf32>
      %parallel_loop3A_86 = arith.constant 64 : i32
      %parallel_loop3A_87 = vector.broadcast %parallel_loop3A_86 : i32 to vector<16xi32>
      %parallel_loop3A_88 = arith.addi %mul3A_29, %parallel_loop3A_87 : vector<16xi32>
      %parallel_loop3A_89 = arith.select %parallel_loop3A_85, %parallel_loop3A_88, %mul3A_29 : vector<16xi1>, vector<16xi32>
      %parallel_loop3A_90 = arith.cmpf olt, %gather3A_33, %parallel_loop3A_84 : vector<16xf32>
      %parallel_loop3A_91 = arith.select %parallel_loop3A_90, %gather3A_41, %gather3A_37 : vector<16xi1>, vector<16xf32>
      %parallel_loop3A_92 = arith.cmpf olt, %parallel_loop3A_91, %parallel_loop3A_84 : vector<16xf32>
      %parallel_loop3A_93 = arith.constant 32 : i32
      %parallel_loop3A_94 = vector.broadcast %parallel_loop3A_93 : i32 to vector<16xi32>
      %parallel_loop3A_95 = arith.addi %parallel_loop3A_89, %parallel_loop3A_94 : vector<16xi32>
      %parallel_loop3A_96 = arith.select %parallel_loop3A_92, %parallel_loop3A_95, %parallel_loop3A_89 : vector<16xi1>, vector<16xi32>
      %parallel_loop3A_97 = arith.constant 15 : i32
      %parallel_loop3A_98 = vector.broadcast %parallel_loop3A_97 : i32 to vector<16xi32>
      %parallel_loop3A_99 = arith.addi %parallel_loop3A_96, %parallel_loop3A_98 : vector<16xi32>
      %parallel_loop3A_100 = tpu.vector_load_idx %arg14[%parallel_loop3A_99] : memref<3354xf32, #tpu.memory_space<vmem>>[vector<16xi32>], vector<16xf32>,
      %parallel_loop3A_101 = arith.cmpf olt, %parallel_loop3A_100, %parallel_loop3A_84 : vector<16xf32>
      %parallel_loop3A_102 = arith.constant 16 : i32
      %parallel_loop3A_103 = vector.broadcast %parallel_loop3A_102 : i32 to vector<16xi32>
      %parallel_loop3A_104 = arith.addi %parallel_loop3A_96, %parallel_loop3A_103 : vector<16xi32>
      %parallel_loop3A_105 = arith.select %parallel_loop3A_101, %parallel_loop3A_104, %parallel_loop3A_96 : vector<16xi1>, vector<16xi32>
      %parallel_loop3A_106 = arith.constant 7 : i32
      %parallel_loop3A_107 = vector.broadcast %parallel_loop3A_106 : i32 to vector<16xi32>
      %parallel_loop3A_108 = arith.addi %parallel_loop3A_105, %parallel_loop3A_107 : vector<16xi32>
      %parallel_loop3A_109 = tpu.vector_load_idx %arg14[%parallel_loop3A_108] : memref<3354xf32, #tpu.memory_space<vmem>>[vector<16xi32>], vector<16xf32>,
      %parallel_loop3A_110 = arith.cmpf olt, %parallel_loop3A_109, %parallel_loop3A_84 : vector<16xf32>
      %parallel_loop3A_111 = arith.constant 8 : i32
      %parallel_loop3A_112 = vector.broadcast %parallel_loop3A_111 : i32 to vector<16xi32>
      %parallel_loop3A_113 = arith.addi %parallel_loop3A_105, %parallel_loop3A_112 : vector<16xi32>
      %parallel_loop3A_114 = arith.select %parallel_loop3A_110, %parallel_loop3A_113, %parallel_loop3A_105 : vector<16xi1>, vector<16xi32>
      %parallel_loop3A_115 = arith.constant 3 : i32
      %parallel_loop3A_116 = vector.broadcast %parallel_loop3A_115 : i32 to vector<16xi32>
      %parallel_loop3A_117 = arith.addi %parallel_loop3A_114, %parallel_loop3A_116 : vector<16xi32>
      %parallel_loop3A_118 = tpu.vector_load_idx %arg14[%parallel_loop3A_117] : memref<3354xf32, #tpu.memory_space<vmem>>[vector<16xi32>], vector<16xf32>,
      %parallel_loop3A_119 = arith.cmpf olt, %parallel_loop3A_118, %parallel_loop3A_84 : vector<16xf32>
      %parallel_loop3A_120 = arith.constant 4 : i32
      %parallel_loop3A_121 = vector.broadcast %parallel_loop3A_120 : i32 to vector<16xi32>
      %parallel_loop3A_122 = arith.addi %parallel_loop3A_114, %parallel_loop3A_121 : vector<16xi32>
      %parallel_loop3A_123 = arith.select %parallel_loop3A_119, %parallel_loop3A_122, %parallel_loop3A_114 : vector<16xi1>, vector<16xi32>
      %parallel_loop3A_124 = arith.constant 1 : i32
      %parallel_loop3A_125 = vector.broadcast %parallel_loop3A_124 : i32 to vector<16xi32>
      %parallel_loop3A_126 = arith.addi %parallel_loop3A_123, %parallel_loop3A_125 : vector<16xi32>
      %parallel_loop3A_127 = tpu.vector_load_idx %arg14[%parallel_loop3A_126] : memref<3354xf32, #tpu.memory_space<vmem>>[vector<16xi32>], vector<16xf32>,
      %parallel_loop3A_128 = arith.cmpf olt, %parallel_loop3A_127, %parallel_loop3A_84 : vector<16xf32>
      %parallel_loop3A_129 = arith.constant 2 : i32
      %parallel_loop3A_130 = vector.broadcast %parallel_loop3A_129 : i32 to vector<16xi32>
      %parallel_loop3A_131 = arith.addi %parallel_loop3A_123, %parallel_loop3A_130 : vector<16xi32>
      %parallel_loop3A_132 = arith.select %parallel_loop3A_128, %parallel_loop3A_131, %parallel_loop3A_123 : vector<16xi1>, vector<16xi32>
      %parallel_loop3A_133 = arith.constant 0 : i32
      %parallel_loop3A_134 = vector.broadcast %parallel_loop3A_133 : i32 to vector<16xi32>
      %parallel_loop3A_135 = arith.addi %parallel_loop3A_132, %parallel_loop3A_134 : vector<16xi32>
      %parallel_loop3A_136 = tpu.vector_load_idx %arg14[%parallel_loop3A_135] : memref<3354xf32, #tpu.memory_space<vmem>>[vector<16xi32>], vector<16xf32>,
      %parallel_loop3A_137 = arith.cmpf olt, %parallel_loop3A_136, %parallel_loop3A_84 : vector<16xf32>
      %parallel_loop3A_138 = arith.constant 1 : i32
      %parallel_loop3A_139 = vector.broadcast %parallel_loop3A_138 : i32 to vector<16xi32>
      %parallel_loop3A_140 = arith.addi %parallel_loop3A_132, %parallel_loop3A_139 : vector<16xi32>
      %parallel_loop3A_141 = arith.select %parallel_loop3A_137, %parallel_loop3A_140, %parallel_loop3A_132 : vector<16xi1>, vector<16xi32>
      %parallel_loop3A_142 = arith.subi %parallel_loop3A_141, %mul3A_29 : vector<16xi32>
      %parallel_loop3A_143 = tpu.vector_load_idx %arg15[%parallel_loop3A_141] : memref<3354xf32, #tpu.memory_space<vmem>>[vector<16xi32>], vector<16xf32>,
      %parallel_loop3A_144 = tpu.vector_load_idx %arg16[%parallel_loop3A_141] : memref<3354xf32, #tpu.memory_space<vmem>>[vector<16xi32>], vector<16xf32>,
      %parallel_loop3A_145 = tpu.vector_load_idx %arg17[%parallel_loop3A_141] : memref<3354xf32, #tpu.memory_space<vmem>>[vector<16xi32>], vector<16xf32>,
      %parallel_loop3A_146 = arith.subf %parallel_loop3A_84, %parallel_loop3A_143 : vector<16xf32>
      %parallel_loop3A_147 = arith.mulf %parallel_loop3A_146, %parallel_loop3A_145 : vector<16xf32>
      %parallel_loop3A_148 = arith.addf %parallel_loop3A_144, %parallel_loop3A_147 : vector<16xf32>
      %parallel_loop3A_149 = arith.constant 0 : i32
      %parallel_loop3A_150 = vector.broadcast %parallel_loop3A_149 : i32 to vector<16xi32>
      %parallel_loop3A_151 = arith.cmpi eq, %parallel_loop3A_142, %parallel_loop3A_150 : vector<16xi32>
      %parallel_loop3A_152 = arith.cmpf olt, %parallel_loop3A_84, %parallel_loop3A_143 : vector<16xf32>
      %parallel_loop3A_153 = arith.andi %parallel_loop3A_151, %parallel_loop3A_152 : vector<16xi1>
      %parallel_loop3A_154 = arith.constant 99 : i32
      %parallel_loop3A_155 = vector.broadcast %parallel_loop3A_154 : i32 to vector<16xi32>
      %parallel_loop3A_156 = arith.cmpi eq, %parallel_loop3A_142, %parallel_loop3A_155 : vector<16xi32>
      %parallel_loop3A_157 = arith.cmpf ogt, %parallel_loop3A_84, %parallel_loop3A_143 : vector<16xf32>
      %parallel_loop3A_158 = arith.andi %parallel_loop3A_156, %parallel_loop3A_157 : vector<16xi1>
      %parallel_loop3A_159 = arith.subf %parallel_loop3A_84, %parallel_loop3A_143 : vector<16xf32>
      %parallel_loop3A_160 = math.absf %parallel_loop3A_159 : vector<16xf32>
      %parallel_loop3A_161 = arith.mulf %parallel_loop3A_160, %div3A_43 : vector<16xf32>
      %parallel_loop3A_162 = arith.constant -2.000000e+00 : f32
      %parallel_loop3A_163 = vector.broadcast %parallel_loop3A_162 : f32 to vector<16xf32>
      %parallel_loop3A_164 = arith.mulf %parallel_loop3A_163, %parallel_loop3A_161 : vector<16xf32>
      %parallel_loop3A_165 = math.exp %parallel_loop3A_164 : vector<16xf32>
      %parallel_loop3A_166 = arith.constant 1.000000e+00 : f32
      %parallel_loop3A_167 = vector.broadcast %parallel_loop3A_166 : f32 to vector<16xf32>
      %parallel_loop3A_168 = arith.subf %parallel_loop3A_167, %parallel_loop3A_165 : vector<16xf32>
      %parallel_loop3A_169 = arith.constant 1.000000e+00 : f32
      %parallel_loop3A_170 = vector.broadcast %parallel_loop3A_169 : f32 to vector<16xf32>
      %parallel_loop3A_171 = arith.addf %parallel_loop3A_170, %parallel_loop3A_165 : vector<16xf32>
      %parallel_loop3A_172 = arith.divf %parallel_loop3A_168, %parallel_loop3A_171 : vector<16xf32>
      %parallel_loop3A_173 = arith.mulf %parallel_loop3A_144, %parallel_loop3A_172 : vector<16xf32>
      %parallel_loop3A_174 = arith.subf %parallel_loop3A_144, %parallel_loop3A_173 : vector<16xf32>
      %parallel_loop3A_175 = arith.select %parallel_loop3A_153, %parallel_loop3A_174, %parallel_loop3A_148 : vector<16xi1>, vector<16xf32>
      %parallel_loop3A_176 = arith.constant 1.000000e+00 : f32
      %parallel_loop3A_177 = vector.broadcast %parallel_loop3A_176 : f32 to vector<16xf32>
      %parallel_loop3A_178 = arith.subf %parallel_loop3A_177, %parallel_loop3A_144 : vector<16xf32>
      %parallel_loop3A_179 = arith.mulf %parallel_loop3A_178, %parallel_loop3A_172 : vector<16xf32>
      %parallel_loop3A_180 = arith.addf %parallel_loop3A_144, %parallel_loop3A_179 : vector<16xf32>
      %parallel_loop3A_181 = arith.select %parallel_loop3A_158, %parallel_loop3A_180, %parallel_loop3A_175 : vector<16xi1>, vector<16xf32>
      %parallel_loop3A_182 = arith.index_cast %parallel_loop3A_80 : i32 to index
      %parallel_loop3A_183 = arith.constant 0 : index
      %parallel_loop3A_184 = tpu.vector_load %arg9[%parallel_loop3A_182, %parallel_loop3A_183] {strides = array<i32>} : memref<256x26xf32, #tpu.memory_space<vmem>>, vector<16xf32>,
      tpu.vector_store %arg9[%parallel_loop3A_182, %parallel_loop3A_183], %parallel_loop3A_181 {strides = array<i32>} : memref<256x26xf32, #tpu.memory_space<vmem>>, vector<16xf32>,
      %parallel_loop3A_185 = tpu.vector_load_idx %arg8[%parallel_loop3A_81, %select_n3A_25] : memref<256x26xf32, #tpu.memory_space<vmem>>[vector<16xi32>, vector<16xi32>], vector<16xf32>,
      %parallel_loop3A_186 = arith.cmpf olt, %gather3A_50, %parallel_loop3A_185 : vector<16xf32>
      %parallel_loop3A_187 = arith.constant 64 : i32
      %parallel_loop3A_188 = vector.broadcast %parallel_loop3A_187 : i32 to vector<16xi32>
      %parallel_loop3A_189 = arith.addi %mul3A_46, %parallel_loop3A_188 : vector<16xi32>
      %parallel_loop3A_190 = arith.select %parallel_loop3A_186, %parallel_loop3A_189, %mul3A_46 : vector<16xi1>, vector<16xi32>
      %parallel_loop3A_191 = arith.cmpf olt, %gather3A_50, %parallel_loop3A_185 : vector<16xf32>
      %parallel_loop3A_192 = arith.select %parallel_loop3A_191, %gather3A_58, %gather3A_54 : vector<16xi1>, vector<16xf32>
      %parallel_loop3A_193 = arith.cmpf olt, %parallel_loop3A_192, %parallel_loop3A_185 : vector<16xf32>
      %parallel_loop3A_194 = arith.constant 32 : i32
      %parallel_loop3A_195 = vector.broadcast %parallel_loop3A_194 : i32 to vector<16xi32>
      %parallel_loop3A_196 = arith.addi %parallel_loop3A_190, %parallel_loop3A_195 : vector<16xi32>
      %parallel_loop3A_197 = arith.select %parallel_loop3A_193, %parallel_loop3A_196, %parallel_loop3A_190 : vector<16xi1>, vector<16xi32>
      %parallel_loop3A_198 = arith.constant 15 : i32
      %parallel_loop3A_199 = vector.broadcast %parallel_loop3A_198 : i32 to vector<16xi32>
      %parallel_loop3A_200 = arith.addi %parallel_loop3A_197, %parallel_loop3A_199 : vector<16xi32>
      %parallel_loop3A_201 = tpu.vector_load_idx %arg14[%parallel_loop3A_200] : memref<3354xf32, #tpu.memory_space<vmem>>[vector<16xi32>], vector<16xf32>,
      %parallel_loop3A_202 = arith.cmpf olt, %parallel_loop3A_201, %parallel_loop3A_185 : vector<16xf32>
      %parallel_loop3A_203 = arith.constant 16 : i32
      %parallel_loop3A_204 = vector.broadcast %parallel_loop3A_203 : i32 to vector<16xi32>
      %parallel_loop3A_205 = arith.addi %parallel_loop3A_197, %parallel_loop3A_204 : vector<16xi32>
      %parallel_loop3A_206 = arith.select %parallel_loop3A_202, %parallel_loop3A_205, %parallel_loop3A_197 : vector<16xi1>, vector<16xi32>
      %parallel_loop3A_207 = arith.constant 7 : i32
      %parallel_loop3A_208 = vector.broadcast %parallel_loop3A_207 : i32 to vector<16xi32>
      %parallel_loop3A_209 = arith.addi %parallel_loop3A_206, %parallel_loop3A_208 : vector<16xi32>
      %parallel_loop3A_210 = tpu.vector_load_idx %arg14[%parallel_loop3A_209] : memref<3354xf32, #tpu.memory_space<vmem>>[vector<16xi32>], vector<16xf32>,
      %parallel_loop3A_211 = arith.cmpf olt, %parallel_loop3A_210, %parallel_loop3A_185 : vector<16xf32>
      %parallel_loop3A_212 = arith.constant 8 : i32
      %parallel_loop3A_213 = vector.broadcast %parallel_loop3A_212 : i32 to vector<16xi32>
      %parallel_loop3A_214 = arith.addi %parallel_loop3A_206, %parallel_loop3A_213 : vector<16xi32>
      %parallel_loop3A_215 = arith.select %parallel_loop3A_211, %parallel_loop3A_214, %parallel_loop3A_206 : vector<16xi1>, vector<16xi32>
      %parallel_loop3A_216 = arith.constant 3 : i32
      %parallel_loop3A_217 = vector.broadcast %parallel_loop3A_216 : i32 to vector<16xi32>
      %parallel_loop3A_218 = arith.addi %parallel_loop3A_215, %parallel_loop3A_217 : vector<16xi32>
      %parallel_loop3A_219 = tpu.vector_load_idx %arg14[%parallel_loop3A_218] : memref<3354xf32, #tpu.memory_space<vmem>>[vector<16xi32>], vector<16xf32>,
      %parallel_loop3A_220 = arith.cmpf olt, %parallel_loop3A_219, %parallel_loop3A_185 : vector<16xf32>
      %parallel_loop3A_221 = arith.constant 4 : i32
      %parallel_loop3A_222 = vector.broadcast %parallel_loop3A_221 : i32 to vector<16xi32>
      %parallel_loop3A_223 = arith.addi %parallel_loop3A_215, %parallel_loop3A_222 : vector<16xi32>
      %parallel_loop3A_224 = arith.select %parallel_loop3A_220, %parallel_loop3A_223, %parallel_loop3A_215 : vector<16xi1>, vector<16xi32>
      %parallel_loop3A_225 = arith.constant 1 : i32
      %parallel_loop3A_226 = vector.broadcast %parallel_loop3A_225 : i32 to vector<16xi32>
      %parallel_loop3A_227 = arith.addi %parallel_loop3A_224, %parallel_loop3A_226 : vector<16xi32>
      %parallel_loop3A_228 = tpu.vector_load_idx %arg14[%parallel_loop3A_227] : memref<3354xf32, #tpu.memory_space<vmem>>[vector<16xi32>], vector<16xf32>,
      %parallel_loop3A_229 = arith.cmpf olt, %parallel_loop3A_228, %parallel_loop3A_185 : vector<16xf32>
      %parallel_loop3A_230 = arith.constant 2 : i32
      %parallel_loop3A_231 = vector.broadcast %parallel_loop3A_230 : i32 to vector<16xi32>
      %parallel_loop3A_232 = arith.addi %parallel_loop3A_224, %parallel_loop3A_231 : vector<16xi32>
      %parallel_loop3A_233 = arith.select %parallel_loop3A_229, %parallel_loop3A_232, %parallel_loop3A_224 : vector<16xi1>, vector<16xi32>
      %parallel_loop3A_234 = arith.constant 0 : i32
      %parallel_loop3A_235 = vector.broadcast %parallel_loop3A_234 : i32 to vector<16xi32>
      %parallel_loop3A_236 = arith.addi %parallel_loop3A_233, %parallel_loop3A_235 : vector<16xi32>
      %parallel_loop3A_237 = tpu.vector_load_idx %arg14[%parallel_loop3A_236] : memref<3354xf32, #tpu.memory_space<vmem>>[vector<16xi32>], vector<16xf32>,
      %parallel_loop3A_238 = arith.cmpf olt, %parallel_loop3A_237, %parallel_loop3A_185 : vector<16xf32>
      %parallel_loop3A_239 = arith.constant 1 : i32
      %parallel_loop3A_240 = vector.broadcast %parallel_loop3A_239 : i32 to vector<16xi32>
      %parallel_loop3A_241 = arith.addi %parallel_loop3A_233, %parallel_loop3A_240 : vector<16xi32>
      %parallel_loop3A_242 = arith.select %parallel_loop3A_238, %parallel_loop3A_241, %parallel_loop3A_233 : vector<16xi1>, vector<16xi32>
      %parallel_loop3A_243 = arith.subi %parallel_loop3A_242, %mul3A_46 : vector<16xi32>
      %parallel_loop3A_244 = tpu.vector_load_idx %arg15[%parallel_loop3A_242] : memref<3354xf32, #tpu.memory_space<vmem>>[vector<16xi32>], vector<16xf32>,
      %parallel_loop3A_245 = tpu.vector_load_idx %arg16[%parallel_loop3A_242] : memref<3354xf32, #tpu.memory_space<vmem>>[vector<16xi32>], vector<16xf32>,
      %parallel_loop3A_246 = tpu.vector_load_idx %arg17[%parallel_loop3A_242] : memref<3354xf32, #tpu.memory_space<vmem>>[vector<16xi32>], vector<16xf32>,
      %parallel_loop3A_247 = arith.subf %parallel_loop3A_185, %parallel_loop3A_244 : vector<16xf32>
      %parallel_loop3A_248 = arith.mulf %parallel_loop3A_247, %parallel_loop3A_246 : vector<16xf32>
      %parallel_loop3A_249 = arith.addf %parallel_loop3A_245, %parallel_loop3A_248 : vector<16xf32>
      %parallel_loop3A_250 = arith.constant 0 : i32
      %parallel_loop3A_251 = vector.broadcast %parallel_loop3A_250 : i32 to vector<16xi32>
      %parallel_loop3A_252 = arith.cmpi eq, %parallel_loop3A_243, %parallel_loop3A_251 : vector<16xi32>
      %parallel_loop3A_253 = arith.cmpf olt, %parallel_loop3A_185, %parallel_loop3A_244 : vector<16xf32>
      %parallel_loop3A_254 = arith.andi %parallel_loop3A_252, %parallel_loop3A_253 : vector<16xi1>
      %parallel_loop3A_255 = arith.constant 99 : i32
      %parallel_loop3A_256 = vector.broadcast %parallel_loop3A_255 : i32 to vector<16xi32>
      %parallel_loop3A_257 = arith.cmpi eq, %parallel_loop3A_243, %parallel_loop3A_256 : vector<16xi32>
      %parallel_loop3A_258 = arith.cmpf ogt, %parallel_loop3A_185, %parallel_loop3A_244 : vector<16xf32>
      %parallel_loop3A_259 = arith.andi %parallel_loop3A_257, %parallel_loop3A_258 : vector<16xi1>
      %parallel_loop3A_260 = arith.subf %parallel_loop3A_185, %parallel_loop3A_244 : vector<16xf32>
      %parallel_loop3A_261 = math.absf %parallel_loop3A_260 : vector<16xf32>
      %parallel_loop3A_262 = arith.mulf %parallel_loop3A_261, %div3A_61 : vector<16xf32>
      %parallel_loop3A_263 = arith.constant -2.000000e+00 : f32
      %parallel_loop3A_264 = vector.broadcast %parallel_loop3A_263 : f32 to vector<16xf32>
      %parallel_loop3A_265 = arith.mulf %parallel_loop3A_264, %parallel_loop3A_262 : vector<16xf32>
      %parallel_loop3A_266 = math.exp %parallel_loop3A_265 : vector<16xf32>
      %parallel_loop3A_267 = arith.constant 1.000000e+00 : f32
      %parallel_loop3A_268 = vector.broadcast %parallel_loop3A_267 : f32 to vector<16xf32>
      %parallel_loop3A_269 = arith.subf %parallel_loop3A_268, %parallel_loop3A_266 : vector<16xf32>
      %parallel_loop3A_270 = arith.constant 1.000000e+00 : f32
      %parallel_loop3A_271 = vector.broadcast %parallel_loop3A_270 : f32 to vector<16xf32>
      %parallel_loop3A_272 = arith.addf %parallel_loop3A_271, %parallel_loop3A_266 : vector<16xf32>
      %parallel_loop3A_273 = arith.divf %parallel_loop3A_269, %parallel_loop3A_272 : vector<16xf32>
      %parallel_loop3A_274 = arith.mulf %parallel_loop3A_245, %parallel_loop3A_273 : vector<16xf32>
      %parallel_loop3A_275 = arith.subf %parallel_loop3A_245, %parallel_loop3A_274 : vector<16xf32>
      %parallel_loop3A_276 = arith.select %parallel_loop3A_254, %parallel_loop3A_275, %parallel_loop3A_249 : vector<16xi1>, vector<16xf32>
      %parallel_loop3A_277 = arith.constant 1.000000e+00 : f32
      %parallel_loop3A_278 = vector.broadcast %parallel_loop3A_277 : f32 to vector<16xf32>
      %parallel_loop3A_279 = arith.subf %parallel_loop3A_278, %parallel_loop3A_245 : vector<16xf32>
      %parallel_loop3A_280 = arith.mulf %parallel_loop3A_279, %parallel_loop3A_273 : vector<16xf32>
      %parallel_loop3A_281 = arith.addf %parallel_loop3A_245, %parallel_loop3A_280 : vector<16xf32>
      %parallel_loop3A_282 = arith.select %parallel_loop3A_259, %parallel_loop3A_281, %parallel_loop3A_276 : vector<16xi1>, vector<16xf32>
      tpu.vector_store_idx %arg9[%parallel_loop3A_81, %select_n3A_25], %parallel_loop3A_282 masked %lt3A_64 : memref<256x26xf32, #tpu.memory_space<vmem>>[vector<16xi32>, vector<16xi32>], vector<16xf32>, vector<16xi1>
    } {sc.loop_unroll_factor = 4 : i64, sc.parallel_access}
    %add3A_71 = arith.constant 0 : i32
    %add3A_72 = arith.addi %mul3A_2, %add3A_71 : i32
    "tpu.region"() ({
      %run_scoped3A = tpu.sem_alloc : memref<!tpu.dma_semaphore, #tpu.memory_space<semaphore_mem>>
      %dma_start3A_80 = arith.constant 0 : i32
      %dma_start3A_81 = tpu.memref_slice %arg7[%add3A_72, %dma_start3A_80] : memref<16384x26xf32, #tpu.memory_space<hbm>> -> memref<256x26xf32, #tpu.memory_space<hbm>>
      %dma_start3A_82 = arith.constant 0 : i32
      %dma_start3A_83 = tpu.memref_slice %arg7[%add3A_72, %dma_start3A_82] : memref<16384x26xf32, #tpu.memory_space<hbm>> -> memref<256x26xf32, #tpu.memory_space<hbm>>
      tpu.enqueue_dma source(%arg9 : memref<256x26xf32, #tpu.memory_space<vmem>>) target(%dma_start3A_83 : memref<256x26xf32, #tpu.memory_space<hbm>>) target_semaphore(%run_scoped3A : memref<!tpu.dma_semaphore, #tpu.memory_space<semaphore_mem>>)
      %dma_wait3A_84 = arith.constant 0 : i32
      %dma_wait3A_85 = tpu.memref_slice %arg7[%add3A_72, %dma_wait3A_84] : memref<16384x26xf32, #tpu.memory_space<hbm>> -> memref<256x26xf32, #tpu.memory_space<hbm>>
      %dma_wait3A_86 = arith.constant 0 : i32
      %dma_wait3A_87 = tpu.memref_slice %arg7[%add3A_72, %dma_wait3A_86] : memref<16384x26xf32, #tpu.memory_space<hbm>> -> memref<256x26xf32, #tpu.memory_space<hbm>>
      tpu.wait_dma2 semaphore(%run_scoped3A : memref<!tpu.dma_semaphore, #tpu.memory_space<semaphore_mem>>) src(%arg9 : memref<256x26xf32, #tpu.memory_space<vmem>>) dst(%dma_wait3A_87 : memref<256x26xf32, #tpu.memory_space<hbm>>)
      tpu.yield
    }) : () -> ()
    %add3A_73 = arith.constant 256 : i32
    %add3A_74 = arith.addi %mul3A_2, %add3A_73 : i32
    "tpu.region"() ({
      %run_scoped3A = tpu.sem_alloc : memref<!tpu.dma_semaphore, #tpu.memory_space<semaphore_mem>>
      %dma_start3A_80 = arith.constant 0 : i32
      %dma_start3A_81 = tpu.memref_slice %arg2[%add3A_74, %dma_start3A_80] : memref<16384x26xf32, #tpu.memory_space<hbm>> -> memref<256x26xf32, #tpu.memory_space<hbm>>
      %dma_start3A_82 = arith.constant 0 : i32
      %dma_start3A_83 = tpu.memref_slice %arg2[%add3A_74, %dma_start3A_82] : memref<16384x26xf32, #tpu.memory_space<hbm>> -> memref<256x26xf32, #tpu.memory_space<hbm>>
      tpu.enqueue_dma source(%dma_start3A_83 : memref<256x26xf32, #tpu.memory_space<hbm>>) target(%arg8 : memref<256x26xf32, #tpu.memory_space<vmem>>) target_semaphore(%run_scoped3A : memref<!tpu.dma_semaphore, #tpu.memory_space<semaphore_mem>>)
      %dma_wait3A_84 = arith.constant 0 : i32
      %dma_wait3A_85 = tpu.memref_slice %arg2[%add3A_74, %dma_wait3A_84] : memref<16384x26xf32, #tpu.memory_space<hbm>> -> memref<256x26xf32, #tpu.memory_space<hbm>>
      %dma_wait3A_86 = arith.constant 0 : i32
      %dma_wait3A_87 = tpu.memref_slice %arg2[%add3A_74, %dma_wait3A_86] : memref<16384x26xf32, #tpu.memory_space<hbm>> -> memref<256x26xf32, #tpu.memory_space<hbm>>
      tpu.wait_dma2 semaphore(%run_scoped3A : memref<!tpu.dma_semaphore, #tpu.memory_space<semaphore_mem>>) src(%dma_wait3A_87 : memref<256x26xf32, #tpu.memory_space<hbm>>) dst(%arg8 : memref<256x26xf32, #tpu.memory_space<vmem>>)
      tpu.yield
    }) : () -> ()
    %parallel_loop3A_75 = arith.constant 0 : i32
    %parallel_loop3A_76 = arith.constant 256 : i32
    %parallel_loop3A_77 = arith.constant 1 : i32
    scf.for %parallel_loop3A_80 = %parallel_loop3A_75 to %parallel_loop3A_76 step %parallel_loop3A_77  : i32 {
      %parallel_loop3A_81 = vector.broadcast %parallel_loop3A_80 : i32 to vector<16xi32>
      %parallel_loop3A_82 = arith.index_cast %parallel_loop3A_80 : i32 to index
      %parallel_loop3A_83 = arith.constant 0 : index
      %parallel_loop3A_84 = tpu.vector_load %arg8[%parallel_loop3A_82, %parallel_loop3A_83] {strides = array<i32>} : memref<256x26xf32, #tpu.memory_space<vmem>>, vector<16xf32>,
      %parallel_loop3A_85 = arith.cmpf olt, %gather3A_33, %parallel_loop3A_84 : vector<16xf32>
      %parallel_loop3A_86 = arith.constant 64 : i32
      %parallel_loop3A_87 = vector.broadcast %parallel_loop3A_86 : i32 to vector<16xi32>
      %parallel_loop3A_88 = arith.addi %mul3A_29, %parallel_loop3A_87 : vector<16xi32>
      %parallel_loop3A_89 = arith.select %parallel_loop3A_85, %parallel_loop3A_88, %mul3A_29 : vector<16xi1>, vector<16xi32>
      %parallel_loop3A_90 = arith.cmpf olt, %gather3A_33, %parallel_loop3A_84 : vector<16xf32>
      %parallel_loop3A_91 = arith.select %parallel_loop3A_90, %gather3A_41, %gather3A_37 : vector<16xi1>, vector<16xf32>
      %parallel_loop3A_92 = arith.cmpf olt, %parallel_loop3A_91, %parallel_loop3A_84 : vector<16xf32>
      %parallel_loop3A_93 = arith.constant 32 : i32
      %parallel_loop3A_94 = vector.broadcast %parallel_loop3A_93 : i32 to vector<16xi32>
      %parallel_loop3A_95 = arith.addi %parallel_loop3A_89, %parallel_loop3A_94 : vector<16xi32>
      %parallel_loop3A_96 = arith.select %parallel_loop3A_92, %parallel_loop3A_95, %parallel_loop3A_89 : vector<16xi1>, vector<16xi32>
      %parallel_loop3A_97 = arith.constant 15 : i32
      %parallel_loop3A_98 = vector.broadcast %parallel_loop3A_97 : i32 to vector<16xi32>
      %parallel_loop3A_99 = arith.addi %parallel_loop3A_96, %parallel_loop3A_98 : vector<16xi32>
      %parallel_loop3A_100 = tpu.vector_load_idx %arg14[%parallel_loop3A_99] : memref<3354xf32, #tpu.memory_space<vmem>>[vector<16xi32>], vector<16xf32>,
      %parallel_loop3A_101 = arith.cmpf olt, %parallel_loop3A_100, %parallel_loop3A_84 : vector<16xf32>
      %parallel_loop3A_102 = arith.constant 16 : i32
      %parallel_loop3A_103 = vector.broadcast %parallel_loop3A_102 : i32 to vector<16xi32>
      %parallel_loop3A_104 = arith.addi %parallel_loop3A_96, %parallel_loop3A_103 : vector<16xi32>
      %parallel_loop3A_105 = arith.select %parallel_loop3A_101, %parallel_loop3A_104, %parallel_loop3A_96 : vector<16xi1>, vector<16xi32>
      %parallel_loop3A_106 = arith.constant 7 : i32
      %parallel_loop3A_107 = vector.broadcast %parallel_loop3A_106 : i32 to vector<16xi32>
      %parallel_loop3A_108 = arith.addi %parallel_loop3A_105, %parallel_loop3A_107 : vector<16xi32>
      %parallel_loop3A_109 = tpu.vector_load_idx %arg14[%parallel_loop3A_108] : memref<3354xf32, #tpu.memory_space<vmem>>[vector<16xi32>], vector<16xf32>,
      %parallel_loop3A_110 = arith.cmpf olt, %parallel_loop3A_109, %parallel_loop3A_84 : vector<16xf32>
      %parallel_loop3A_111 = arith.constant 8 : i32
      %parallel_loop3A_112 = vector.broadcast %parallel_loop3A_111 : i32 to vector<16xi32>
      %parallel_loop3A_113 = arith.addi %parallel_loop3A_105, %parallel_loop3A_112 : vector<16xi32>
      %parallel_loop3A_114 = arith.select %parallel_loop3A_110, %parallel_loop3A_113, %parallel_loop3A_105 : vector<16xi1>, vector<16xi32>
      %parallel_loop3A_115 = arith.constant 3 : i32
      %parallel_loop3A_116 = vector.broadcast %parallel_loop3A_115 : i32 to vector<16xi32>
      %parallel_loop3A_117 = arith.addi %parallel_loop3A_114, %parallel_loop3A_116 : vector<16xi32>
      %parallel_loop3A_118 = tpu.vector_load_idx %arg14[%parallel_loop3A_117] : memref<3354xf32, #tpu.memory_space<vmem>>[vector<16xi32>], vector<16xf32>,
      %parallel_loop3A_119 = arith.cmpf olt, %parallel_loop3A_118, %parallel_loop3A_84 : vector<16xf32>
      %parallel_loop3A_120 = arith.constant 4 : i32
      %parallel_loop3A_121 = vector.broadcast %parallel_loop3A_120 : i32 to vector<16xi32>
      %parallel_loop3A_122 = arith.addi %parallel_loop3A_114, %parallel_loop3A_121 : vector<16xi32>
      %parallel_loop3A_123 = arith.select %parallel_loop3A_119, %parallel_loop3A_122, %parallel_loop3A_114 : vector<16xi1>, vector<16xi32>
      %parallel_loop3A_124 = arith.constant 1 : i32
      %parallel_loop3A_125 = vector.broadcast %parallel_loop3A_124 : i32 to vector<16xi32>
      %parallel_loop3A_126 = arith.addi %parallel_loop3A_123, %parallel_loop3A_125 : vector<16xi32>
      %parallel_loop3A_127 = tpu.vector_load_idx %arg14[%parallel_loop3A_126] : memref<3354xf32, #tpu.memory_space<vmem>>[vector<16xi32>], vector<16xf32>,
      %parallel_loop3A_128 = arith.cmpf olt, %parallel_loop3A_127, %parallel_loop3A_84 : vector<16xf32>
      %parallel_loop3A_129 = arith.constant 2 : i32
      %parallel_loop3A_130 = vector.broadcast %parallel_loop3A_129 : i32 to vector<16xi32>
      %parallel_loop3A_131 = arith.addi %parallel_loop3A_123, %parallel_loop3A_130 : vector<16xi32>
      %parallel_loop3A_132 = arith.select %parallel_loop3A_128, %parallel_loop3A_131, %parallel_loop3A_123 : vector<16xi1>, vector<16xi32>
      %parallel_loop3A_133 = arith.constant 0 : i32
      %parallel_loop3A_134 = vector.broadcast %parallel_loop3A_133 : i32 to vector<16xi32>
      %parallel_loop3A_135 = arith.addi %parallel_loop3A_132, %parallel_loop3A_134 : vector<16xi32>
      %parallel_loop3A_136 = tpu.vector_load_idx %arg14[%parallel_loop3A_135] : memref<3354xf32, #tpu.memory_space<vmem>>[vector<16xi32>], vector<16xf32>,
      %parallel_loop3A_137 = arith.cmpf olt, %parallel_loop3A_136, %parallel_loop3A_84 : vector<16xf32>
      %parallel_loop3A_138 = arith.constant 1 : i32
      %parallel_loop3A_139 = vector.broadcast %parallel_loop3A_138 : i32 to vector<16xi32>
      %parallel_loop3A_140 = arith.addi %parallel_loop3A_132, %parallel_loop3A_139 : vector<16xi32>
      %parallel_loop3A_141 = arith.select %parallel_loop3A_137, %parallel_loop3A_140, %parallel_loop3A_132 : vector<16xi1>, vector<16xi32>
      %parallel_loop3A_142 = arith.subi %parallel_loop3A_141, %mul3A_29 : vector<16xi32>
      %parallel_loop3A_143 = tpu.vector_load_idx %arg15[%parallel_loop3A_141] : memref<3354xf32, #tpu.memory_space<vmem>>[vector<16xi32>], vector<16xf32>,
      %parallel_loop3A_144 = tpu.vector_load_idx %arg16[%parallel_loop3A_141] : memref<3354xf32, #tpu.memory_space<vmem>>[vector<16xi32>], vector<16xf32>,
      %parallel_loop3A_145 = tpu.vector_load_idx %arg17[%parallel_loop3A_141] : memref<3354xf32, #tpu.memory_space<vmem>>[vector<16xi32>], vector<16xf32>,
      %parallel_loop3A_146 = arith.subf %parallel_loop3A_84, %parallel_loop3A_143 : vector<16xf32>
      %parallel_loop3A_147 = arith.mulf %parallel_loop3A_146, %parallel_loop3A_145 : vector<16xf32>
      %parallel_loop3A_148 = arith.addf %parallel_loop3A_144, %parallel_loop3A_147 : vector<16xf32>
      %parallel_loop3A_149 = arith.constant 0 : i32
      %parallel_loop3A_150 = vector.broadcast %parallel_loop3A_149 : i32 to vector<16xi32>
      %parallel_loop3A_151 = arith.cmpi eq, %parallel_loop3A_142, %parallel_loop3A_150 : vector<16xi32>
      %parallel_loop3A_152 = arith.cmpf olt, %parallel_loop3A_84, %parallel_loop3A_143 : vector<16xf32>
      %parallel_loop3A_153 = arith.andi %parallel_loop3A_151, %parallel_loop3A_152 : vector<16xi1>
      %parallel_loop3A_154 = arith.constant 99 : i32
      %parallel_loop3A_155 = vector.broadcast %parallel_loop3A_154 : i32 to vector<16xi32>
      %parallel_loop3A_156 = arith.cmpi eq, %parallel_loop3A_142, %parallel_loop3A_155 : vector<16xi32>
      %parallel_loop3A_157 = arith.cmpf ogt, %parallel_loop3A_84, %parallel_loop3A_143 : vector<16xf32>
      %parallel_loop3A_158 = arith.andi %parallel_loop3A_156, %parallel_loop3A_157 : vector<16xi1>
      %parallel_loop3A_159 = arith.subf %parallel_loop3A_84, %parallel_loop3A_143 : vector<16xf32>
      %parallel_loop3A_160 = math.absf %parallel_loop3A_159 : vector<16xf32>
      %parallel_loop3A_161 = arith.mulf %parallel_loop3A_160, %div3A_43 : vector<16xf32>
      %parallel_loop3A_162 = arith.constant -2.000000e+00 : f32
      %parallel_loop3A_163 = vector.broadcast %parallel_loop3A_162 : f32 to vector<16xf32>
      %parallel_loop3A_164 = arith.mulf %parallel_loop3A_163, %parallel_loop3A_161 : vector<16xf32>
      %parallel_loop3A_165 = math.exp %parallel_loop3A_164 : vector<16xf32>
      %parallel_loop3A_166 = arith.constant 1.000000e+00 : f32
      %parallel_loop3A_167 = vector.broadcast %parallel_loop3A_166 : f32 to vector<16xf32>
      %parallel_loop3A_168 = arith.subf %parallel_loop3A_167, %parallel_loop3A_165 : vector<16xf32>
      %parallel_loop3A_169 = arith.constant 1.000000e+00 : f32
      %parallel_loop3A_170 = vector.broadcast %parallel_loop3A_169 : f32 to vector<16xf32>
      %parallel_loop3A_171 = arith.addf %parallel_loop3A_170, %parallel_loop3A_165 : vector<16xf32>
      %parallel_loop3A_172 = arith.divf %parallel_loop3A_168, %parallel_loop3A_171 : vector<16xf32>
      %parallel_loop3A_173 = arith.mulf %parallel_loop3A_144, %parallel_loop3A_172 : vector<16xf32>
      %parallel_loop3A_174 = arith.subf %parallel_loop3A_144, %parallel_loop3A_173 : vector<16xf32>
      %parallel_loop3A_175 = arith.select %parallel_loop3A_153, %parallel_loop3A_174, %parallel_loop3A_148 : vector<16xi1>, vector<16xf32>
      %parallel_loop3A_176 = arith.constant 1.000000e+00 : f32
      %parallel_loop3A_177 = vector.broadcast %parallel_loop3A_176 : f32 to vector<16xf32>
      %parallel_loop3A_178 = arith.subf %parallel_loop3A_177, %parallel_loop3A_144 : vector<16xf32>
      %parallel_loop3A_179 = arith.mulf %parallel_loop3A_178, %parallel_loop3A_172 : vector<16xf32>
      %parallel_loop3A_180 = arith.addf %parallel_loop3A_144, %parallel_loop3A_179 : vector<16xf32>
      %parallel_loop3A_181 = arith.select %parallel_loop3A_158, %parallel_loop3A_180, %parallel_loop3A_175 : vector<16xi1>, vector<16xf32>
      %parallel_loop3A_182 = arith.index_cast %parallel_loop3A_80 : i32 to index
      %parallel_loop3A_183 = arith.constant 0 : index
      %parallel_loop3A_184 = tpu.vector_load %arg9[%parallel_loop3A_182, %parallel_loop3A_183] {strides = array<i32>} : memref<256x26xf32, #tpu.memory_space<vmem>>, vector<16xf32>,
      tpu.vector_store %arg9[%parallel_loop3A_182, %parallel_loop3A_183], %parallel_loop3A_181 {strides = array<i32>} : memref<256x26xf32, #tpu.memory_space<vmem>>, vector<16xf32>,
      %parallel_loop3A_185 = tpu.vector_load_idx %arg8[%parallel_loop3A_81, %select_n3A_25] : memref<256x26xf32, #tpu.memory_space<vmem>>[vector<16xi32>, vector<16xi32>], vector<16xf32>,
      %parallel_loop3A_186 = arith.cmpf olt, %gather3A_50, %parallel_loop3A_185 : vector<16xf32>
      %parallel_loop3A_187 = arith.constant 64 : i32
      %parallel_loop3A_188 = vector.broadcast %parallel_loop3A_187 : i32 to vector<16xi32>
      %parallel_loop3A_189 = arith.addi %mul3A_46, %parallel_loop3A_188 : vector<16xi32>
      %parallel_loop3A_190 = arith.select %parallel_loop3A_186, %parallel_loop3A_189, %mul3A_46 : vector<16xi1>, vector<16xi32>
      %parallel_loop3A_191 = arith.cmpf olt, %gather3A_50, %parallel_loop3A_185 : vector<16xf32>
      %parallel_loop3A_192 = arith.select %parallel_loop3A_191, %gather3A_58, %gather3A_54 : vector<16xi1>, vector<16xf32>
      %parallel_loop3A_193 = arith.cmpf olt, %parallel_loop3A_192, %parallel_loop3A_185 : vector<16xf32>
      %parallel_loop3A_194 = arith.constant 32 : i32
      %parallel_loop3A_195 = vector.broadcast %parallel_loop3A_194 : i32 to vector<16xi32>
      %parallel_loop3A_196 = arith.addi %parallel_loop3A_190, %parallel_loop3A_195 : vector<16xi32>
      %parallel_loop3A_197 = arith.select %parallel_loop3A_193, %parallel_loop3A_196, %parallel_loop3A_190 : vector<16xi1>, vector<16xi32>
      %parallel_loop3A_198 = arith.constant 15 : i32
      %parallel_loop3A_199 = vector.broadcast %parallel_loop3A_198 : i32 to vector<16xi32>
      %parallel_loop3A_200 = arith.addi %parallel_loop3A_197, %parallel_loop3A_199 : vector<16xi32>
      %parallel_loop3A_201 = tpu.vector_load_idx %arg14[%parallel_loop3A_200] : memref<3354xf32, #tpu.memory_space<vmem>>[vector<16xi32>], vector<16xf32>,
      %parallel_loop3A_202 = arith.cmpf olt, %parallel_loop3A_201, %parallel_loop3A_185 : vector<16xf32>
      %parallel_loop3A_203 = arith.constant 16 : i32
      %parallel_loop3A_204 = vector.broadcast %parallel_loop3A_203 : i32 to vector<16xi32>
      %parallel_loop3A_205 = arith.addi %parallel_loop3A_197, %parallel_loop3A_204 : vector<16xi32>
      %parallel_loop3A_206 = arith.select %parallel_loop3A_202, %parallel_loop3A_205, %parallel_loop3A_197 : vector<16xi1>, vector<16xi32>
      %parallel_loop3A_207 = arith.constant 7 : i32
      %parallel_loop3A_208 = vector.broadcast %parallel_loop3A_207 : i32 to vector<16xi32>
      %parallel_loop3A_209 = arith.addi %parallel_loop3A_206, %parallel_loop3A_208 : vector<16xi32>
      %parallel_loop3A_210 = tpu.vector_load_idx %arg14[%parallel_loop3A_209] : memref<3354xf32, #tpu.memory_space<vmem>>[vector<16xi32>], vector<16xf32>,
      %parallel_loop3A_211 = arith.cmpf olt, %parallel_loop3A_210, %parallel_loop3A_185 : vector<16xf32>
      %parallel_loop3A_212 = arith.constant 8 : i32
      %parallel_loop3A_213 = vector.broadcast %parallel_loop3A_212 : i32 to vector<16xi32>
      %parallel_loop3A_214 = arith.addi %parallel_loop3A_206, %parallel_loop3A_213 : vector<16xi32>
      %parallel_loop3A_215 = arith.select %parallel_loop3A_211, %parallel_loop3A_214, %parallel_loop3A_206 : vector<16xi1>, vector<16xi32>
      %parallel_loop3A_216 = arith.constant 3 : i32
      %parallel_loop3A_217 = vector.broadcast %parallel_loop3A_216 : i32 to vector<16xi32>
      %parallel_loop3A_218 = arith.addi %parallel_loop3A_215, %parallel_loop3A_217 : vector<16xi32>
      %parallel_loop3A_219 = tpu.vector_load_idx %arg14[%parallel_loop3A_218] : memref<3354xf32, #tpu.memory_space<vmem>>[vector<16xi32>], vector<16xf32>,
      %parallel_loop3A_220 = arith.cmpf olt, %parallel_loop3A_219, %parallel_loop3A_185 : vector<16xf32>
      %parallel_loop3A_221 = arith.constant 4 : i32
      %parallel_loop3A_222 = vector.broadcast %parallel_loop3A_221 : i32 to vector<16xi32>
      %parallel_loop3A_223 = arith.addi %parallel_loop3A_215, %parallel_loop3A_222 : vector<16xi32>
      %parallel_loop3A_224 = arith.select %parallel_loop3A_220, %parallel_loop3A_223, %parallel_loop3A_215 : vector<16xi1>, vector<16xi32>
      %parallel_loop3A_225 = arith.constant 1 : i32
      %parallel_loop3A_226 = vector.broadcast %parallel_loop3A_225 : i32 to vector<16xi32>
      %parallel_loop3A_227 = arith.addi %parallel_loop3A_224, %parallel_loop3A_226 : vector<16xi32>
      %parallel_loop3A_228 = tpu.vector_load_idx %arg14[%parallel_loop3A_227] : memref<3354xf32, #tpu.memory_space<vmem>>[vector<16xi32>], vector<16xf32>,
      %parallel_loop3A_229 = arith.cmpf olt, %parallel_loop3A_228, %parallel_loop3A_185 : vector<16xf32>
      %parallel_loop3A_230 = arith.constant 2 : i32
      %parallel_loop3A_231 = vector.broadcast %parallel_loop3A_230 : i32 to vector<16xi32>
      %parallel_loop3A_232 = arith.addi %parallel_loop3A_224, %parallel_loop3A_231 : vector<16xi32>
      %parallel_loop3A_233 = arith.select %parallel_loop3A_229, %parallel_loop3A_232, %parallel_loop3A_224 : vector<16xi1>, vector<16xi32>
      %parallel_loop3A_234 = arith.constant 0 : i32
      %parallel_loop3A_235 = vector.broadcast %parallel_loop3A_234 : i32 to vector<16xi32>
      %parallel_loop3A_236 = arith.addi %parallel_loop3A_233, %parallel_loop3A_235 : vector<16xi32>
      %parallel_loop3A_237 = tpu.vector_load_idx %arg14[%parallel_loop3A_236] : memref<3354xf32, #tpu.memory_space<vmem>>[vector<16xi32>], vector<16xf32>,
      %parallel_loop3A_238 = arith.cmpf olt, %parallel_loop3A_237, %parallel_loop3A_185 : vector<16xf32>
      %parallel_loop3A_239 = arith.constant 1 : i32
      %parallel_loop3A_240 = vector.broadcast %parallel_loop3A_239 : i32 to vector<16xi32>
      %parallel_loop3A_241 = arith.addi %parallel_loop3A_233, %parallel_loop3A_240 : vector<16xi32>
      %parallel_loop3A_242 = arith.select %parallel_loop3A_238, %parallel_loop3A_241, %parallel_loop3A_233 : vector<16xi1>, vector<16xi32>
      %parallel_loop3A_243 = arith.subi %parallel_loop3A_242, %mul3A_46 : vector<16xi32>
      %parallel_loop3A_244 = tpu.vector_load_idx %arg15[%parallel_loop3A_242] : memref<3354xf32, #tpu.memory_space<vmem>>[vector<16xi32>], vector<16xf32>,
      %parallel_loop3A_245 = tpu.vector_load_idx %arg16[%parallel_loop3A_242] : memref<3354xf32, #tpu.memory_space<vmem>>[vector<16xi32>], vector<16xf32>,
      %parallel_loop3A_246 = tpu.vector_load_idx %arg17[%parallel_loop3A_242] : memref<3354xf32, #tpu.memory_space<vmem>>[vector<16xi32>], vector<16xf32>,
      %parallel_loop3A_247 = arith.subf %parallel_loop3A_185, %parallel_loop3A_244 : vector<16xf32>
      %parallel_loop3A_248 = arith.mulf %parallel_loop3A_247, %parallel_loop3A_246 : vector<16xf32>
      %parallel_loop3A_249 = arith.addf %parallel_loop3A_245, %parallel_loop3A_248 : vector<16xf32>
      %parallel_loop3A_250 = arith.constant 0 : i32
      %parallel_loop3A_251 = vector.broadcast %parallel_loop3A_250 : i32 to vector<16xi32>
      %parallel_loop3A_252 = arith.cmpi eq, %parallel_loop3A_243, %parallel_loop3A_251 : vector<16xi32>
      %parallel_loop3A_253 = arith.cmpf olt, %parallel_loop3A_185, %parallel_loop3A_244 : vector<16xf32>
      %parallel_loop3A_254 = arith.andi %parallel_loop3A_252, %parallel_loop3A_253 : vector<16xi1>
      %parallel_loop3A_255 = arith.constant 99 : i32
      %parallel_loop3A_256 = vector.broadcast %parallel_loop3A_255 : i32 to vector<16xi32>
      %parallel_loop3A_257 = arith.cmpi eq, %parallel_loop3A_243, %parallel_loop3A_256 : vector<16xi32>
      %parallel_loop3A_258 = arith.cmpf ogt, %parallel_loop3A_185, %parallel_loop3A_244 : vector<16xf32>
      %parallel_loop3A_259 = arith.andi %parallel_loop3A_257, %parallel_loop3A_258 : vector<16xi1>
      %parallel_loop3A_260 = arith.subf %parallel_loop3A_185, %parallel_loop3A_244 : vector<16xf32>
      %parallel_loop3A_261 = math.absf %parallel_loop3A_260 : vector<16xf32>
      %parallel_loop3A_262 = arith.mulf %parallel_loop3A_261, %div3A_61 : vector<16xf32>
      %parallel_loop3A_263 = arith.constant -2.000000e+00 : f32
      %parallel_loop3A_264 = vector.broadcast %parallel_loop3A_263 : f32 to vector<16xf32>
      %parallel_loop3A_265 = arith.mulf %parallel_loop3A_264, %parallel_loop3A_262 : vector<16xf32>
      %parallel_loop3A_266 = math.exp %parallel_loop3A_265 : vector<16xf32>
      %parallel_loop3A_267 = arith.constant 1.000000e+00 : f32
      %parallel_loop3A_268 = vector.broadcast %parallel_loop3A_267 : f32 to vector<16xf32>
      %parallel_loop3A_269 = arith.subf %parallel_loop3A_268, %parallel_loop3A_266 : vector<16xf32>
      %parallel_loop3A_270 = arith.constant 1.000000e+00 : f32
      %parallel_loop3A_271 = vector.broadcast %parallel_loop3A_270 : f32 to vector<16xf32>
      %parallel_loop3A_272 = arith.addf %parallel_loop3A_271, %parallel_loop3A_266 : vector<16xf32>
      %parallel_loop3A_273 = arith.divf %parallel_loop3A_269, %parallel_loop3A_272 : vector<16xf32>
      %parallel_loop3A_274 = arith.mulf %parallel_loop3A_245, %parallel_loop3A_273 : vector<16xf32>
      %parallel_loop3A_275 = arith.subf %parallel_loop3A_245, %parallel_loop3A_274 : vector<16xf32>
      %parallel_loop3A_276 = arith.select %parallel_loop3A_254, %parallel_loop3A_275, %parallel_loop3A_249 : vector<16xi1>, vector<16xf32>
      %parallel_loop3A_277 = arith.constant 1.000000e+00 : f32
      %parallel_loop3A_278 = vector.broadcast %parallel_loop3A_277 : f32 to vector<16xf32>
      %parallel_loop3A_279 = arith.subf %parallel_loop3A_278, %parallel_loop3A_245 : vector<16xf32>
      %parallel_loop3A_280 = arith.mulf %parallel_loop3A_279, %parallel_loop3A_273 : vector<16xf32>
      %parallel_loop3A_281 = arith.addf %parallel_loop3A_245, %parallel_loop3A_280 : vector<16xf32>
      %parallel_loop3A_282 = arith.select %parallel_loop3A_259, %parallel_loop3A_281, %parallel_loop3A_276 : vector<16xi1>, vector<16xf32>
      tpu.vector_store_idx %arg9[%parallel_loop3A_81, %select_n3A_25], %parallel_loop3A_282 masked %lt3A_64 : memref<256x26xf32, #tpu.memory_space<vmem>>[vector<16xi32>, vector<16xi32>], vector<16xf32>, vector<16xi1>
    } {sc.loop_unroll_factor = 4 : i64, sc.parallel_access}
    %add3A_78 = arith.constant 256 : i32
    %add3A_79 = arith.addi %mul3A_2, %add3A_78 : i32
    "tpu.region"() ({
      %run_scoped3A = tpu.sem_alloc : memref<!tpu.dma_semaphore, #tpu.memory_space<semaphore_mem>>
      %dma_start3A_80 = arith.constant 0 : i32
      %dma_start3A_81 = tpu.memref_slice %arg7[%add3A_79, %dma_start3A_80] : memref<16384x26xf32, #tpu.memory_space<hbm>> -> memref<256x26xf32, #tpu.memory_space<hbm>>
      %dma_start3A_82 = arith.constant 0 : i32
      %dma_start3A_83 = tpu.memref_slice %arg7[%add3A_79, %dma_start3A_82] : memref<16384x26xf32, #tpu.memory_space<hbm>> -> memref<256x26xf32, #tpu.memory_space<hbm>>
      tpu.enqueue_dma source(%arg9 : memref<256x26xf32, #tpu.memory_space<vmem>>) target(%dma_start3A_83 : memref<256x26xf32, #tpu.memory_space<hbm>>) target_semaphore(%run_scoped3A : memref<!tpu.dma_semaphore, #tpu.memory_space<semaphore_mem>>)
      %dma_wait3A_84 = arith.constant 0 : i32
      %dma_wait3A_85 = tpu.memref_slice %arg7[%add3A_79, %dma_wait3A_84] : memref<16384x26xf32, #tpu.memory_space<hbm>> -> memref<256x26xf32, #tpu.memory_space<hbm>>
      %dma_wait3A_86 = arith.constant 0 : i32
      %dma_wait3A_87 = tpu.memref_slice %arg7[%add3A_79, %dma_wait3A_86] : memref<16384x26xf32, #tpu.memory_space<hbm>> -> memref<256x26xf32, #tpu.memory_space<hbm>>
      tpu.wait_dma2 semaphore(%run_scoped3A : memref<!tpu.dma_semaphore, #tpu.memory_space<semaphore_mem>>) src(%arg9 : memref<256x26xf32, #tpu.memory_space<vmem>>) dst(%dma_wait3A_87 : memref<256x26xf32, #tpu.memory_space<hbm>>)
      tpu.yield
    }) : () -> ()
    return
  }
}

</mosaic_0001>

<sc_bundles>
// kernel: _qnorm.3.cloned.1.call-start
scs
__scs_entry_jumppad:
0x0: {  	(pc) =	sbr.rel $0x88, $3  }
0x1: {  	(tag) =	ssettag $0x0;
	lr =	simm.s32 $0x1  }
0x2: {  	[smem:$0x3F9C] =	sst lr;
	_ =	strace $0xD0000000  }
0x3: {  	_ = 	snop  }
0x4: {  	_ = 	snop  }
0x5: {  	_ = 	snop  }
0x6: {  	_ = 	snop  }
0x7: {  	_ = 	snop  }
__scs_overlays_trampoline_lowered:
0x8: {  	[smem:$0x3FAB] =	sst s0  }
0x9: {  	[smem:$0x3FAC] =	sst s1  }
0xa: {  	[smem:$0x3FAD] =	sst s2  }
0xb: {  	[smem:$0x3FAE] =	sst s3  }
0xc: {  	[smem:$0x3FAF] =	sst s4  }
0xd: {  	[smem:$0x3FB0] =	sst s5  }
0xe: {  	[smem:$0x3FB1] =	sst s6  }
0xf: {  	[smem:$0x3FB2] =	sst s7  }
0x10: {  	[smem:$0x3FB3] =	sst s8  }
0x11: {  	[smem:$0x3FB4] =	sst s9;
	s0 =	simm.s32 @!p0 $0x0  }
0x12: {  	s1 =	sld [smem:$0x3F9A];
	s0 =	simm.s32 @p0 $0x1  }
0x13: {  	[smem:$0x3FB5] =	sst s0;
	s0 =	simm.s32 @!p1 $0x0  }
0x14: {  	s2 =	sld [smem:$0x3F99];
	s0 =	simm.s32 @p1 $0x1  }
0x15: {  	[smem:$0x3FB6] =	sst s0;
	s0 =	simm.s32 @!p2 $0x0  }
0x16: {  	s3 =	sld [smem:$0x3FDB];
	s0 =	simm.s32 @p2 $0x1  }
0x17: {  	s4 =	simm.s32 $0x1BF5;
	[smem:$0x3FB8] =	sst s0  }
0x18: {  	s0 =	sld [smem:$0x3F9B];
	_ =	swait.ge [sflag:s4], $0x0  }
0x19: {  	s7 =	sld [smem:$0x3F9C]  }
0x1a: {  	s8 =	sadd.s32 $0xFFFFE003, lr  }
0x1b: {  	s9 =	sadd.s32 $0xFFFFFEF7, lr;
	s5 =	simm.s32 $0xFFFFFFFF;
	p2 =	slt.u32 s8, $0xFFFFF086  }
0x1c: {  	p1 =	slt.u32 s9, $0xF7A;
	s5 =	simm.s32 @!p2 $0x0  }
0x1d: {  	s5 =	simm.s32 @p1 $0x1;
	p0 =	seq.s32 s7, s2  }
0x1e: {  	s7 =	smul.u32 @!p0 $0xF7A, s2;
	p2 =	seq.s32 @!p0 s5, $0x0  }
0x1f: {  	s9 =	smul.u32 $0xF7A, s1;
	s8 =	simm.s32 @!p0 $0x1BF5;
	p2 =	por !p2, p0  }
0x20: {  	[sflag:s8] =	ssyncset.s32 @!p0 $0xFFFFF086;
	s6 =	sadd.s32 @!p0 s3, s7;
	s7 =	simm.s32 @!p0 $0x108  }
0x21: {  	s3 =	sadd.s32 s3, s9;
	s6 =	sadd.s32 @!p0 $0x88, s6;
	s7 =	simm.s32 @p2 $0x1082  }
0x22: {  	[simem:s7], [sflag:s8] =	dma.local @!p0 [hbm:s6], $0xF7A  }
0x23: {  	s9 =	sor.u32 $0xD0000000, s2;
	s6 =	simm.s32 $0x108;
	_ =	swait.ge @!p0 [sflag:s8], $0x0  }
0x24: {  	s3 =	sadd.s32 $0x88, s3;
	s6 =	simm.s32 @!p1 $0x1082;
	[sflag:s4] =	ssyncset.s32 $0xFFFFF086  }
0x25: {  	[simem:s6], [sflag:s4] =	dma.local [hbm:s3], $0xF7A  }
0x26: {  	[smem:$0x3F9C] =	sst s1;
	(tag) =	ssettag s2;
	_ =	strace s9  }
0x27: {  	s1 =	sld [smem:$0x3FAC]  }
0x28: {  	s2 =	sld [smem:$0x3FAD]  }
0x29: {  	s4 =	sld [smem:$0x3FAF]  }
0x2a: {  	p0 =	seq.s32 s5, $0x0;
	s5 =	sld [smem:$0x3FB0]  }
0x2b: {  	s6 =	sld [smem:$0x3FB1]  }
0x2c: {  	s7 =	sld [smem:$0x3FB2]  }
0x2d: {  	s3 =	simm.s32 $0x108;
	s8 =	sld [smem:$0x3FB3]  }
0x2e: {  	s3 =	simm.s32 @!p0 $0x1082;
	s9 =	sld [smem:$0x3FB4]  }
0x2f: {  	lr =	sadd.s32 s0, s3;
	s0 =	sld [smem:$0x3FAB]  }
0x30: {  	s3 =	sld [smem:$0x3FAE]  }
0x31: {  	[smem:$0x3FB7] =	sst s10  }
0x32: {  	s10 =	sld [smem:$0x3FB5];
	_ =	sdelay $0x3  }
0x33: {  	p0 =	seq.s32 s10, $0x1;
	s10 =	sld [smem:$0x3FB7];
	_ =	sdelay $0x3  }
0x34: {  	[smem:$0x3FB7] =	sst s10  }
0x35: {  	s10 =	sld [smem:$0x3FB6];
	_ =	sdelay $0x3  }
0x36: {  	p1 =	seq.s32 s10, $0x1;
	s10 =	sld [smem:$0x3FB7];
	_ =	sdelay $0x3  }
0x37: {  	[smem:$0x3FB7] =	sst s10  }
0x38: {  	s10 =	sld [smem:$0x3FB8]  }
0x39: {  	_ = 	snop;
	(pc) =	sbr.ind lr, $3  }
0x3a: {  	_ = 	snop  }
0x3b: {  	_ = 	snop  }
0x3c: {  	p2 =	seq.s32 s10, $0x1;
	s10 =	sld [smem:$0x3FB7]  }
0x3d: {  	_ =	shalt  }
0x3e: {  	_ =	shalt  }
0x3f: {  	_ =	shalt  }
0x40: {  	_ =	shalt  }
0x41: {  	_ =	shalt  }
0x42: {  	_ =	shalt  }
0x43: {  	_ =	shalt  }
0x44: {  	_ =	shalt  }
0x45: {  	_ =	shalt  }
0x46: {  	_ =	shalt  }
0x47: {  	_ =	shalt  }
0x48: {  	_ =	shalt  }
0x49: {  	_ =	shalt  }
0x4a: {  	_ =	shalt  }
0x4b: {  	_ =	shalt  }
0x4c: {  	_ =	shalt  }
0x4d: {  	_ =	shalt  }
0x4e: {  	_ =	shalt  }
0x4f: {  	_ =	shalt  }
0x50: {  	_ =	shalt  }
0x51: {  	_ =	shalt  }
0x52: {  	_ =	shalt  }
0x53: {  	_ =	shalt  }
0x54: {  	_ =	shalt  }
0x55: {  	_ =	shalt  }
0x56: {  	_ =	shalt  }
0x57: {  	_ =	shalt  }
0x58: {  	_ =	shalt  }
0x59: {  	_ =	shalt  }
0x5a: {  	_ =	shalt  }
0x5b: {  	_ =	shalt  }
0x5c: {  	_ =	shalt  }
0x5d: {  	_ =	shalt  }
0x5e: {  	_ =	shalt  }
0x5f: {  	_ =	shalt  }
0x60: {  	_ =	shalt  }
0x61: {  	_ =	shalt  }
0x62: {  	_ =	shalt  }
0x63: {  	_ =	shalt  }
0x64: {  	_ =	shalt  }
0x65: {  	_ =	shalt  }
0x66: {  	_ =	shalt  }
0x67: {  	_ =	shalt  }
0x68: {  	_ =	shalt  }
0x69: {  	_ =	shalt  }
0x6a: {  	_ =	shalt  }
0x6b: {  	_ =	shalt  }
0x6c: {  	_ =	shalt  }
0x6d: {  	_ =	shalt  }
0x6e: {  	_ =	shalt  }
0x6f: {  	_ =	shalt  }
0x70: {  	_ =	shalt  }
0x71: {  	_ =	shalt  }
0x72: {  	_ =	shalt  }
0x73: {  	_ =	shalt  }
0x74: {  	_ =	shalt  }
0x75: {  	_ =	shalt  }
0x76: {  	_ =	shalt  }
0x77: {  	_ =	shalt  }
0x78: {  	_ =	shalt  }
0x79: {  	_ =	shalt  }
0x7a: {  	_ =	shalt  }
0x7b: {  	_ =	shalt  }
0x7c: {  	_ =	shalt  }
0x7d: {  	_ =	shalt  }
0x7e: {  	_ =	shalt  }
0x7f: {  	_ =	shalt  }
0x80: {  	_ =	shalt  }
0x81: {  	_ =	shalt  }
0x82: {  	_ =	shalt  }
0x83: {  	_ =	shalt  }
0x84: {  	_ =	shalt  }
0x85: {  	_ =	shalt  }
0x86: {  	_ =	shalt  }
0x87: {  	_ =	shalt  }
.Lfunc_end0:
.L_simem_size_0:
called_computation_lowered:
.L_overlay_start_0:
0x88: {  	s2 =	sld [smem:$0x3FD9]  }
0x89: {  	s3 =	sld [smem:$0x3FFE];
	_ =	sdelay $0x1  }
0x8a: {  	s1 =	srdreg.scid  }
0x8b: {  	s0 =	sand.u32 $0x1, s1  }
0x8c: {  	s17 =	sshll.u32 s0, $0xA;
	s2 =	sadd.s32 s3, s2  }
0x8d: {  	s2 =	sadd.s32 s2, s17  }
0x8e: {  	[smem:$0x3FC3] =	sst s2  }
0x8f: {  	_ = 	snop  }
0x90: {  	s2 =	sld [smem:$0x3FC8]  }
0x91: {  	s18 =	sld [smem:$0x3FC7]  }
0x92: {  	s4 =	sld [smem:$0x3FC6]  }
0x93: {  	s5 =	sld [smem:$0x3FC5];
	(tm) =	ssettm $0x1  }
0x94: {  	s6 =	sld [smem:$0x3FFB];
	_ =	sdelay $0x3  }
0x95: {  	_ =	strace s6  }
0x96: {  	s6 =	sld [smem:$0x3FFC];
	_ =	sdelay $0x3  }
0x97: {  	_ =	strace s6  }
0x98: {  	s6 =	sld [smem:$0x3FFD];
	_ =	sdelay $0x3  }
0x99: {  	_ =	strace s6  }
0x9a: {  	_ =	strace $0x8FFFFFFF  }
0x9b: {  	s19 =	sld [smem:$0x3FDB];
	_ =	sdelay $0x1  }
0x9c: {  	s7 =	simm.s32 $_scs_section_size  }
0x9d: {  	s8 =	simm.s32 $_size__tile_overlayer_lowered;
	s9 =	simm.s32 $_tile_overlayer_lowered  }
0x9e: {  	s22 =	simm.s32 $0x1BFF;
	s21 =	sshll.u32 s9, $0x1;
	s6 =	sadd.s32 s7, s19  }
0x9f: {  	s10 =	simm.s32 $0x0;
	s20 =	sshll.u32 s8, $0x1;
	s8 =	sadd.s32 s21, s6  }
0xa0: {  	[timem:s10], [sflag:s22] =	dma.local [hbm:s8], s20  }
0xa1: {  	_ =	swait.ge [sflag:s22], s20  }
0xa2: {  	s7 =	ssub.s32 $0x0, s20;
	[sflag:s22] =	ssyncset.done $0x0  }
0xa3: {  	[sflag:s22] =	ssyncadd.s32 s7;
	_ =	sdelay $0x1  }
0xa4: {  	s23 =	simm.s32 $0x1B8B  }
0xa5: {  	_ =	swait.ge [sflag:s23], $0x1  }
0xa6: {  	[sflag:s23] =	ssyncset.done $0x0  }
0xa7: {  	s25 =	simm.s32 $0x1B8E;
	s24 =	sld [smem:$0x3FFE];
	[sflag:s23] =	ssyncadd.s32 $0xFFFFFFFF  }
0xa8: {  	s26 =	simm.s32 $execute0_lowered;
	[smem:$0x3FD2] =	sst s25  }
0xa9: {  	s8 =	sshll.u32 s26, $0x1;
	_ =	strace $0x80000046;
	[dreg:$0x1] =	wrdreg $0xFFFFFFFF  }
0xaa: {  	s28 =	simm.s32 $_size_execute0_lowered;
	s6 =	sadd.s32 s6, s8;
	[dreg:$0x0] =	wrdreg $0x0  }
0xab: {  	s8 =	sshll.u32 s28, $0x1;
	[dreg:$0x2] =	wrdreg s6  }
0xac: {  	[dreg:$0x3] =	wrdreg s8  }
0xad: {  	[dreg:$0x4] =	wrdreg $0xC0  }
0xae: {  	_ =	task [dreg:s10], $0x5FFFF  }
0xaf: {  	[dreg:$0x1] =	wrdreg $0xFFFFFFFF  }
0xb0: {  	[dreg:$0x0] =	wrdreg $0x60  }
0xb1: {  	[dreg:$0x2] =	wrdreg s24  }
0xb2: {  	[dreg:$0x3] =	wrdreg s2  }
0xb3: {  	[dreg:$0x4] =	wrdreg s18  }
0xb4: {  	[dreg:$0x5] =	wrdreg s4  }
0xb5: {  	[dreg:$0x6] =	wrdreg s5  }
0xb6: {  	[dreg:$0x7] =	wrdreg $0x9  }
0xb7: {  	_ =	task.clear_ibuf [dreg:s10], $0x8FFFF;
	_ =	strace $0x90000046  }
0xb8: {  	s29 =	simm.s32 $0x9;
	_ =	strace $0x80000048  }
0xb9: {  	_ =	swait.ge [sflag:s29], $0x1  }
0xba: {  	[sflag:s29] =	ssyncadd.s32 $0xFFFFFFFF  }
0xbb: {  	_ =	strace $0x90000048  }
0xbc: {  	_ =	sfence  }
0xbd: {  	s30 =	sld [smem:$0x0];
	_ =	sdelay $0x2  }
0xbe: {  	s31 =	sshll.u32 s1, $0xD;
	s1 =	sshrl.u32 s1, $0x2  }
0xbf: {  	s3 =	sand.u32 $0x4000, s31;
	s1 =	sadd.s32 s1, s30  }
0xc0: {  	s0 =	sor.u32 s3, s0;
	s1 =	sshll.u32 s1, $0x11  }
0xc1: {  	s0 =	sor.u32 s1, s0  }
0xc2: {  	s0 =	sadd.s32 $0x8F2B, s0  }
0xc3: {  	[sflag:s0] =	ssyncadd.remote.s32 $0x1  }
0xc4: {  	_ =	sfence.sel $0xFFFF  }
0xc5: {  	[dreg:$0x0] =	wrdreg $0xFFFFFFFF;
	(pc) =	sbr.abs _section_cstart, $3  }
0xc6: {  	[dreg:$0x1] =	wrdreg $0xFFFFFFFF  }
0xc7: {  	_ =	task.clear_ibuf [dreg:s10], $0x2FFFF;
	_ =	strace $0x9FFFFFFF  }
0xc8: {  	(tm) =	ssettm $0x7FFFFFFF  }
0xc9: {  	_ =	shalt  }
tec
execute0_lowered:
.L_overlay_start_1:
0x0: {  	(tag) =	ssettag $0x1  }
0x1: {  	v0 =	vlaneseq.u32  }
0x2: {  	v2 =	vimm.s32 $0x1001918;
	v3 =	vimm.s32 $0x5040302;
	v4 =	vimm.s32 $0x13121110  }
0x3: {  	vm0 =	vcmask $0x1F10;
	v5 =	vimm.s32 $0x17161514;
	v6 =	vimm.s32 $0x2C4  }
0x4: {  	vm14 =	vcmask $0x300;
	vm13 =	vcmask $0x704;
	vm12 =	vcmask $0xB08  }
0x5: {  	vm11 =	vcmask $0xF0C;
	vm10 =	vcmask $0x1310;
	vm9 =	vcmask $0x1714  }
0x6: {  	vm7 =	vcmask $0x1B18;
	vm15 =	vcmask $0x1F1C;
	v58 =	vimm.s32 $0x2A4  }
0x7: {  	v59 =	vimm.s32 $0x2E4;
	vm1 =	vcmask $0x2320;
	vm2 =	vcmask $0x2724  }
0x8: {  	vm3 =	vcmask $0x2B28;
	vm4 =	vcmask $0x2F2C;
	vm5 =	vcmask $0x3330  }
0x9: {  	vm6 =	vcmask $0x3734;
	vm8 =	vcmask $0x3B38;
	v2 =	vunpack.c.0.s8.s32 v2  }
0xa: {  	v3 =	vunpack.c.0.s8.s32 v3;
	v4 =	vunpack.c.0.s8.s32 v4;
	v5 =	vunpack.c.0.s8.s32 v5  }
0xb: {  	v60 =	vimm.s32 $0x285;
	v61 =	vimm.s32 $0x2C5;
	v6 =	vsel vm14, $0x84F, v6  }
0xc: {  	v3 =	vsel vm0, v3, v2;
	v2 =	vsel vm13, $0x8D0, v6;
	v4 =	vsel vm0, v5, v4  }
0xd: {  	v6 =	vsel vm14, $0x86F, v59;
	v56 =	vsel vm12, $0x951, v2;
	v2 =	vmul.u32 $0x81, v0  }
0xe: {  	v3 =	vcombine.low v4, v3;
	v6 =	vsel vm13, $0x8F0, v6;
	v5 =	vsel vm11, $0x9D2, v56  }
0xf: {  	v63 =	vimm.s32 $0xFFFFFD7B;
	v6 =	vsel vm12, $0x971, v6;
	v57 =	vsel vm10, $0xA53, v5  }
0x10: {  	[tilespmem:$0x1FF30] =	vst v3;
	v3 =	vadd.s32 $0x3F, v2;
	v5 =	vsel vm14, $0x82F, v58;
	v6 =	vsel vm11, $0x9F2, v6  }
0x11: {  	[tilespmem:$0x1FF40] =	vst v3;
	v4 =	vsel vm9, $0xAD4, v57;
	v3 =	vadd.s32 $0x1F, v2;
	v5 =	vsel vm13, $0x8B0, v5  }
0x12: {  	v6 =	vsel vm10, $0xA73, v6;
	[tilespmem:$0x1FF50] =	vst v3;
	v3 =	vadd.s32 $0x5F, v2;
	v5 =	vsel vm12, $0x931, v5  }
0x13: {  	v4 =	vsel vm7, $0xB55, v4;
	v6 =	vsel vm9, $0xAF4, v6;
	v5 =	vsel vm11, $0x9B2, v5  }
0x14: {  	[tilespmem:$0x1FFA0] =	vst v2;
	v2 =	vadd.s32 $0x40, v2;
	v4 =	vsel vm15, $0xBD6, v4;
	v5 =	vsel vm10, $0xA33, v5  }
0x15: {  	v6 =	vsel vm7, $0xB75, v6;
	[tilespmem:$0x1FFB0] =	vst v2;
	v2 =	vmul.u32 $0xFFFFFF7F, v0;
	v5 =	vsel vm9, $0xAB4, v5  }
0x16: {  	v4 =	vsel vm1, $0xC57, v4;
	v6 =	vsel vm15, $0xBF6, v6;
	v5 =	vsel vm7, $0xB35, v5  }
0x17: {  	v4 =	vsel vm2, $0xCD8, v4;
	v6 =	vsel vm1, $0xC77, v6;
	v5 =	vsel vm15, $0xBB6, v5  }
0x18: {  	v4 =	vsel vm3, $0x3F, v4;
	v6 =	vsel vm2, $0xCF8, v6;
	v5 =	vsel vm1, $0xC37, v5  }
0x19: {  	v4 =	vsel vm4, $0xC0, v4;
	v6 =	vsel vm3, $0x5F, v6;
	v5 =	vsel vm2, $0xCB8, v5  }
0x1a: {  	v4 =	vsel vm5, $0x141, v4;
	v6 =	vsel vm4, $0xE0, v6;
	v5 =	vsel vm3, $0x1F, v5  }
0x1b: {  	v4 =	vsel vm6, $0x1C2, v4;
	v6 =	vsel vm5, $0x161, v6;
	v5 =	vsel vm4, $0xA0, v5  }
0x1c: {  	[tilespmem:$0x1FF60] =	vst v3;
	v3 =	vsel vm8, $0x243, v4;
	v4 =	vsel vm14, $0x810, v60;
	v5 =	vsel vm5, $0x121, v5  }
0x1d: {  	v6 =	vsel vm6, $0x1E2, v6;
	v4 =	vsel vm13, $0x891, v4;
	v5 =	vsel vm6, $0x1A2, v5  }
0x1e: {  	[tilespmem:$0x1FF70] =	vst v3;
	v4 =	vsel vm12, $0x912, v4;
	v3 =	vsel vm8, $0x223, v5;
	v5 =	vsel vm14, $0x850, v61  }
0x1f: {  	[tilespmem:$0x1FF80] =	vst v3;
	v3 =	vsel vm8, $0x263, v6;
	v6 =	vsel vm14, $0xFFFFF7F0, v63;
	v5 =	vsel vm13, $0x8D1, v5  }
0x20: {  	s7 =	rddreg [dreg:$0x0];
	v4 =	vsel vm11, $0x993, v4;
	v6 =	vsel vm13, $0xFFFFF76F, v6;
	v5 =	vsel vm12, $0x952, v5  }
0x21: {  	s0 =	rddreg [dreg:$0x1];
	v4 =	vsel vm10, $0xA14, v4;
	v6 =	vsel vm12, $0xFFFFF6EE, v6;
	v5 =	vsel vm11, $0x9D3, v5  }
0x22: {  	s1 =	rddreg [dreg:$0x2];
	v4 =	vsel vm9, $0xA95, v4;
	v6 =	vsel vm11, $0xFFFFF66D, v6;
	v5 =	vsel vm10, $0xA54, v5  }
0x23: {  	s2 =	rddreg [dreg:$0x3];
	v4 =	vsel vm7, $0xB16, v4;
	v6 =	vsel vm10, $0xFFFFF5EC, v6;
	v5 =	vsel vm9, $0xAD5, v5  }
0x24: {  	s4 =	rddreg [dreg:$0x4];
	s5 =	simm.s32 $0x0;
	s6 =	srdreg.scid;
	v4 =	vsel vm15, $0xB97, v4;
	v6 =	vsel vm9, $0xFFFFF56B, v6;
	v5 =	vsel vm7, $0xB56, v5  }
0x25: {  	s14 =	simm.s32 $0x11000;
	s15 =	simm.s32 $0x11080;
	s16 =	simm.s32 $0x11100;
	v4 =	vsel vm1, $0xC18, v4;
	v6 =	vsel vm7, $0xFFFFF4EA, v6;
	v5 =	vsel vm15, $0xBD7, v5  }
0x26: {  	s17 =	simm.s32 $0x11180;
	s18 =	simm.s32 $0x11F00;
	s19 =	simm.s32 $0x12C80;
	v4 =	vsel vm2, $0xC99, v4;
	v6 =	vsel vm15, $0xFFFFF469, v6;
	v5 =	vsel vm1, $0xC58, v5  }
0x27: {  	s20 =	simm.s32 $0x13A00;
	s21 =	simm.s32 $0x1;
	s22 =	simm.s32 $0x8000;
	v4 =	vsel vm3, $0x0, v4;
	v6 =	vsel vm1, $0xFFFFF3E8, v6;
	v5 =	vsel vm2, $0xCD9, v5  }
0x28: {  	s23 =	simm.s32 $0x0;
	[smem:$0x7FF] =	sst s5;
	s8 =	sand.u32 $0x1, s6;
	v4 =	vsel vm4, $0x81, v4;
	v6 =	vsel vm2, $0xFFFFF367, v6;
	v5 =	vsel vm3, $0x40, v5  }
0x29: {  	s9 =	sadd.s32 $0x400, s7;
	s6 =	stileid.u32;
	s13 =	sadd.s32 $0x40400, s7;
	v4 =	vsel vm5, $0x102, v4;
	v6 =	vsel vm3, $0x0, v6;
	v5 =	vsel vm4, $0xC1, v5  }
0x2a: {  	s10 =	ssub.s32 $0x2, s8;
	s12 =	sshll.u32 s6, $0xE;
	s8 =	sshll.u32 s8, $0xD;
	[tilespmem:$0x1FFC0] =	vst v2;
	v4 =	vsel vm6, $0x183, v4;
	v6 =	vsel vm4, $0xFFFFFF7F, v6;
	v5 =	vsel vm5, $0x142, v5  }
0x2b: {  	s11 =	sshrl.u32 s10, $0x1;
	s31 =	sor.u32 s8, s12;
	s12 =	simm.s32 $0x10000;
	[tilespmem:$0x1FF90] =	vst v3;
	v2 =	vsel vm8, $0x204, v4;
	v6 =	vsel vm5, $0xFFFFFEFE, v6;
	v5 =	vsel vm6, $0x1C3, v5  }
0x2c: {  	s11 =	ssub.s32 s10, s11;
	s10 =	sor.u32 $0x1000, s31;
	_ =	strace $0x80000047;
	[tilespmem:$0x1FFD0] =	vst v2;
	v6 =	vsel vm6, $0xFFFFFE7D, v6;
	v2 =	vsel vm8, $0x244, v5  }
0x2d: {  	s7 =	sadd.s32 s9, s31;
	s8 =	sadd.s32 s13, s31;
	s9 =	sadd.s32 s9, s10;
	[tilespmem:$0x1FFE0] =	vst v2;
	v26 =	vsel vm8, $0xFFFFFDFC, v6  }
0x2e: {  	v1 =	vimm.s32 $0x1;
	v62 =	vimm.s32 $0x0;
	s10 =	sadd.s32 s13, s10;
	s11 =	smax.u32 s11, $0x1;
	s13 =	simm.s32 $0x2;
	[tilespmem:$0x1FFF0] =	vst v26  }
.LBB2_1:
0x2f: {  	[tilespmem:s5], [sflag:$0x1] =	stream.linear.gather [hbm4b:s7+s5], $0x8000, $0x38;
	[tilespmem:$0x14780] =	vst v63  }
0x30: {  	_ = 	snop  }
0x31: {  	[tilespmem:s12], [sflag:$0x2] =	stream.linear.gather [hbm4b:s0+s5], $0xD00, $0x38;
	[tilespmem:$0x14780] =	vst v63  }
0x32: {  	_ =	swait.ge [sflag:s13], $0xD00  }
0x33: {  	[sflag:s13] =	ssyncset.done $0x0  }
0x34: {  	[sflag:s13] =	ssyncadd.s32 $0xFFFFF300  }
0x35: {  	[tilespmem:s14], [sflag:$0x2] =	stream.linear.gather [hbm4b:s1+s5], $0x80, $0x38;
	[tilespmem:$0x14780] =	vst v63  }
0x36: {  	_ =	swait.ge [sflag:s13], $0x80  }
0x37: {  	[sflag:s13] =	ssyncset.done $0x0  }
0x38: {  	[sflag:s13] =	ssyncadd.s32 $0xFFFFFF80  }
0x39: {  	[tilespmem:s15], [sflag:$0x2] =	stream.linear.gather [hbm4b:s2+s5], $0x80, $0x38;
	[tilespmem:$0x14780] =	vst v63  }
0x3a: {  	s24 =	simm.s32 $0x20;
	s25 =	simm.s32 $0x0;
	_ =	swait.ge [sflag:s13], $0x80  }
0x3b: {  	s26 =	simm.s32 $0x10;
	v4 =	vor.u32 s24, v0;
	v5 =	vor.u32 s25, v0;
	v6 =	vmov s24;
	[sflag:s13] =	ssyncset.done $0x0  }
0x3c: {  	v8 =	vor.u32 s26, v0;
	v16 =	vmov s26;
	v7 =	vand.u32 $0x6F, v4;
	[sflag:s13] =	ssyncadd.s32 $0xFFFFFF80  }
0x3d: {  	v20 =	vand.u32 $0x5F, v8;
	v17 =	vand.u32 $0xF80, v6;
	v9 =	vmin.u32 v7, $0x62;
	[tilespmem:s16], [sflag:$0x2] =	stream.linear.gather [hbm4b:s4+s5], $0x80, $0x38;
	[tilespmem:$0x14780] =	vst v63  }
0x3e: {  	v18 =	vand.u32 $0xF80, v16;
	v21 =	vadd.s32 $0xFFFFFFFF, v20;
	v19 =	vor.u32 v17, v9;
	_ =	swait.ge [sflag:s13], $0x80  }
0x3f: {  	v23 =	vand.u32 $0x4F, v5;
	v18 =	vor.u32 v18, v21;
	[sflag:s13] =	ssyncset.done $0x0  }
0x40: {  	v24 =	vmov s25;
	v25 =	vshrl.u32 v16, $0x7;
	v22 =	vmax.u32 v23, $0x1;
	[sflag:s13] =	ssyncadd.s32 $0xFFFFFF80  }
0x41: {  	v2 =	vmovc v26;
	v16 =	vand.u32 $0xF80, v24;
	v24 =	vshrl.u32 v24, $0x7;
	v22 =	vsub.s32 v22, v1;
	v26 =	vld.idx.msk [tilespmem:v5+s12+$0x0], $0xffff  }
0x42: {  	v16 =	vor.u32 v16, v22;
	v27 =	vld.idx.msk [tilespmem:v8+s12+$0x0], $0xffff  }
0x43: {  	v28 =	vshrl.u32 v6, $0x7;
	v19 =	vld.idx.msk [tilespmem:v19+s12+$0x0], $0xffff  }
0x44: {  	v6 =	vmin.u32 v7, $0x63;
	v18 =	vld.idx.msk [tilespmem:v18+s12+$0x0], $0xffff  }
0x45: {  	v30 =	vadd.s32 $0xFFFFFFFF, v6;
	v29 =	vld.idx.msk [tilespmem:v25+s16+$0x0], $0xffff  }
0x46: {  	s28 =	simm.s32 $0x40;
	v17 =	vor.u32 v17, v30;
	v31 =	vld.idx.msk [tilespmem:v24+s16+$0x0], $0xffff  }
0x47: {  	s29 =	simm.s32 $0x60;
	s30 =	simm.s32 $0x50;
	v41 =	vor.u32 s28, v0;
	v33 =	vld.idx.msk [tilespmem:v16+s12+$0x0], $0xffff  }
0x48: {  	v45 =	vmov s28;
	v46 =	vmov s29;
	v49 =	vor.u32 s30, v0;
	v34 =	vld.idx.msk [tilespmem:v28+s16+$0x0], $0xffff  }
0x49: {  	v53 =	vand.u32 $0xF80, v46;
	v56 =	vand.u32 $0xF80, v45;
	v6 =	vadd.s32 v25, v8;
	v8 =	vld.idx.msk [tilespmem:v23+s14+$0x0], $0xffff  }
0x4a: {  	s26 =	simm.s32 $0x30;
	v46 =	vshrl.u32 v46, $0x7;
	vm0 =	vgt.u32 v7, $0x62;
	vm2 =	veq.s32 v23, $0x0;
	v32 =	vld.idx.msk [tilespmem:v22+s14+$0x0], $0xffff  }
0x4b: {  	v5 =	vadd.s32 v24, v5;
	v16 =	vadd.s32 v28, v4;
	v22 =	vor.u32 s26, v0;
	v4 =	vld.idx.msk [tilespmem:v17+s12+$0x0], $0xffff  }
0x4c: {  	v17 =	vmov s26;
	v50 =	vld.idx.msk [tilespmem:v30+s14+$0x0], $0xffff;
	v30 =	vmov s30;
	v13 =	vand.u32 $0x7F, v22  }
0x4d: {  	v42 =	vld.idx.msk [tilespmem:v9+s14+$0x0], $0xffff;
	v37 =	vand.u32 $0xF80, v17;
	v9 =	vshrl.u32 v17, $0x7;
	v52 =	vand.u32 $0xF80, v30  }
0x4e: {  	v28 =	vld.idx.msk [tilespmem:v28+s15+$0x0], $0xffff;
	v30 =	vshrl.u32 v30, $0x7;
	v35 =	vmin.u32 v13, $0x62;
	v36 =	vmin.u32 v13, $0x63  }
0x4f: {  	v24 =	vld.idx.msk [tilespmem:v24+s15+$0x0], $0xffff;
	vm1 =	vgt.u32 v13, $0x62;
	v36 =	vadd.s32 $0xFFFFFFFF, v36;
	v27 =	vmul.f32 v27, v29  }
0x50: {  	v25 =	vld.idx.msk [tilespmem:v25+s15+$0x0], $0xffff;
	v39 =	vor.u32 v37, v35;
	v26 =	vmul.f32 v26, v31;
	v18 =	vmul.f32 v18, v29  }
0x51: {  	v54 =	vld.idx.msk [tilespmem:v20+s14+$0x0], $0xffff;
	v37 =	vor.u32 v37, v36;
	v7 =	vmul.f32 v33, v31;
	v19 =	vmul.f32 v19, v34  }
0x52: {  	v57 =	vld.idx.msk [tilespmem:v21+s14+$0x0], $0xffff;
	v22 =	vadd.s32 v9, v22;
	v31 =	vmul.f32 $9.999999740e-06, v31;
	v38 =	vmul.f32 $9.999999740e-06, v34  }
0x53: {  	v61 =	vld.idx.msk [tilespmem:v49+s12+$0x0], $0xffff;
	v8 =	vsub.f32 v8, v32;
	v29 =	vmul.f32 $9.999999740e-06, v29;
	v40 =	vadd.f32 v19, v28  }
0x54: {  	v51 =	vld.idx.msk [tilespmem:v9+s16+$0x0], $0xffff;
	v19 =	vmul.f32 v4, v34;
	v34 =	vor.u32 s29, v0;
	v4 =	vand.u32 $0x4F, v41  }
0x55: {  	v44 =	vadd.f32 v7, v24;
	v48 =	vadd.f32 v18, v25;
	v18 =	vand.u32 $0x5F, v49;
	v39 =	vld.idx.msk [tilespmem:v39+s12+$0x0], $0xffff  }
0x56: {  	v25 =	vadd.f32 v27, v25;
	v21 =	vadd.f32 v26, v24;
	v43 =	vand.u32 $0x6F, v34;
	v37 =	vld.idx.msk [tilespmem:v37+s12+$0x0], $0xffff  }
0x57: {  	v55 =	vld.idx.msk [tilespmem:v9+s15+$0x0], $0xffff;
	v26 =	vshrl.u32 v45, $0x7;
	v28 =	vadd.f32 v19, v28;
	v19 =	vmin.u32 v43, $0x62  }
0x58: {  	v23 =	vld.idx.msk [tilespmem:v30+s15+$0x0], $0xffff;
	v17 =	vmax.u32 v4, $0x1;
	v7 =	vmin.u32 v43, $0x63;
	[tilespmem:v6+s17+$0x0] =	vst.idx.msk $0xffff, v25;
	v14 =	vor.u32 v53, v19  }
0x59: {  	v47 =	vsub.s32 v17, v1;
	v17 =	vadd.s32 $0xFFFFFFFF, v18;
	v60 =	vsub.f32 v25, v48;
	[tilespmem:v5+s17+$0x0] =	vst.idx.msk $0xffff, v21  }
0x5a: {  	v35 =	vld.idx.msk [tilespmem:v35+s14+$0x0], $0xffff;
	v21 =	vsub.f32 v21, v44;
	v20 =	vor.u32 v52, v17;
	v24 =	vsub.f32 v40, v28  }
0x5b: {  	v27 =	vld.idx.msk [tilespmem:v41+s12+$0x0], $0xffff;
	v12 =	vadd.f32 v60, v29;
	v25 =	vmul.f32 v39, v51;
	v29 =	vmul.f32 v37, v51  }
0x5c: {  	v36 =	vld.idx.msk [tilespmem:v36+s14+$0x0], $0xffff;
	v9 =	vsel vm0, $0x7F800000, v40;
	v63 =	vor.u32 v56, v47;
	v24 =	vadd.f32 v24, v38  }
0x5d: {  	v7 =	vadd.s32 $0xFFFFFFFF, v7;
	v52 =	vld.idx.msk [tilespmem:v14+s12+$0x0], $0xffff;
	v25 =	vadd.f32 v25, v55;
	v14 =	vadd.f32 v29, v55  }
0x5e: {  	v53 =	vor.u32 v53, v7;
	v21 =	vadd.f32 v21, v31;
	v38 =	vld.idx.msk [tilespmem:v46+s16+$0x0], $0xffff;
	(erf) = vrcp.f32 v24  }
0x5f: {  	[tilespmem:v5+s18+$0x0] =	vst.idx.msk $0xffff, v44;
	v13 =	vld.idx.msk [tilespmem:v20+s12+$0x0], $0xffff;
	v31 =	vsel vm1, $0x7F800000, v25;
	v24 =	vsub.f32 v25, v14;
	v25 =	vmul.f32 $9.999999740e-06, v51  }
0x60: {  	v33 =	vsub.f32 v54, v57;
	[tilespmem:v16+s17+$0x0] =	vst.idx.msk $0xffff, v9;
	v20 =	vld.idx.msk [tilespmem:v30+s16+$0x0], $0xffff;
	(erf) = vrcp.f32 v12  }
0x61: {  	[tilespmem:v16+s18+$0x0] =	vst.idx.msk $0xffff, v28;
	v56 =	vld.idx.msk [tilespmem:v63+s12+$0x0], $0xffff;
	(erf) = vrcp.f32 v21;
	v25 =	vadd.f32 v24, v25  }
0x62: {  	v58 =	vsub.f32 v42, v50;
	v9 =	vadd.s32 v30, v49;
	[tilespmem:v5+s19+$0x0] =	vst.idx.msk $0xffff, v32;
	v55 =	vld.idx.msk [tilespmem:v26+s16+$0x0], $0xffff  }
0x63: {  	vm3 =	vmmov vm0;
	v37 =	vld.idx.msk [tilespmem:v46+s15+$0x0], $0xffff;
	v29 =	vsub.f32 v35, v36;
	[tilespmem:v22+s17+$0x0] =	vst.idx.msk $0xffff, v31;
	(erf) = vrcp.f32 v25  }
0x64: {  	vm0 =	vgt.u32 v43, $0x62;
	v45 =	vld.idx.msk [tilespmem:v53+s12+$0x0], $0xffff;
	v21 =	vadd.s32 v26, v41;
	v35 =	vmul.f32 $9.999999740e-06, v38;
	[tilespmem:v22+s18+$0x0] =	vst.idx.msk $0xffff, v14  }
0x65: {  	s31 =	simm.s32 $0x70;
	v24 =	vadd.s32 v46, v34;
	v30 =	vmul.f32 v61, v20;
	v39 =	vmul.f32 v13, v20;
	v34 =	vld.idx.msk [tilespmem:v4+s14+$0x0], $0xffff  }
0x66: {  	[tilespmem:v22+s19+$0x0] =	vst.idx.msk $0xffff, v36;
	v46 =	vmov s31;
	v32 =	vmul.f32 v52, v38;
	v36 =	vld.idx.msk [tilespmem:v47+s14+$0x0], $0xffff;
	v25 =	vor.u32 s31, v0  }
0x67: {  	v26 =	vld.idx.msk [tilespmem:v26+s15+$0x0], $0xffff;
	v31 =	vmul.f32 v27, v55;
	v44 =	vmul.f32 v56, v55;
	v28 =	vand.u32 $0x7F, v25;
	v59 =	vpop (erf)  }
0x68: {  	[tilespmem:v6+s18+$0x0] =	vst.idx.msk $0xffff, v48;
	v40 =	vmin.u32 v28, $0x62;
	v61 =	vmin.u32 v28, $0x63;
	v60 =	vmul.f32 v59, v58  }
0x69: {  	[tilespmem:v6+s19+$0x0] =	vst.idx.msk $0xffff, v57;
	v27 =	vmul.f32 $9.999999740e-06, v55;
	v63 =	vand.u32 $0xF80, v46;
	v42 =	vpop (erf);
	v41 =	vadd.s32 $0xFFFFFFFF, v61  }
0x6a: {  	s24 =	simm.s32 $0x4;
	s25 =	simm.s32 $0xB0;
	[tilespmem:v16+s19+$0x0] =	vst.idx.msk $0xffff, v50;
	v49 =	vor.u32 v63, v40;
	v47 =	vpop (erf);
	v48 =	vor.u32 v63, v41;
	v43 =	vsel vm3, $0x0, v60  }
.LBB2_2:
0x6b: {  	s26 =	sadd.s32 $0xFFFFFFD0, s25;
	s28 =	sadd.s32 $0xFFFFFFF0, s25;
	s24 =	sadd.s32 $0x4, s24;
	v34 =	vsub.f32 v34, v36;
	v50 =	vadd.f32 v32, v37;
	v38 =	vmul.f32 v45, v38;
	v32 =	vmovc v36  }
0x6c: {  	v44 =	vadd.f32 v44, v26;
	v45 =	vor.u32 s26, v0;
	v51 =	vor.u32 s28, v0;
	p0 =	slt.u32 s24, $0xCC;
	v36 =	vld.idx.msk [tilespmem:v19+s14+$0x0], $0xffff;
	v19 =	vpop (erf)  }
0x6d: {  	v46 =	vshrl.u32 v46, $0x7;
	v52 =	vand.u32 $0x4F, v45;
	v53 =	vand.u32 $0x6F, v51;
	v40 =	vld.idx.msk [tilespmem:v40+s14+$0x0], $0xffff  }
0x6e: {  	v47 =	vmul.f32 v47, v8;
	v8 =	vmovc v34;
	v54 =	vmax.u32 v52, $0x1;
	v55 =	vmin.u32 v53, $0x63;
	v41 =	vld.idx.msk [tilespmem:v41+s14+$0x0], $0xffff  }
0x6f: {  	v29 =	vmul.f32 v19, v29;
	v54 =	vsub.s32 v54, v1;
	v34 =	vadd.s32 $0xFFFFFFFF, v55;
	v49 =	vld.idx.msk [tilespmem:v49+s12+$0x0], $0xffff  }
0x70: {  	v56 =	vadd.f32 v39, v23;
	v37 =	vadd.f32 v38, v37;
	v55 =	vmov s26;
	v38 =	vld.idx.msk [tilespmem:v48+s12+$0x0], $0xffff  }
0x71: {  	v33 =	vmul.f32 v42, v33;
	v39 =	vmov s28;
	v19 =	vmin.u32 v53, $0x62;
	s26 =	sadd.s32 $0xFFFFFFE0, s25;
	v48 =	vld.idx.msk [tilespmem:v7+s14+$0x0], $0xffff;
	v7 =	vmovc v34  }
0x72: {  	v47 =	vsel vm2, $0x0, v47;
	v42 =	vor.u32 s26, v0;
	v34 =	vmov s26;
	v57 =	vld.idx.msk [tilespmem:v18+s14+$0x0], $0xffff;
	[tilespmem:v16+s20+$0x0] =	vst.idx.msk $0xffff, v43;
	v16 =	vmovc v24  }
0x73: {  	v29 =	vsel vm1, $0x0, v29;
	v24 =	vshrl.u32 v34, $0x7;
	v18 =	vand.u32 $0x5F, v42;
	v43 =	vld.idx.msk [tilespmem:v46+s16+$0x0], $0xffff;
	[tilespmem:v5+s20+$0x0] =	vst.idx.msk $0xffff, v47;
	v5 =	vmovc v21  }
0x74: {  	v58 =	vand.u32 $0xF80, v39;
	v34 =	vand.u32 $0xF80, v34;
	v21 =	vadd.s32 $0xFFFFFFFF, v18;
	v47 =	vld.idx.msk [tilespmem:v45+s12+$0x0], $0xffff;
	[tilespmem:v22+s20+$0x0] =	vst.idx.msk $0xffff, v29  }
0x75: {  	v22 =	vor.u32 v34, v21;
	v29 =	vor.u32 v58, v19;
	v34 =	vld.idx.msk [tilespmem:v46+s15+$0x0], $0xffff;
	[tilespmem:v6+s20+$0x0] =	vst.idx.msk $0xffff, v33  }
0x76: {  	v30 =	vadd.f32 v30, v23;
	v58 =	vor.u32 v58, v7;
	v33 =	vand.u32 $0xF80, v55;
	v59 =	vld.idx.msk [tilespmem:v17+s14+$0x0], $0xffff;
	v17 =	vmovc v21  }
0x77: {  	v39 =	vshrl.u32 v39, $0x7;
	v6 =	vmovc v9;
	v21 =	vadd.f32 v31, v26;
	v26 =	vsub.f32 v50, v37;
	v60 =	vld.idx.msk [tilespmem:v42+s12+$0x0], $0xffff  }
0x78: {  	v20 =	vmul.f32 $9.999999740e-06, v20;
	v31 =	vshrl.u32 v55, $0x7;
	v55 =	vsub.f32 v30, v56;
	v23 =	vld.idx.msk [tilespmem:v24+s15+$0x0], $0xffff;
	[tilespmem:v9+s17+$0x0] =	vst.idx.msk $0xffff, v30  }
0x79: {  	vm1 =	vgt.u32 v28, $0x62;
	v9 =	vadd.f32 v26, v35;
	v26 =	vmul.f32 v49, v43;
	[tilespmem:v5+s17+$0x0] =	vst.idx.msk $0xffff, v21  }
0x7a: {  	v28 =	vor.u32 v33, v54;
	v30 =	vadd.f32 v55, v20;
	v35 =	vld.idx.msk [tilespmem:v29+s12+$0x0], $0xffff;
	v29 =	vmul.f32 v38, v43  }
0x7b: {  	v21 =	vsub.f32 v21, v44;
	v33 =	vadd.f32 v26, v34;
	v49 =	vld.idx.msk [tilespmem:v22+s12+$0x0], $0xffff;
	(erf) = vrcp.f32 v9  }
0x7c: {  	v20 =	vld.idx.msk [tilespmem:v24+s16+$0x0], $0xffff;
	v55 =	vadd.f32 v29, v34;
	v29 =	vsub.f32 v40, v41;
	(erf) = vrcp.f32 v30  }
0x7d: {  	v9 =	vadd.f32 v21, v27;
	v22 =	vadd.s32 v46, v25;
	v25 =	vsel vm1, $0x7F800000, v33;
	v26 =	vld.idx.msk [tilespmem:v31+s15+$0x0], $0xffff  }
0x7e: {  	v21 =	vsel vm0, $0x7F800000, v50;
	v27 =	vld.idx.msk [tilespmem:v31+s16+$0x0], $0xffff;
	[tilespmem:v5+s18+$0x0] =	vst.idx.msk $0xffff, v44;
	v30 =	vsub.f32 v33, v55;
	v33 =	vmul.f32 $9.999999740e-06, v43  }
0x7f: {  	vm3 =	vmmov vm0;
	vm2 =	veq.s32 v4, $0x0;
	v4 =	vmovc v52;
	v28 =	vld.idx.msk [tilespmem:v28+s12+$0x0], $0xffff;
	[tilespmem:v16+s17+$0x0] =	vst.idx.msk $0xffff, v21;
	(erf) = vrcp.f32 v9  }
0x80: {  	v9 =	vadd.s32 v24, v42;
	v38 =	vld.idx.msk [tilespmem:v39+s16+$0x0], $0xffff;
	[tilespmem:v16+s18+$0x0] =	vst.idx.msk $0xffff, v37;
	v30 =	vadd.f32 v30, v33  }
0x81: {  	v21 =	vadd.s32 v31, v45;
	v33 =	vsub.f32 v57, v59;
	v34 =	vld.idx.msk [tilespmem:v52+s14+$0x0], $0xffff;
	[tilespmem:v16+s19+$0x0] =	vst.idx.msk $0xffff, v48  }
0x82: {  	vm0 =	vgt.u32 v53, $0x62;
	v24 =	vadd.s32 v39, v51;
	v37 =	vld.idx.msk [tilespmem:v39+s15+$0x0], $0xffff;
	[tilespmem:v22+s17+$0x0] =	vst.idx.msk $0xffff, v25;
	(erf) = vrcp.f32 v30  }
0x83: {  	v40 =	vsub.f32 v36, v48;
	v30 =	vmul.f32 v60, v20;
	v45 =	vld.idx.msk [tilespmem:v58+s12+$0x0], $0xffff;
	[tilespmem:v22+s18+$0x0] =	vst.idx.msk $0xffff, v55  }
0x84: {  	v39 =	vmul.f32 v49, v20;
	v31 =	vmul.f32 v47, v27;
	v36 =	vld.idx.msk [tilespmem:v54+s14+$0x0], $0xffff;
	[tilespmem:v22+s19+$0x0] =	vst.idx.msk $0xffff, v41;
	v41 =	vpop (erf)  }
.Ltmp0:
0x85: {  	v25 =	vor.u32 s25, v0;
	v44 =	vmul.f32 v28, v27;
	v27 =	vmul.f32 $9.999999740e-06, v27;
	[tilespmem:v5+s19+$0x0] =	vst.idx.msk $0xffff, v32;
	v42 =	vpop (erf);
	(pc) =	sbr.rel @p0 .LBB2_2-.Ltmp0, $4  }
0x86: {  	v46 =	vmov s25;
	v28 =	vand.u32 $0x7F, v25;
	v43 =	vmul.f32 v41, v40;
	[tilespmem:v6+s18+$0x0] =	vst.idx.msk $0xffff, v56  }
0x87: {  	v32 =	vmul.f32 v35, v38;
	v40 =	vmin.u32 v28, $0x62;
	v41 =	vmin.u32 v28, $0x63;
	[tilespmem:v6+s19+$0x0] =	vst.idx.msk $0xffff, v59  }
0x88: {  	v48 =	vand.u32 $0xF80, v46;
	v35 =	vmul.f32 $9.999999740e-06, v38;
	v41 =	vadd.s32 $0xFFFFFFFF, v41;
	v47 =	vpop (erf)  }
0x89: {  	s25 =	sadd.s32 $0x40, s25;
	v49 =	vor.u32 v48, v40;
	v48 =	vor.u32 v48, v41;
	v43 =	vsel vm3, $0x0, v43  }
0x8a: {  	_ = 	snop  }
0x8b: {  	v46 =	vshrl.u32 v46, $0x7;
	_ =	sdelay $0x2  }
0x8c: {  	v49 =	vld.idx.msk [tilespmem:v49+s12+$0x0], $0xffff  }
0x8d: {  	v48 =	vld.idx.msk [tilespmem:v48+s12+$0x0], $0xffff  }
0x8e: {  	v38 =	vmul.f32 v45, v38;
	v50 =	vld.idx.msk [tilespmem:v46+s16+$0x0], $0xffff  }
0x8f: {  	v32 =	vadd.f32 v32, v37;
	v44 =	vadd.f32 v44, v26;
	v8 =	vmul.f32 v47, v8  }
0x90: {  	v39 =	vadd.f32 v39, v23;
	v33 =	vmul.f32 v42, v33;
	v1 =	vadd.f32 v38, v37;
	v51 =	vld.idx.msk [tilespmem:v46+s15+$0x0], $0xffff  }
0x91: {  	v23 =	vadd.f32 v30, v23;
	v26 =	vadd.f32 v31, v26;
	v20 =	vmul.f32 $9.999999740e-06, v20;
	v63 =	vpop (erf)  }
0x92: {  	v29 =	vmul.f32 v63, v29;
	v8 =	vsel vm2, $0x0, v8;
	v38 =	vsub.f32 v32, v1  }
0x93: {  	v45 =	vsub.f32 v23, v39;
	v30 =	vmul.f32 v49, v50;
	v31 =	vmul.f32 v48, v50  }
0x94: {  	[tilespmem:v16+s20+$0x0] =	vst.idx.msk $0xffff, v43;
	v47 =	vsub.f32 v26, v44;
	v16 =	vsel vm1, $0x0, v29;
	v29 =	vadd.f32 v38, v35  }
0x95: {  	[tilespmem:v5+s20+$0x0] =	vst.idx.msk $0xffff, v8;
	v30 =	vadd.f32 v30, v51;
	v31 =	vadd.f32 v31, v51  }
0x96: {  	v5 =	vadd.f32 v45, v20;
	[tilespmem:v22+s20+$0x0] =	vst.idx.msk $0xffff, v16;
	v16 =	vadd.f32 v47, v27  }
0x97: {  	v18 =	vld.idx.msk [tilespmem:v18+s14+$0x0], $0xffff;
	[tilespmem:v6+s20+$0x0] =	vst.idx.msk $0xffff, v33;
	(erf) = vrcp.f32 v29;
	v20 =	vmul.f32 $9.999999740e-06, v50;
	v8 =	vsub.f32 v30, v31  }
0x98: {  	v6 =	vld.idx.msk [tilespmem:v17+s14+$0x0], $0xffff;
	[tilespmem:v9+s17+$0x0] =	vst.idx.msk $0xffff, v23;
	(erf) = vrcp.f32 v5  }
0x99: {  	[tilespmem:v21+s17+$0x0] =	vst.idx.msk $0xffff, v26;
	(erf) = vrcp.f32 v16;
	v5 =	vadd.f32 v8, v20  }
0x9a: {  	v7 =	vld.idx.msk [tilespmem:v7+s14+$0x0], $0xffff;
	[tilespmem:v21+s18+$0x0] =	vst.idx.msk $0xffff, v44  }
0x9b: {  	[tilespmem:v9+s18+$0x0] =	vst.idx.msk $0xffff, v39;
	v8 =	vadd.s32 v46, v25;
	(erf) = vrcp.f32 v5;
	v5 =	vld.idx.msk [tilespmem:v19+s14+$0x0], $0xffff  }
0x9c: {  	[tilespmem:v21+s19+$0x0] =	vst.idx.msk $0xffff, v36;
	v16 =	vsel vm0, $0x7F800000, v32  }
0x9d: {  	v17 =	vld.idx.msk [tilespmem:v41+s14+$0x0], $0xffff;
	[tilespmem:v24+s17+$0x0] =	vst.idx.msk $0xffff, v16  }
0x9e: {  	vm1 =	vgt.u32 v28, $0x62;
	v16 =	vld.idx.msk [tilespmem:v40+s14+$0x0], $0xffff;
	[tilespmem:v24+s18+$0x0] =	vst.idx.msk $0xffff, v1  }
0x9f: {  	v19 =	vsel vm1, $0x7F800000, v30;
	[tilespmem:v24+s19+$0x0] =	vst.idx.msk $0xffff, v7  }
0xa0: {  	[tilespmem:v8+s17+$0x0] =	vst.idx.msk $0xffff, v19;
	v5 =	vsub.f32 v5, v7;
	v7 =	vpop (erf)  }
0xa1: {  	v19 =	vsub.f32 v34, v36;
	[tilespmem:v8+s18+$0x0] =	vst.idx.msk $0xffff, v31;
	v20 =	vpop (erf)  }
0xa2: {  	vm0 =	vmmov vm0;
	[tilespmem:v8+s19+$0x0] =	vst.idx.msk $0xffff, v17;
	v5 =	vmul.f32 v7, v5;
	v7 =	vpop (erf)  }
0xa3: {  	v16 =	vsub.f32 v16, v17;
	v17 =	vsub.f32 v18, v6;
	v7 =	vmul.f32 v7, v19  }
0xa4: {  	vm2 =	veq.s32 v4, $0x0;
	[tilespmem:v9+s19+$0x0] =	vst.idx.msk $0xffff, v6;
	v4 =	vpop (erf);
	v5 =	vsel vm0, $0x0, v5  }
0xa5: {  	v4 =	vmul.f32 v4, v16;
	v6 =	vsel vm2, $0x0, v7;
	[tilespmem:v24+s20+$0x0] =	vst.idx.msk $0xffff, v5;
	v5 =	vmul.f32 v20, v17  }
0xa6: {  	[tilespmem:v21+s20+$0x0] =	vst.idx.msk $0xffff, v6  }
0xa7: {  	v4 =	vsel vm1, $0x0, v4;
	[tilespmem:v9+s20+$0x0] =	vst.idx.msk $0xffff, v5  }
0xa8: {  	[tilespmem:v8+s20+$0x0] =	vst.idx.msk $0xffff, v4  }
0xa9: {  	v12 =	vld [tilespmem:$0x1FF30];
	_ =	sdelay $0x6  }
0xaa: {  	v4 =	vld.idx.msk [tilespmem:v0+s16+$0x0], $0xffff  }
0xab: {  	v5 =	vld.idx.msk [tilespmem:v12+s16+$0x0], $0xffff;
	_ =	sdelay $0x1  }
0xac: {  	v48 =	vld [tilespmem:$0x1FF40]  }
0xad: {  	v49 =	vld [tilespmem:$0x1FF50]  }
0xae: {  	v50 =	vld [tilespmem:$0x1FF60];
	(erf) = vrcp.f32 v4  }
0xaf: {  	v51 =	vld [tilespmem:$0x1FF70];
	(erf) = vrcp.f32 v5  }
0xb0: {  	v52 =	vld [tilespmem:$0x1FF80]  }
0xb1: {  	v53 =	vld [tilespmem:$0x1FF90];
	_ =	sdelay $0x2  }
0xb2: {  	v23 =	vld.idx.msk [tilespmem:v48+s17+$0x0], $0xffff  }
0xb3: {  	v17 =	vld.idx.msk [tilespmem:v49+s17+$0x0], $0xffff  }
0xb4: {  	v22 =	vld.idx.msk [tilespmem:v50+s17+$0x0], $0xffff  }
0xb5: {  	v11 =	vld.idx.msk [tilespmem:v51+s17+$0x0], $0xffff;
	v14 =	vpop (erf)  }
0xb6: {  	v3 =	vld.idx.msk [tilespmem:v52+s17+$0x0], $0xffff;
	v1 =	vpop (erf)  }
0xb7: {  	v10 =	vld.idx.msk [tilespmem:v53+s17+$0x0], $0xffff;
	_ =	swait.ge [sflag:s21], $0x8000  }
0xb8: {  	[sflag:s21] =	ssyncset.done $0x0  }
0xb9: {  	s24 =	simm.s32 $0x100;
	v13 =	vld [tilespmem:$0x1FFA0];
	[sflag:s21] =	ssyncadd.s32 $0xFFFF8000  }
0xba: {  	v7 =	vld [tilespmem:s24+$0x80]  }
0xbb: {  	v61 =	vld [tilespmem:$0x1FFB0];
	_ =	sdelay $0x2  }
0xbc: {  	v4 =	vld [tilespmem:s24+$0xFFFFFF00]  }
0xbd: {  	v6 =	vld [tilespmem:s24+$0x0];
	vm0 =	vlt.f32 v23, v7  }
0xbe: {  	v5 =	vld [tilespmem:s24+$0xFFFFFF80];
	v8 =	vsel vm0, v61, v13;
	v9 =	vsel vm0, v22, v17  }
0xbf: {  	vm0 =	vlt.f32 v9, v7;
	v9 =	vor.u32 $0x20, v8  }
0xc0: {  	v8 =	vsel vm0, v9, v8  }
0xc1: {  	vm2 =	vlt.f32 v23, v4;
	v9 =	vadd.s32 $0xF, v8  }
0xc2: {  	vm1 =	vlt.f32 v23, v6;
	v25 =	vsel vm2, v61, v13  }
0xc3: {  	v26 =	vsel vm2, v22, v17;
	v29 =	vsel vm1, v22, v17;
	vm0 =	vlt.f32 v23, v5  }
0xc4: {  	v28 =	vsel vm1, v61, v13;
	vm2 =	vlt.f32 v29, v6;
	v24 =	vsel vm0, v61, v13  }
0xc5: {  	v27 =	vsel vm0, v22, v17;
	vm0 =	vlt.f32 v26, v4;
	v26 =	vor.u32 $0x20, v25  }
0xc6: {  	vm1 =	vlt.f32 v27, v5;
	v27 =	vor.u32 $0x20, v24;
	v25 =	vsel vm0, v26, v25;
	v9 =	vld.idx.msk [tilespmem:v9+s17+$0x0], $0xffff  }
0xc7: {  	v26 =	vor.u32 $0x20, v28;
	v24 =	vsel vm1, v27, v24;
	v27 =	vadd.s32 $0xF, v25  }
0xc8: {  	v26 =	vsel vm2, v26, v28;
	v29 =	vadd.s32 $0xF, v24  }
0xc9: {  	v28 =	vadd.s32 $0xF, v26;
	_ =	sdelay $0x1  }
0xca: {  	vm0 =	vlt.f32 v9, v7;
	v9 =	vor.u32 $0x10, v8  }
0xcb: {  	v27 =	vld.idx.msk [tilespmem:v27+s17+$0x0], $0xffff;
	v8 =	vsel vm0, v9, v8  }
0xcc: {  	v29 =	vld.idx.msk [tilespmem:v29+s17+$0x0], $0xffff;
	v9 =	vadd.s32 $0x7, v8  }
0xcd: {  	v28 =	vld.idx.msk [tilespmem:v28+s17+$0x0], $0xffff;
	_ =	sdelay $0x2  }
0xce: {  	v30 =	vor.u32 $0x10, v25;
	v31 =	vor.u32 $0x10, v24;
	vm0 =	vlt.f32 v27, v4  }
0xcf: {  	v27 =	vor.u32 $0x10, v26;
	v25 =	vsel vm0, v30, v25;
	vm0 =	vlt.f32 v29, v5;
	v9 =	vld.idx.msk [tilespmem:v9+s17+$0x0], $0xffff  }
0xd0: {  	v29 =	vadd.s32 $0x7, v25;
	v24 =	vsel vm0, v31, v24;
	vm0 =	vlt.f32 v28, v6  }
0xd1: {  	v28 =	vadd.s32 $0x7, v24;
	v26 =	vsel vm0, v27, v26  }
0xd2: {  	v27 =	vadd.s32 $0x7, v26;
	_ =	sdelay $0x1  }
0xd3: {  	vm0 =	vlt.f32 v9, v7;
	v9 =	vadd.s32 $0x8, v8  }
0xd4: {  	v29 =	vld.idx.msk [tilespmem:v29+s17+$0x0], $0xffff;
	v8 =	vsel vm0, v9, v8  }
0xd5: {  	v28 =	vld.idx.msk [tilespmem:v28+s17+$0x0], $0xffff;
	v9 =	vadd.s32 $0x3, v8  }
0xd6: {  	v27 =	vld.idx.msk [tilespmem:v27+s17+$0x0], $0xffff;
	_ =	sdelay $0x2  }
0xd7: {  	v30 =	vadd.s32 $0x8, v25;
	v31 =	vadd.s32 $0x8, v24;
	vm0 =	vlt.f32 v29, v4  }
0xd8: {  	v29 =	vadd.s32 $0x8, v26;
	v25 =	vsel vm0, v30, v25;
	vm0 =	vlt.f32 v28, v5;
	v9 =	vld.idx.msk [tilespmem:v9+s17+$0x0], $0xffff  }
0xd9: {  	v28 =	vadd.s32 $0x3, v25;
	v24 =	vsel vm0, v31, v24;
	vm0 =	vlt.f32 v27, v6  }
0xda: {  	v27 =	vadd.s32 $0x3, v24;
	v26 =	vsel vm0, v29, v26  }
0xdb: {  	v29 =	vadd.s32 $0x3, v26;
	_ =	sdelay $0x1  }
0xdc: {  	vm0 =	vlt.f32 v9, v7;
	v9 =	vadd.s32 $0x4, v8  }
0xdd: {  	v28 =	vld.idx.msk [tilespmem:v28+s17+$0x0], $0xffff;
	v8 =	vsel vm0, v9, v8  }
0xde: {  	v27 =	vld.idx.msk [tilespmem:v27+s17+$0x0], $0xffff;
	v9 =	vadd.s32 $0x1, v8  }
0xdf: {  	v29 =	vld.idx.msk [tilespmem:v29+s17+$0x0], $0xffff;
	_ =	sdelay $0x2  }
0xe0: {  	v30 =	vadd.s32 $0x4, v25;
	vm0 =	vlt.f32 v28, v4  }
0xe1: {  	v31 =	vadd.s32 $0x4, v24;
	v25 =	vsel vm0, v30, v25;
	vm0 =	vlt.f32 v27, v5;
	v9 =	vld.idx.msk [tilespmem:v9+s17+$0x0], $0xffff  }
0xe2: {  	v28 =	vadd.s32 $0x4, v26;
	v24 =	vsel vm0, v31, v24;
	vm0 =	vlt.f32 v29, v6  }
0xe3: {  	v26 =	vsel vm0, v28, v26  }
0xe4: {  	v28 =	vadd.s32 $0x1, v26  }
0xe5: {  	v27 =	vadd.s32 $0x1, v25  }
0xe6: {  	v29 =	vadd.s32 $0x1, v24;
	vm0 =	vlt.f32 v9, v7;
	v9 =	vadd.s32 $0x2, v8  }
0xe7: {  	v8 =	vsel vm0, v9, v8;
	_ =	sdelay $0x1  }
0xe8: {  	v28 =	vld.idx.msk [tilespmem:v28+s17+$0x0], $0xffff  }
0xe9: {  	v9 =	vld.idx.msk [tilespmem:v27+s17+$0x0], $0xffff  }
0xea: {  	v27 =	vld.idx.msk [tilespmem:v29+s17+$0x0], $0xffff  }
0xeb: {  	v29 =	vld.idx.msk [tilespmem:v8+s17+$0x0], $0xffff;
	_ =	sdelay $0x2  }
0xec: {  	v30 =	vadd.s32 $0x2, v25;
	v31 =	vadd.s32 $0x2, v24;
	vm0 =	vlt.f32 v9, v4  }
0xed: {  	v9 =	vadd.s32 $0x2, v26;
	v25 =	vsel vm0, v30, v25;
	vm0 =	vlt.f32 v27, v5  }
0xee: {  	v24 =	vsel vm0, v31, v24;
	vm0 =	vlt.f32 v28, v6;
	vm1 =	vlt.f32 v29, v7  }
0xef: {  	v9 =	vsel vm0, v9, v26;
	v26 =	vsel vm1, $0x1, v62  }
0xf0: {  	v8 =	vadd.s32 v26, v8;
	_ =	sdelay $0x1  }
0xf1: {  	v26 =	vld.idx.msk [tilespmem:v25+s17+$0x0], $0xffff  }
0xf2: {  	v27 =	vld.idx.msk [tilespmem:v24+s17+$0x0], $0xffff  }
0xf3: {  	v28 =	vld.idx.msk [tilespmem:v9+s17+$0x0], $0xffff  }
0xf4: {  	v29 =	vld.idx.msk [tilespmem:v8+s18+$0x0], $0xffff;
	_ =	sdelay $0x1  }
0xf5: {  	vm0 =	vlt.f32 v26, v4  }
0xf6: {  	v26 =	vsel vm0, $0x1, v62;
	vm0 =	vlt.f32 v27, v5  }
0xf7: {  	v0 =	vadd.s32 v26, v25;
	v26 =	vsel vm0, $0x1, v62;
	vm0 =	vlt.f32 v28, v6  }
0xf8: {  	v24 =	vadd.s32 v26, v24;
	v26 =	vsel vm0, $0x1, v62;
	v27 =	vsub.f32 v7, v29  }
0xf9: {  	v9 =	vadd.s32 v26, v9  }
0xfa: {  	v26 =	vand.u32 $0x7FFFFFFF, v27  }
0xfb: {  	v26 =	vmul.f32 v26, v14  }
0xfc: {  	v28 =	vld.idx.msk [tilespmem:v0+s18+$0x0], $0xffff  }
0xfd: {  	v30 =	vld.idx.msk [tilespmem:v24+s18+$0x0], $0xffff;
	v26 =	vmul.f32 $-2.000000000e+00, v26  }
0xfe: {  	v31 =	vld.idx.msk [tilespmem:v9+s18+$0x0], $0xffff  }
0xff: {  	v26 =	vmul.f32 $1.442695020e+00, v26;
	_ =	sdelay $0x1  }
0x100: {  	v32 =	vsub.f32 v4, v28;
	(erf) = vpow2.f32 v26  }
0x101: {  	v26 =	vsub.f32 v5, v30  }
0x102: {  	v54 =	vand.u32 $0x7FFFFFFF, v32;
	v34 =	vsub.f32 v6, v31  }
0x103: {  	v33 =	vmul.f32 v54, v14;
	v55 =	vand.u32 $0x7FFFFFFF, v26  }
0x104: {  	v56 =	vand.u32 $0x7FFFFFFF, v34;
	v35 =	vmul.f32 v55, v14  }
0x105: {  	v33 =	vmul.f32 $-2.000000000e+00, v33;
	v36 =	vmul.f32 v56, v14  }
0x106: {  	v35 =	vmul.f32 $-2.000000000e+00, v35  }
0x107: {  	v33 =	vmul.f32 $1.442695020e+00, v33;
	v36 =	vmul.f32 $-2.000000000e+00, v36  }
0x108: {  	v35 =	vmul.f32 $1.442695020e+00, v35  }
0x109: {  	v36 =	vmul.f32 $1.442695020e+00, v36;
	(erf) = vpow2.f32 v33;
	v57 =	vpop (erf)  }
0x10a: {  	(erf) = vpow2.f32 v35;
	v58 =	vadd.f32 $1.000000000e+00, v57  }
0x10b: {  	(erf) = vpow2.f32 v36  }
0x10c: {  	(erf) = vrcp.f32 v58;
	_ =	sdelay $0x3  }
0x10d: {  	v16 =	vld [tilespmem:$0x1FFC0];
	_ =	sdelay $0x1  }
0x10e: {  	v59 =	vpop (erf)  }
0x10f: {  	s29 =	simm.s32 $0x180;
	v63 =	vld.idx.msk [tilespmem:v8+s19+$0x0], $0xffff;
	v60 =	vpop (erf)  }
0x110: {  	s25 =	simm.s32 $0x80;
	s3 =	simm.s32 $0x0;
	v41 =	vor.u32 s29, v12;
	v50 =	vld.idx.msk [tilespmem:v8+s20+$0x0], $0xffff;
	v33 =	vsub.f32 $1.000000000e+00, v57;
	v49 =	vpop (erf)  }
0x111: {  	v19 =	vor.u32 s25, v12;
	v20 =	vor.u32 s3, v12;
	v8 =	vadd.s32 v16, v8;
	v52 =	vpop (erf)  }
0x112: {  	vm4 =	veq.s32 v8, $0x63;
	vm5 =	veq.s32 v8, $0x0;
	v33 =	vmul.f32 v52, v33  }
0x113: {  	v47 =	vadd.s32 v16, v0;
	v48 =	vadd.s32 v16, v24;
	v51 =	vadd.s32 v16, v9  }
0x114: {  	vm6 =	vlt.f32 v7, v29;
	v54 =	vsub.f32 $1.000000000e+00, v63;
	v8 =	vxor.u32 $0x80000000, v33  }
0x115: {  	v27 =	vmul.f32 v50, v27;
	v53 =	vadd.f32 $1.000000000e+00, v59;
	v8 =	vmul.f32 v8, v63  }
0x116: {  	vm12 =	vgt.f32 v7, v29;
	vm5 =	vmand vm6, vm5;
	v29 =	vld.idx.msk [tilespmem:v9+s19+$0x0], $0xffff;
	v7 =	vmul.f32 v33, v54  }
0x117: {  	vm4 =	vmand vm12, vm4;
	v9 =	vld.idx.msk [tilespmem:v9+s20+$0x0], $0xffff;
	(erf) = vrcp.f32 v53;
	v8 =	vsel vm5, v8, v27  }
0x118: {  	vm1 =	veq.s32 v47, $0x0;
	vm0 =	veq.s32 v47, $0x63;
	v56 =	vld.idx.msk [tilespmem:v24+s19+$0x0], $0xffff;
	v7 =	vsel vm4, v7, v8  }
0x119: {  	vm2 =	veq.s32 v48, $0x0;
	v8 =	vld.idx.msk [tilespmem:v24+s20+$0x0], $0xffff;
	v24 =	vadd.f32 $1.000000000e+00, v60;
	v7 =	vadd.f32 v7, v63  }
0x11a: {  	s30 =	simm.s32 $0x8100;
	vm14 =	vlt.f32 v4, v28;
	vm15 =	vgt.f32 v4, v28;
	v55 =	vld.idx.msk [tilespmem:v0+s19+$0x0], $0xffff;
	v4 =	vadd.f32 $1.000000000e+00, v49  }
0x11b: {  	vm13 =	veq.s32 v48, $0x63;
	vm3 =	veq.s32 v51, $0x0;
	v0 =	vld.idx.msk [tilespmem:v0+s20+$0x0], $0xffff;
	(erf) = vrcp.f32 v24;
	[tilespmem:s30+$0x80] =	vst v7  }
0x11c: {  	vm7 =	veq.s32 v51, $0x63;
	vm8 =	vlt.f32 v5, v30;
	(erf) = vrcp.f32 v4;
	v4 =	vld.idx.msk [tilespmem:v41+s5+$0x0], $0xffff  }
0x11d: {  	vm9 =	vlt.f32 v6, v31;
	v28 =	vsub.f32 $1.000000000e+00, v29;
	vm2 =	vmand vm8, vm2;
	v18 =	vld [tilespmem:$0x1FFD0]  }
0x11e: {  	vm12 =	vgt.f32 v6, v31;
	v9 =	vmul.f32 v9, v34;
	vm4 =	vmand vm14, vm1;
	v15 =	vld [tilespmem:$0x1FFE0]  }
0x11f: {  	vm1 =	vmand vm9, vm3;
	vm3 =	vgt.f32 v5, v30;
	v5 =	vsub.f32 $1.000000000e+00, v59  }
0x120: {  	v32 =	vmul.f32 v0, v32;
	v6 =	vsub.f32 $1.000000000e+00, v60;
	v27 =	vsub.f32 $1.000000000e+00, v56;
	v24 =	vpop (erf)  }
0x121: {  	v30 =	vsub.f32 $1.000000000e+00, v49;
	vm3 =	vmand vm3, vm13;
	v31 =	vmul.f32 v24, v5  }
0x122: {  	v7 =	vsub.f32 $1.000000000e+00, v55;
	v8 =	vmul.f32 v8, v26;
	vm13 =	vlt.f32 v11, v4  }
0x123: {  	v63 =	vxor.u32 $0x80000000, v31;
	v26 =	vsel vm13, v15, v18;
	v57 =	vsel vm13, v10, v3  }
0x124: {  	s31 =	simm.s32 $0x300;
	v42 =	vmul.f32 v63, v55;
	vm6 =	vlt.f32 v57, v4;
	v5 =	vor.u32 $0x20, v26;
	v58 =	vpop (erf)  }
0x125: {  	v31 =	vmul.f32 v31, v7;
	v59 =	vsel vm6, v5, v26;
	v6 =	vmul.f32 v58, v6;
	v5 =	vld [tilespmem:s31+$0x80]  }
0x126: {  	vm5 =	vmand vm15, vm0;
	v32 =	vsel vm4, v42, v32;
	v60 =	vpop (erf);
	v40 =	vadd.s32 $0xF, v59  }
0x127: {  	v31 =	vsel vm5, v31, v32;
	v30 =	vmul.f32 v60, v30;
	v7 =	vxor.u32 $0x80000000, v6  }
0x128: {  	vm0 =	vmand vm12, vm7;
	v31 =	vadd.f32 v31, v55;
	v43 =	vmul.f32 v7, v56  }
0x129: {  	v27 =	vmul.f32 v6, v27;
	v6 =	vxor.u32 $0x80000000, v30;
	v7 =	vld [tilespmem:s31+$0xFFFFFF80];
	v28 =	vmul.f32 v30, v28  }
0x12a: {  	v30 =	vmul.f32 v6, v29;
	v6 =	vld [tilespmem:s31+$0x0];
	v8 =	vsel vm2, v43, v8;
	vm2 =	vlt.f32 v23, v5  }
0x12b: {  	v44 =	vld.idx.msk [tilespmem:v40+s17+$0x0], $0xffff;
	v27 =	vsel vm3, v27, v8;
	v46 =	vsel vm2, v61, v13;
	v47 =	vsel vm2, v22, v17  }
0x12c: {  	v8 =	vld [tilespmem:s31+$0xFFFFFF00];
	v9 =	vsel vm1, v30, v9;
	vm1 =	vlt.f32 v47, v5;
	v30 =	vor.u32 $0x20, v46  }
0x12d: {  	v27 =	vadd.f32 v27, v56;
	v9 =	vsel vm0, v28, v9;
	v28 =	vadd.s32 $0x10, v59  }
0x12e: {  	v30 =	vsel vm1, v30, v46;
	v9 =	vadd.f32 v9, v29;
	vm0 =	vlt.f32 v23, v7  }
0x12f: {  	[tilespmem:s30+$0xFFFFFF00] =	vst v31;
	v33 =	vadd.s32 $0xF, v30;
	vm1 =	vlt.f32 v23, v6;
	v31 =	vsel vm0, v61, v13  }
0x130: {  	v50 =	vsel vm0, v22, v17;
	v52 =	vsel vm1, v61, v13;
	v53 =	vsel vm1, v22, v17  }
0x131: {  	[tilespmem:$0x1FEA0] =	vst v20;
	vm2 =	vlt.f32 v44, v4;
	vm3 =	vlt.f32 v23, v8;
	vm1 =	vlt.f32 v53, v6  }
0x132: {  	[tilespmem:s30+$0xFFFFFF80] =	vst v27;
	v32 =	vsel vm2, v28, v59;
	v27 =	vsel vm3, v61, v13;
	v48 =	vsel vm3, v22, v17  }
0x133: {  	v28 =	vld.idx.msk [tilespmem:v20+s5+$0x0], $0xffff;
	[tilespmem:$0x1FEB0] =	vst v19;
	v49 =	vadd.s32 $0x7, v32;
	vm0 =	vlt.f32 v48, v8;
	v51 =	vor.u32 $0x20, v27  }
0x134: {  	v54 =	vor.u32 $0x20, v31;
	v29 =	vld.idx.msk [tilespmem:v19+s5+$0x0], $0xffff;
	[tilespmem:$0x1FEC0] =	vst v17;
	v34 =	vsel vm0, v51, v27;
	vm0 =	vlt.f32 v50, v7  }
0x135: {  	v56 =	vor.u32 $0x20, v52;
	v27 =	vld.idx.msk [tilespmem:v33+s17+$0x0], $0xffff;
	v55 =	vadd.s32 $0xF, v34;
	v31 =	vsel vm0, v54, v31  }
0x136: {  	s26 =	simm.s32 $0x100;
	v33 =	vsel vm1, v56, v52;
	v57 =	vadd.s32 $0xF, v31  }
0x137: {  	v0 =	vor.u32 s26, v12;
	v50 =	vadd.s32 $0x8, v32;
	v59 =	vadd.s32 $0xF, v33  }
0x138: {  	[tilespmem:s30+$0x0] =	vst v9;
	v9 =	vor.u32 $0x10, v34;
	v56 =	vor.u32 $0x10, v33;
	vm0 =	vlt.f32 v11, v28;
	v35 =	vld.idx.msk [tilespmem:v49+s17+$0x0], $0xffff  }
0x139: {  	v58 =	vsel vm0, v15, v18;
	vm1 =	vlt.f32 v11, v29;
	v60 =	vsel vm0, v10, v3  }
0x13a: {  	vm2 =	vlt.f32 v27, v5;
	v27 =	vor.u32 $0x10, v30;
	v63 =	vsel vm1, v15, v18;
	v36 =	vld.idx.msk [tilespmem:v55+s17+$0x0], $0xffff;
	[tilespmem:$0x1FED0] =	vst v0  }
0x13b: {  	vm0 =	vlt.f32 v60, v28;
	v48 =	vor.u32 $0x20, v58;
	v30 =	vsel vm2, v27, v30;
	v38 =	vld.idx.msk [tilespmem:v57+s17+$0x0], $0xffff  }
0x13c: {  	v51 =	vsel vm1, v10, v3;
	v37 =	vsel vm0, v48, v58;
	v49 =	vadd.s32 $0x7, v30;
	v39 =	vld.idx.msk [tilespmem:v59+s17+$0x0], $0xffff  }
0x13d: {  	v53 =	vor.u32 $0x20, v63;
	v52 =	vadd.s32 $0xF, v37;
	vm0 =	vlt.f32 v35, v4  }
0x13e: {  	v55 =	vor.u32 $0x10, v31;
	v27 =	vld.idx.msk [tilespmem:v0+s5+$0x0], $0xffff;
	v32 =	vsel vm0, v50, v32;
	vm0 =	vlt.f32 v51, v29  }
0x13f: {  	v54 =	vadd.s32 $0x3, v32;
	v35 =	vsel vm0, v53, v63;
	vm0 =	vlt.f32 v36, v8  }
0x140: {  	v42 =	vadd.s32 $0xF, v35;
	v9 =	vsel vm0, v9, v34;
	vm1 =	vlt.f32 v38, v7  }
0x141: {  	v57 =	vld.idx.msk [tilespmem:v49+s17+$0x0], $0xffff;
	v58 =	vadd.s32 $0x7, v9;
	v31 =	vsel vm1, v55, v31;
	vm1 =	vlt.f32 v39, v6  }
0x142: {  	v60 =	vld.idx.msk [tilespmem:v52+s17+$0x0], $0xffff;
	v45 =	vadd.s32 $0x7, v31;
	v33 =	vsel vm1, v56, v33  }
0x143: {  	v50 =	vadd.s32 $0x8, v30;
	vm0 =	vlt.f32 v11, v27;
	v49 =	vadd.s32 $0x7, v33  }
0x144: {  	v51 =	vadd.s32 $0x10, v37;
	v59 =	vsel vm0, v15, v18;
	v63 =	vsel vm0, v10, v3;
	v0 =	vld.idx.msk [tilespmem:v54+s17+$0x0], $0xffff  }
0x145: {  	v53 =	vadd.s32 $0x4, v32;
	vm0 =	vlt.f32 v63, v27;
	v48 =	vor.u32 $0x20, v59;
	v42 =	vld.idx.msk [tilespmem:v42+s17+$0x0], $0xffff  }
0x146: {  	v56 =	vadd.s32 $0x10, v35;
	v40 =	vsel vm0, v48, v59;
	vm0 =	vlt.f32 v57, v5;
	v38 =	vld.idx.msk [tilespmem:v58+s17+$0x0], $0xffff  }
0x147: {  	v43 =	vadd.s32 $0xF, v40;
	v30 =	vsel vm0, v50, v30;
	vm0 =	vlt.f32 v60, v28;
	v45 =	vld.idx.msk [tilespmem:v45+s17+$0x0], $0xffff  }
0x148: {  	v59 =	vadd.s32 $0x8, v31;
	v52 =	vadd.s32 $0x3, v30;
	v34 =	vsel vm0, v51, v37;
	v54 =	vld.idx.msk [tilespmem:v49+s17+$0x0], $0xffff  }
0x149: {  	v63 =	vadd.s32 $0x8, v33;
	v55 =	vadd.s32 $0x7, v34;
	vm0 =	vlt.f32 v0, v4  }
0x14a: {  	v58 =	vadd.s32 $0x8, v9;
	v32 =	vsel vm0, v53, v32;
	vm0 =	vlt.f32 v42, v29  }
0x14b: {  	v57 =	vadd.s32 $0x1, v32;
	v35 =	vsel vm0, v56, v35;
	vm0 =	vlt.f32 v38, v8  }
0x14c: {  	v43 =	vld.idx.msk [tilespmem:v43+s17+$0x0], $0xffff;
	v36 =	vadd.s32 $0x7, v35;
	v9 =	vsel vm0, v58, v9;
	vm0 =	vlt.f32 v45, v7  }
0x14d: {  	v39 =	vld.idx.msk [tilespmem:v52+s17+$0x0], $0xffff;
	v60 =	vadd.s32 $0x3, v9;
	v31 =	vsel vm0, v59, v31;
	vm0 =	vlt.f32 v54, v6  }
0x14e: {  	v0 =	vld.idx.msk [tilespmem:v55+s17+$0x0], $0xffff;
	v38 =	vadd.s32 $0x3, v31;
	v33 =	vsel vm0, v63, v33  }
0x14f: {  	v49 =	vadd.s32 $0x3, v33  }
0x150: {  	v48 =	vadd.s32 $0x10, v40;
	v42 =	vld.idx.msk [tilespmem:v57+s17+$0x0], $0xffff  }
0x151: {  	v50 =	vadd.s32 $0x4, v30;
	v51 =	vadd.s32 $0x8, v34;
	vm0 =	vlt.f32 v43, v27;
	v36 =	vld.idx.msk [tilespmem:v36+s17+$0x0], $0xffff  }
0x152: {  	v56 =	vadd.s32 $0x8, v35;
	v40 =	vsel vm0, v48, v40;
	vm0 =	vlt.f32 v39, v5;
	v45 =	vld.idx.msk [tilespmem:v60+s17+$0x0], $0xffff  }
0x153: {  	v44 =	vadd.s32 $0x7, v40;
	v30 =	vsel vm0, v50, v30;
	vm0 =	vlt.f32 v0, v28;
	v52 =	vld.idx.msk [tilespmem:v38+s17+$0x0], $0xffff  }
0x154: {  	v54 =	vadd.s32 $0x2, v32;
	v53 =	vadd.s32 $0x1, v30;
	v34 =	vsel vm0, v51, v34;
	v55 =	vld.idx.msk [tilespmem:v49+s17+$0x0], $0xffff  }
0x155: {  	v58 =	vadd.s32 $0x4, v9;
	v57 =	vadd.s32 $0x3, v34;
	vm1 =	vlt.f32 v42, v4  }
0x156: {  	v63 =	vadd.s32 $0x4, v31;
	v32 =	vsel vm1, v54, v32;
	vm0 =	vlt.f32 v36, v29  }
0x157: {  	v49 =	vadd.s32 $0x4, v33;
	v35 =	vsel vm0, v56, v35;
	vm0 =	vlt.f32 v45, v8  }
0x158: {  	v59 =	vld.idx.msk [tilespmem:v44+s17+$0x0], $0xffff;
	v60 =	vadd.s32 $0x3, v35;
	v9 =	vsel vm0, v58, v9;
	vm0 =	vlt.f32 v52, v7  }
0x159: {  	v0 =	vld.idx.msk [tilespmem:v53+s17+$0x0], $0xffff;
	v48 =	vadd.s32 $0x1, v9;
	v31 =	vsel vm0, v63, v31;
	vm0 =	vlt.f32 v55, v6  }
0x15a: {  	v51 =	vld.idx.msk [tilespmem:v57+s17+$0x0], $0xffff;
	v52 =	vadd.s32 $0x1, v31;
	v45 =	vsel vm0, v49, v33  }
0x15b: {  	v50 =	vld.idx.msk [tilespmem:v32+s17+$0x0], $0xffff;
	v33 =	vadd.s32 $0x1, v45;
	_ =	sdelay $0x1  }
0x15c: {  	v54 =	vadd.s32 $0x4, v34;
	v53 =	vadd.s32 $0x8, v40;
	v44 =	vld.idx.msk [tilespmem:v60+s17+$0x0], $0xffff  }
0x15d: {  	v55 =	vadd.s32 $0x2, v30;
	vm0 =	vlt.f32 v59, v27;
	vm1 =	vlt.f32 v0, v5;
	v38 =	vld.idx.msk [tilespmem:v48+s17+$0x0], $0xffff  }
0x15e: {  	v39 =	vsel vm0, v53, v40;
	v37 =	vsel vm1, v55, v30;
	vm1 =	vlt.f32 v51, v28;
	v57 =	vld.idx.msk [tilespmem:v52+s17+$0x0], $0xffff  }
0x15f: {  	v56 =	vadd.s32 $0x3, v39;
	v34 =	vsel vm1, v54, v34;
	vm0 =	vlt.f32 v50, v4;
	v33 =	vld.idx.msk [tilespmem:v33+s17+$0x0], $0xffff  }
0x160: {  	v59 =	vadd.s32 $0x1, v34;
	v30 =	vsel vm0, $0x1, v62  }
0x161: {  	v58 =	vadd.s32 $0x4, v35;
	v30 =	vadd.s32 v30, v32;
	vm0 =	vlt.f32 v44, v29  }
0x162: {  	v60 =	vadd.s32 $0x2, v9;
	vm1 =	vlt.f32 v38, v8;
	v35 =	vsel vm0, v58, v35  }
0x163: {  	v63 =	vld.idx.msk [tilespmem:v37+s17+$0x0], $0xffff;
	v38 =	vsel vm1, v60, v9;
	v9 =	vadd.s32 $0x2, v31;
	vm0 =	vlt.f32 v57, v7  }
0x164: {  	v47 =	vadd.s32 $0x2, v45;
	v36 =	vld.idx.msk [tilespmem:v56+s17+$0x0], $0xffff;
	v31 =	vsel vm0, v9, v31;
	vm0 =	vlt.f32 v33, v6  }
0x165: {  	v42 =	vld.idx.msk [tilespmem:v59+s17+$0x0], $0xffff;
	v40 =	vsel vm0, v47, v45  }
0x166: {  	v33 =	vld.idx.msk [tilespmem:v30+s18+$0x0], $0xffff  }
0x167: {  	v0 =	vadd.s32 $0x1, v35  }
0x168: {  	vm0 =	vlt.f32 v63, v5;
	v48 =	vld.idx.msk [tilespmem:v38+s17+$0x0], $0xffff  }
0x169: {  	v9 =	vsel vm0, $0x1, v62;
	v51 =	vld.idx.msk [tilespmem:v31+s17+$0x0], $0xffff  }
0x16a: {  	v50 =	vadd.s32 $0x4, v39;
	v52 =	vadd.s32 $0x2, v34;
	v9 =	vadd.s32 v9, v37;
	v53 =	vld.idx.msk [tilespmem:v40+s17+$0x0], $0xffff  }
0x16b: {  	vm0 =	vlt.f32 v36, v27;
	vm1 =	vlt.f32 v42, v28;
	v46 =	vsub.f32 v4, v33  }
0x16c: {  	v49 =	vld.idx.msk [tilespmem:v0+s17+$0x0], $0xffff;
	v39 =	vsel vm0, v50, v39;
	v34 =	vsel vm1, v52, v34  }
0x16d: {  	v55 =	vadd.s32 $0x1, v39;
	v54 =	vand.u32 $0x7FFFFFFF, v46;
	vm0 =	vlt.f32 v48, v8  }
0x16e: {  	v37 =	vmul.f32 v54, v1;
	v44 =	vsel vm0, $0x1, v62;
	vm0 =	vlt.f32 v51, v7  }
0x16f: {  	v32 =	vld.idx.msk [tilespmem:v9+s18+$0x0], $0xffff;
	v38 =	vadd.s32 v44, v38;
	v57 =	vsel vm0, $0x1, v62;
	vm0 =	vlt.f32 v53, v6  }
0x170: {  	v56 =	vadd.s32 $0x2, v35;
	v44 =	vadd.s32 v57, v31;
	v31 =	vsel vm0, $0x1, v62  }
0x171: {  	vm1 =	vlt.f32 v49, v29;
	v37 =	vmul.f32 $-2.000000000e+00, v37;
	v40 =	vadd.s32 v31, v40  }
0x172: {  	v35 =	vsel vm1, v56, v35;
	v58 =	vld.idx.msk [tilespmem:v34+s17+$0x0], $0xffff  }
0x173: {  	v31 =	vld.idx.msk [tilespmem:v55+s17+$0x0], $0xffff;
	v37 =	vmul.f32 $1.442695020e+00, v37  }
0x174: {  	v59 =	vadd.s32 $0x2, v39;
	v60 =	vadd.s32 v16, v38;
	v47 =	vsub.f32 v5, v32;
	v0 =	vld.idx.msk [tilespmem:v38+s18+$0x0], $0xffff  }
0x175: {  	v63 =	vadd.s32 v16, v44;
	vm1 =	veq.s32 v60, $0x0;
	(erf) = vpow2.f32 v37;
	v42 =	vld.idx.msk [tilespmem:v44+s18+$0x0], $0xffff  }
0x176: {  	vm2 =	veq.s32 v60, $0x63;
	v53 =	vadd.s32 v16, v40;
	v55 =	vand.u32 $0x7FFFFFFF, v47;
	v50 =	vld.idx.msk [tilespmem:v40+s18+$0x0], $0xffff  }
0x177: {  	vm3 =	veq.s32 v63, $0x0;
	v54 =	vld.idx.msk [tilespmem:v35+s17+$0x0], $0xffff;
	vm0 =	vlt.f32 v58, v28;
	v36 =	vmul.f32 v55, v14  }
0x178: {  	vm5 =	veq.s32 v63, $0x63;
	vm6 =	veq.s32 v53, $0x0;
	v56 =	vsel vm0, $0x1, v62  }
0x179: {  	vm0 =	vlt.f32 v31, v27;
	v36 =	vmul.f32 $-2.000000000e+00, v36;
	v57 =	vsub.f32 v8, v0  }
0x17a: {  	vm7 =	veq.s32 v53, $0x63;
	v51 =	vsel vm0, v59, v39;
	v58 =	vsub.f32 v7, v42  }
0x17b: {  	v36 =	vmul.f32 $1.442695020e+00, v36;
	v59 =	vand.u32 $0x7FFFFFFF, v57;
	v49 =	vsub.f32 v6, v50  }
0x17c: {  	v31 =	vadd.s32 v56, v34;
	vm14 =	vlt.f32 v54, v29;
	v52 =	vmul.f32 v59, v14  }
0x17d: {  	v54 =	vand.u32 $0x7FFFFFFF, v58;
	(erf) = vpow2.f32 v36;
	v63 =	vand.u32 $0x7FFFFFFF, v49  }
0x17e: {  	v37 =	vld.idx.msk [tilespmem:v38+s19+$0x0], $0xffff;
	v34 =	vadd.s32 v2, v31;
	v53 =	vpop (erf);
	v54 =	vmul.f32 v54, v14;
	v36 =	vmul.f32 v63, v14  }
0x17f: {  	v38 =	vld.idx.msk [tilespmem:v38+s20+$0x0], $0xffff;
	vm0 =	veq.s32 v34, $0x0;
	v60 =	vadd.f32 $1.000000000e+00, v53;
	v52 =	vmul.f32 $-2.000000000e+00, v52  }
0x180: {  	v43 =	vld.idx.msk [tilespmem:v44+s19+$0x0], $0xffff;
	vm15 =	vlt.f32 v8, v0;
	v54 =	vmul.f32 $-2.000000000e+00, v54;
	v36 =	vmul.f32 $-2.000000000e+00, v36  }
0x181: {  	v44 =	vld.idx.msk [tilespmem:v44+s20+$0x0], $0xffff;
	vm12 =	vgt.f32 v8, v0;
	(erf) = vrcp.f32 v60;
	v52 =	vmul.f32 $1.442695020e+00, v52  }
0x182: {  	v45 =	vsel vm14, $0x1, v62;
	v8 =	vld.idx.msk [tilespmem:v40+s19+$0x0], $0xffff;
	[tilespmem:$0x1FEE0] =	vst v14;
	v0 =	vmul.f32 $1.442695020e+00, v54;
	v36 =	vmul.f32 $1.442695020e+00, v36  }
0x183: {  	v55 =	vsub.f32 $1.000000000e+00, v37;
	vm13 =	vlt.f32 v7, v42;
	v40 =	vld.idx.msk [tilespmem:v40+s20+$0x0], $0xffff;
	(erf) = vpow2.f32 v52  }
0x184: {  	vm4 =	vmand vm15, vm1;
	vm14 =	vgt.f32 v7, v42;
	(erf) = vpow2.f32 v0  }
0x185: {  	vm10 =	vlt.f32 v6, v50;
	v38 =	vmul.f32 v38, v57;
	vm3 =	vmand vm13, vm3  }
0x186: {  	vm15 =	vgt.f32 v6, v50;
	v56 =	vmul.f32 v44, v58;
	v58 =	vld.idx.msk [tilespmem:v51+s17+$0x0], $0xffff;
	(erf) = vpow2.f32 v36;
	v36 =	vpop (erf)  }
0x187: {  	vm5 =	vmand vm14, vm5;
	vm14 =	vlt.f32 v4, v33;
	v59 =	vld.idx.msk [tilespmem:v30+s20+$0x0], $0xffff;
	v6 =	vadd.f32 $1.000000000e+00, v36  }
0x188: {  	vm1 =	vmand vm10, vm6;
	vm6 =	vmand vm12, vm2;
	v7 =	vmul.f32 v40, v49;
	v40 =	vld.idx.msk [tilespmem:v30+s19+$0x0], $0xffff  }
0x189: {  	vm2 =	vmand vm15, vm7;
	v60 =	vsub.f32 $1.000000000e+00, v53;
	(erf) = vrcp.f32 v6  }
0x18a: {  	vm15 =	vgt.f32 v4, v33;
	v30 =	vadd.s32 v2, v30;
	v53 =	vadd.s32 v45, v35;
	v63 =	vpop (erf)  }
0x18b: {  	vm12 =	veq.s32 v30, $0x63;
	vm13 =	veq.s32 v30, $0x0;
	v6 =	vmul.f32 v63, v60  }
0x18c: {  	vm11 =	vlt.f32 v58, v27;
	v42 =	vmul.f32 v59, v46;
	vm8 =	vmand vm14, vm13;
	v50 =	vpop (erf)  }
0x18d: {  	v39 =	vld.idx.msk [tilespmem:v31+s18+$0x0], $0xffff;
	v60 =	vsub.f32 $1.000000000e+00, v40;
	v30 =	vxor.u32 $0x80000000, v6;
	v4 =	vadd.f32 $1.000000000e+00, v50;
	v33 =	vpop (erf)  }
0x18e: {  	vm7 =	vmand vm15, vm12;
	v30 =	vmul.f32 v30, v40;
	v63 =	vadd.f32 $1.000000000e+00, v33  }
0x18f: {  	v57 =	vld.idx.msk [tilespmem:v9+s19+$0x0], $0xffff;
	v0 =	vsel vm11, $0x1, v62;
	v6 =	vmul.f32 v6, v60;
	v62 =	vpop (erf);
	(erf) = vrcp.f32 v4  }
0x190: {  	v4 =	vadd.f32 $1.000000000e+00, v62;
	v30 =	vsel vm8, v30, v42;
	(erf) = vrcp.f32 v63  }
0x191: {  	v48 =	vadd.s32 v0, v51;
	v0 =	vld.idx.msk [tilespmem:v9+s20+$0x0], $0xffff;
	v6 =	vsel vm7, v6, v30;
	v30 =	vsub.f32 $1.000000000e+00, v36  }
0x192: {  	v49 =	vsub.f32 v28, v39;
	v54 =	vsub.f32 $1.000000000e+00, v8;
	v51 =	vpop (erf);
	(erf) = vrcp.f32 v4  }
0x193: {  	vm12 =	vlt.f32 v5, v32;
	vm13 =	vgt.f32 v5, v32;
	v30 =	vmul.f32 v51, v30  }
0x194: {  	v59 =	vsub.f32 $1.000000000e+00, v57;
	v52 =	vsub.f32 $1.000000000e+00, v43;
	v9 =	vadd.s32 v16, v9  }
0x195: {  	vm14 =	veq.s32 v9, $0x0;
	vm15 =	veq.s32 v9, $0x63;
	v5 =	vxor.u32 $0x80000000, v30  }
0x196: {  	v58 =	vmul.f32 v0, v47;
	v60 =	vsub.f32 $1.000000000e+00, v50;
	v5 =	vmul.f32 v5, v57  }
0x197: {  	v33 =	vsub.f32 $1.000000000e+00, v33;
	vm7 =	vmand vm12, vm14;
	v9 =	vmul.f32 v30, v59  }
0x198: {  	s26 =	simm.s32 $0x380;
	v62 =	vsub.f32 $1.000000000e+00, v62;
	vm8 =	vmand vm13, vm15;
	v30 =	vpop (erf);
	v5 =	vsel vm7, v5, v58  }
0x199: {  	v63 =	vpop (erf);
	v5 =	vsel vm8, v9, v5;
	v9 =	vmul.f32 v30, v60;
	v30 =	vor.u32 s26, v12  }
0x19a: {  	v45 =	vld.idx.msk [tilespmem:v53+s18+$0x0], $0xffff;
	v6 =	vadd.f32 v6, v40;
	v40 =	vadd.s32 v2, v53;
	v0 =	vmul.f32 v63, v33  }
0x19b: {  	v35 =	vld.idx.msk [tilespmem:v31+s19+$0x0], $0xffff;
	v5 =	vadd.f32 v5, v57;
	v2 =	vpop (erf);
	v50 =	vxor.u32 $0x80000000, v9;
	v9 =	vmul.f32 v9, v55  }
0x19c: {  	s29 =	simm.s32 $0x280;
	s24 =	simm.s32 $0x8300;
	v44 =	vld.idx.msk [tilespmem:v48+s18+$0x0], $0xffff;
	v46 =	vxor.u32 $0x80000000, v0;
	v36 =	vmul.f32 v2, v62;
	v47 =	vmul.f32 v50, v37  }
0x19d: {  	v32 =	vor.u32 s29, v12;
	v52 =	vmul.f32 v0, v52;
	[tilespmem:s24+$0x80] =	vst v5;
	v5 =	vmul.f32 v46, v43;
	v50 =	vld.idx.msk [tilespmem:v31+s20+$0x0], $0xffff  }
0x19e: {  	v38 =	vsel vm4, v47, v38;
	v57 =	vxor.u32 $0x80000000, v36;
	v58 =	vmul.f32 v36, v54;
	v36 =	vld.idx.msk [tilespmem:v30+s5+$0x0], $0xffff  }
0x19f: {  	v51 =	vsub.f32 v29, v45;
	v5 =	vsel vm3, v5, v56;
	v9 =	vsel vm6, v9, v38;
	v38 =	vld.idx.msk [tilespmem:v53+s19+$0x0], $0xffff  }
0x1a0: {  	v42 =	vsub.f32 $1.000000000e+00, v35;
	v4 =	vand.u32 $0x7FFFFFFF, v49;
	v5 =	vsel vm5, v52, v5;
	v52 =	vld.idx.msk [tilespmem:v53+s20+$0x0], $0xffff  }
0x1a1: {  	s30 =	simm.s32 $0x200;
	v4 =	vmul.f32 v4, v1;
	v59 =	vand.u32 $0x7FFFFFFF, v51;
	v54 =	vsub.f32 v27, v44;
	v53 =	vld.idx.msk [tilespmem:v48+s20+$0x0], $0xffff  }
0x1a2: {  	s31 =	simm.s32 $0x300;
	v33 =	vor.u32 s30, v12;
	v46 =	vmul.f32 v57, v8;
	v9 =	vadd.f32 v9, v37;
	v37 =	vld.idx.msk [tilespmem:v48+s19+$0x0], $0xffff;
	[tilespmem:$0x1FEF0] =	vst v1  }
0x1a3: {  	v4 =	vmul.f32 $-2.000000000e+00, v4;
	v60 =	vmul.f32 v59, v1;
	v31 =	vor.u32 s31, v12;
	[tilespmem:$0x1FF00] =	vst v11  }
0x1a4: {  	v5 =	vadd.f32 v5, v43;
	v62 =	vand.u32 $0x7FFFFFFF, v54;
	v7 =	vsel vm1, v46, v7;
	[tilespmem:s24+$0xFFFFFF00] =	vst v9  }
0x1a5: {  	v63 =	vmul.f32 v62, v1;
	v7 =	vsel vm2, v58, v7;
	vm1 =	vlt.f32 v11, v36;
	[tilespmem:$0x1FF10] =	vst v3  }
0x1a6: {  	v8 =	vadd.f32 v7, v8;
	[tilespmem:$0x1FF20] =	vst v10;
	v7 =	vsel vm1, v15, v18;
	v9 =	vsel vm1, v10, v3  }
0x1a7: {  	s26 =	simm.s32 $0x500;
	[tilespmem:s24+$0xFFFFFF80] =	vst v5;
	v43 =	vld.idx.msk [tilespmem:v33+s5+$0x0], $0xffff;
	vm1 =	vlt.f32 v9, v36;
	v5 =	vor.u32 $0x20, v7;
	v9 =	vmul.f32 $-2.000000000e+00, v60  }
0x1a8: {  	[tilespmem:v41+s22+$0x0] =	vst.idx.msk $0x3ff, v6;
	v6 =	vmul.f32 $1.442695020e+00, v4;
	v46 =	vld [tilespmem:s26+$0x80];
	v47 =	vsub.f32 $1.000000000e+00, v38;
	v57 =	vsel vm1, v5, v7  }
0x1a9: {  	s28 =	simm.s32 $0xC;
	s25 =	simm.s32 $0x8;
	v41 =	vld.idx.msk [tilespmem:v32+s5+$0x0], $0xffff;
	[tilespmem:s24+$0x0] =	vst v8;
	v7 =	vmul.f32 $-2.000000000e+00, v63;
	v58 =	vadd.s32 $0xF, v57;
	v8 =	vmul.f32 $1.442695020e+00, v9  }
.LBB2_4:
0x1aa: {  	v56 =	vld [tilespmem:s26+$0xFFFFFF80]  }
0x1ab: {  	v55 =	vld [tilespmem:s26+$0x0]  }
0x1ac: {  	v21 =	vld [tilespmem:$0x1FFF0]  }
0x1ad: {  	v4 =	vmul.f32 v50, v49;
	v25 =	vld [tilespmem:$0x1FF00]  }
0x1ae: {  	vm2 =	vlt.f32 v28, v39;
	v1 =	vld [tilespmem:$0x1FEC0];
	v59 =	vmul.f32 $1.442695020e+00, v7;
	(erf) = vpow2.f32 v6  }
0x1af: {  	v5 =	vmul.f32 v52, v51;
	vm1 =	vlt.f32 v29, v45;
	v49 =	vld.idx.msk [tilespmem:v58+s17+$0x0], $0xffff;
	(erf) = vpow2.f32 v8  }
0x1b0: {  	v26 =	vld [tilespmem:$0x1FF10];
	vm0 =	vmand vm2, vm0;
	(erf) = vpow2.f32 v59;
	v9 =	vsub.f32 $1.000000000e+00, v37  }
0x1b1: {  	v20 =	vld [tilespmem:$0x1FF20];
	v6 =	vmul.f32 v53, v54;
	vm5 =	vlt.f32 v23, v46;
	v7 =	vadd.s32 v21, v48  }
0x1b2: {  	vm3 =	vlt.f32 v25, v43;
	vm4 =	vlt.f32 v25, v41;
	vm6 =	vlt.f32 v23, v56  }
0x1b3: {  	v8 =	vld.idx.msk [tilespmem:v31+s5+$0x0], $0xffff;
	v63 =	vsel vm5, v61, v13;
	v0 =	vsel vm5, v22, v1;
	vm12 =	vlt.f32 v23, v55  }
0x1b4: {  	vm14 =	vlt.f32 v49, v36;
	v51 =	vsel vm3, v15, v18;
	vm7 =	vlt.f32 v0, v46  }
0x1b5: {  	v48 =	vld [tilespmem:s26+$0xFFFFFF00];
	v2 =	vor.u32 $0x20, v63;
	v53 =	vsel vm6, v61, v13;
	v59 =	vsel vm6, v22, v1  }
0x1b6: {  	v10 =	vsel vm3, v20, v26;
	v11 =	vsel vm4, v15, v18;
	v12 =	vsel vm4, v20, v26  }
0x1b7: {  	v0 =	vld [tilespmem:$0x1FFA0];
	vm4 =	veq.s32 v40, $0x0;
	vm5 =	veq.s32 v7, $0x0;
	v52 =	vsel vm7, v2, v63  }
0x1b8: {  	vm15 =	vlt.f32 v59, v56;
	v3 =	vor.u32 $0x20, v53;
	vm3 =	vlt.f32 v25, v8  }
0x1b9: {  	vm10 =	vlt.f32 v10, v43;
	v10 =	vor.u32 $0x20, v51;
	v58 =	vadd.s32 $0xF, v52  }
0x1ba: {  	vm11 =	vlt.f32 v12, v41;
	vm1 =	vmand vm1, vm4;
	vm8 =	vlt.f32 v23, v48  }
0x1bb: {  	vm4 =	vgt.f32 v29, v45;
	v54 =	vsel vm8, v61, v13;
	v2 =	vsel vm8, v22, v1  }
0x1bc: {  	v60 =	vsel vm12, v61, v0;
	v61 =	vsel vm12, v22, v1;
	v0 =	vadd.s32 $0x10, v57  }
0x1bd: {  	vm13 =	vlt.f32 v2, v48;
	v63 =	vor.u32 $0x20, v54;
	v57 =	vsel vm14, v0, v57  }
0x1be: {  	vm9 =	vlt.f32 v61, v55;
	v61 =	vadd.s32 $0x7, v57;
	v54 =	vsel vm13, v63, v54;
	v58 =	vld.idx.msk [tilespmem:v58+s17+$0x0], $0xffff  }
0x1bf: {  	v53 =	vsel vm15, v3, v53;
	v59 =	vor.u32 $0x20, v60;
	v63 =	vadd.s32 $0xF, v54  }
0x1c0: {  	v14 =	vsel vm3, v20, v26;
	v1 =	vadd.s32 $0xF, v53;
	v59 =	vsel vm9, v59, v60  }
0x1c1: {  	v10 =	vsel vm10, v10, v51;
	v62 =	vpop (erf);
	v13 =	vsel vm3, v15, v18;
	v2 =	vadd.s32 $0xF, v59  }
0x1c2: {  	v18 =	vadd.f32 $1.000000000e+00, v62;
	v62 =	vsub.f32 $1.000000000e+00, v62;
	v0 =	vor.u32 $0x10, v53  }
0x1c3: {  	v50 =	vpop (erf);
	v51 =	vor.u32 $0x20, v13;
	v61 =	vld.idx.msk [tilespmem:v61+s17+$0x0], $0xffff;
	vm3 =	vlt.f32 v58, v46;
	v58 =	vor.u32 $0x10, v52  }
0x1c4: {  	v19 =	vadd.f32 $1.000000000e+00, v50;
	v50 =	vsub.f32 $1.000000000e+00, v50;
	v63 =	vld.idx.msk [tilespmem:v63+s17+$0x0], $0xffff;
	v12 =	vsel vm3, v58, v52  }
0x1c5: {  	v49 =	vpop (erf);
	v1 =	vld.idx.msk [tilespmem:v1+s17+$0x0], $0xffff;
	v52 =	vor.u32 $0x20, v11;
	vm3 =	vlt.f32 v14, v8;
	v14 =	vadd.s32 $0x7, v12  }
0x1c6: {  	v24 =	vadd.f32 $1.000000000e+00, v49;
	v2 =	vld.idx.msk [tilespmem:v2+s17+$0x0], $0xffff;
	v58 =	vadd.s32 $0xF, v10;
	v11 =	vsel vm11, v52, v11  }
0x1c7: {  	v60 =	vor.u32 $0x10, v54;
	v13 =	vsel vm3, v51, v13;
	v51 =	vadd.s32 $0xF, v11  }
0x1c8: {  	v52 =	vadd.s32 $0x8, v57;
	v15 =	vadd.s32 $0xF, v13;
	vm3 =	vlt.f32 v61, v36  }
0x1c9: {  	v3 =	vor.u32 $0x10, v59;
	v52 =	vsel vm3, v52, v57;
	vm3 =	vlt.f32 v63, v48  }
0x1ca: {  	v63 =	vadd.s32 $0x3, v52;
	v54 =	vsel vm3, v60, v54;
	vm3 =	vlt.f32 v1, v56;
	v1 =	vld.idx.msk [tilespmem:v14+s17+$0x0], $0xffff  }
0x1cb: {  	v60 =	vadd.s32 $0x7, v54;
	v0 =	vsel vm3, v0, v53;
	vm3 =	vlt.f32 v2, v55;
	v2 =	vld.idx.msk [tilespmem:v58+s17+$0x0], $0xffff  }
0x1cc: {  	(erf) = vrcp.f32 v18;
	v51 =	vld.idx.msk [tilespmem:v51+s17+$0x0], $0xffff;
	v58 =	vadd.s32 $0x7, v0;
	v3 =	vsel vm3, v3, v59  }
0x1cd: {  	(erf) = vrcp.f32 v19;
	v61 =	vadd.s32 $0x10, v10;
	v15 =	vld.idx.msk [tilespmem:v15+s17+$0x0], $0xffff;
	v16 =	vadd.s32 $0x7, v3  }
0x1ce: {  	v57 =	vadd.s32 $0x10, v11;
	v14 =	vadd.s32 $0x10, v13;
	v53 =	vadd.s32 $0x8, v54  }
0x1cf: {  	v59 =	vadd.s32 $0x8, v0;
	v63 =	vld.idx.msk [tilespmem:v63+s17+$0x0], $0xffff;
	vm12 =	vlt.f32 v1, v46;
	v1 =	vadd.s32 $0x8, v12  }
0x1d0: {  	vm3 =	vlt.f32 v27, v44;
	v60 =	vld.idx.msk [tilespmem:v60+s17+$0x0], $0xffff;
	v1 =	vsel vm12, v1, v12;
	vm13 =	vlt.f32 v2, v43  }
0x1d1: {  	vm14 =	vlt.f32 v51, v41;
	v18 =	vld.idx.msk [tilespmem:v58+s17+$0x0], $0xffff;
	v12 =	vadd.s32 $0x3, v1;
	v10 =	vsel vm13, v61, v10  }
0x1d2: {  	vm15 =	vlt.f32 v15, v8;
	v11 =	vsel vm14, v57, v11;
	v58 =	vld.idx.msk [tilespmem:v16+s17+$0x0], $0xffff;
	v16 =	vadd.s32 $0x7, v10  }
0x1d3: {  	v17 =	vadd.s32 $0x8, v3;
	v13 =	vsel vm15, v14, v13;
	v15 =	vadd.s32 $0x7, v11  }
0x1d4: {  	v14 =	vadd.s32 $0x4, v52;
	v19 =	vadd.s32 $0x7, v13;
	vm8 =	vlt.f32 v63, v36  }
0x1d5: {  	v51 =	vadd.s32 $0x8, v10;
	v14 =	vsel vm8, v14, v52;
	vm9 =	vlt.f32 v60, v48  }
0x1d6: {  	v52 =	vadd.s32 $0x1, v14;
	v53 =	vsel vm9, v53, v54;
	vm10 =	vlt.f32 v18, v56;
	v12 =	vld.idx.msk [tilespmem:v12+s17+$0x0], $0xffff  }
0x1d7: {  	v54 =	vadd.s32 $0x3, v53;
	v0 =	vsel vm10, v59, v0;
	vm11 =	vlt.f32 v58, v55;
	v2 =	vld.idx.msk [tilespmem:v16+s17+$0x0], $0xffff  }
0x1d8: {  	v63 =	vadd.s32 $0x8, v13;
	v15 =	vld.idx.msk [tilespmem:v15+s17+$0x0], $0xffff;
	v57 =	vadd.s32 $0x3, v0;
	v3 =	vsel vm11, v17, v3  }
0x1d9: {  	v18 =	vadd.s32 $0x8, v11;
	v16 =	vadd.s32 $0x4, v53;
	v17 =	vpop (erf);
	v59 =	vadd.s32 $0x3, v3  }
0x1da: {  	v19 =	vld.idx.msk [tilespmem:v19+s17+$0x0], $0xffff;
	v58 =	vadd.s32 $0x4, v0;
	v60 =	vadd.s32 $0x4, v3;
	v61 =	vpop (erf);
	(erf) = vrcp.f32 v24  }
0x1db: {  	v17 =	vmul.f32 v17, v62;
	v52 =	vld.idx.msk [tilespmem:v52+s17+$0x0], $0xffff;
	vm12 =	vlt.f32 v12, v46;
	v12 =	vadd.s32 $0x4, v1  }
0x1dc: {  	v24 =	vsub.f32 $1.000000000e+00, v49;
	v49 =	vld.idx.msk [tilespmem:v54+s17+$0x0], $0xffff;
	v1 =	vsel vm12, v12, v1;
	vm13 =	vlt.f32 v2, v43  }
0x1dd: {  	vm14 =	vlt.f32 v15, v41;
	v54 =	vld.idx.msk [tilespmem:v57+s17+$0x0], $0xffff;
	v57 =	vadd.s32 $0x1, v1;
	v10 =	vsel vm13, v51, v10  }
0x1de: {  	v50 =	vmul.f32 v61, v50;
	v11 =	vsel vm14, v18, v11;
	v12 =	vld.idx.msk [tilespmem:v59+s17+$0x0], $0xffff;
	v59 =	vadd.s32 $0x3, v10  }
0x1df: {  	v2 =	vxor.u32 $0x80000000, v17;
	v15 =	vadd.s32 $0x2, v14;
	v18 =	vadd.s32 $0x3, v11  }
0x1e0: {  	vm9 =	vlt.f32 v19, v8;
	v17 =	vmul.f32 v17, v42;
	vm15 =	vlt.f32 v52, v36  }
0x1e1: {  	v51 =	vxor.u32 $0x80000000, v50;
	v13 =	vsel vm9, v63, v13;
	v14 =	vsel vm15, v15, v14  }
0x1e2: {  	v2 =	vmul.f32 v2, v35;
	vm10 =	vlt.f32 v49, v48;
	v49 =	vadd.s32 $0x3, v13;
	v19 =	vld.idx.msk [tilespmem:v57+s17+$0x0], $0xffff  }
0x1e3: {  	v16 =	vsel vm10, v16, v53;
	vm11 =	vlt.f32 v54, v56;
	vm12 =	vlt.f32 v12, v55;
	v12 =	vld.idx.msk [tilespmem:v59+s17+$0x0], $0xffff  }
0x1e4: {  	v50 =	vmul.f32 v50, v47;
	v53 =	vadd.s32 $0x1, v16;
	v0 =	vsel vm11, v58, v0;
	v18 =	vld.idx.msk [tilespmem:v18+s17+$0x0], $0xffff  }
0x1e5: {  	v61 =	vadd.s32 $0x4, v10;
	v57 =	vadd.s32 $0x1, v0;
	v3 =	vsel vm12, v60, v3  }
0x1e6: {  	v63 =	vadd.s32 $0x4, v13;
	v42 =	vmul.f32 v51, v38;
	v52 =	vpop (erf);
	v59 =	vadd.s32 $0x1, v3;
	v62 =	vld.idx.msk [tilespmem:v14+s17+$0x0], $0xffff  }
0x1e7: {  	v24 =	vmul.f32 v52, v24;
	vm2 =	vlt.f32 v19, v46;
	v19 =	vadd.s32 $0x2, v1  }
0x1e8: {  	v2 =	vsel vm0, v2, v4;
	v15 =	vadd.s32 $0x4, v11;
	v49 =	vld.idx.msk [tilespmem:v49+s17+$0x0], $0xffff;
	v1 =	vsel vm2, v19, v1  }
0x1e9: {  	v52 =	vxor.u32 $0x80000000, v24;
	v51 =	vld.idx.msk [tilespmem:v53+s17+$0x0], $0xffff;
	vm2 =	vlt.f32 v12, v43;
	vm13 =	vlt.f32 v18, v41  }
0x1ea: {  	v24 =	vmul.f32 v24, v9;
	v57 =	vld.idx.msk [tilespmem:v57+s17+$0x0], $0xffff;
	v10 =	vsel vm2, v61, v10;
	v11 =	vsel vm13, v15, v11  }
0x1eb: {  	v19 =	vld.idx.msk [tilespmem:v59+s17+$0x0], $0xffff;
	v9 =	vadd.s32 $0x1, v10;
	vm2 =	vlt.f32 v62, v36;
	v62 =	vimm.s32 $0x0  }
0x1ec: {  	v4 =	vsel vm1, v42, v5;
	v15 =	vadd.s32 $0x1, v11;
	v18 =	vsel vm2, $0x1, v62  }
0x1ed: {  	vm15 =	vgt.f32 v27, v44;
	v54 =	vadd.s32 $0x2, v16;
	v47 =	vadd.s32 v18, v14;
	v14 =	vld.idx.msk [tilespmem:v1+s17+$0x0], $0xffff  }
0x1ee: {  	v58 =	vadd.s32 $0x2, v0;
	vm2 =	vlt.f32 v49, v8;
	vm14 =	vlt.f32 v51, v48  }
0x1ef: {  	v13 =	vsel vm2, v63, v13;
	v16 =	vsel vm14, v54, v16;
	vm2 =	vlt.f32 v57, v56  }
0x1f0: {  	vm12 =	veq.s32 v34, $0x63;
	v0 =	vsel vm2, v58, v0;
	vm2 =	vlt.f32 v19, v55;
	v19 =	vld.idx.msk [tilespmem:v9+s17+$0x0], $0xffff  }
0x1f1: {  	v60 =	vadd.s32 $0x2, v3;
	v12 =	vmul.f32 v52, v37;
	vm13 =	veq.s32 v40, $0x63;
	v15 =	vld.idx.msk [tilespmem:v15+s17+$0x0], $0xffff  }
0x1f2: {  	vm14 =	veq.s32 v7, $0x63;
	v3 =	vsel vm2, v60, v3;
	v9 =	vld.idx.msk [tilespmem:v47+s18+$0x0], $0xffff;
	vm9 =	vlt.f32 v14, v46  }
0x1f3: {  	v27 =	vmovc v8;
	v63 =	vld [tilespmem:$0x1FEF0];
	vm2 =	vmand vm3, vm5;
	vm3 =	vgt.f32 v28, v39;
	v8 =	vsel vm9, $0x1, v62  }
0x1f4: {  	vm0 =	vmand vm3, vm12;
	v6 =	vsel vm2, v12, v6;
	v7 =	vld.idx.msk [tilespmem:v16+s17+$0x0], $0xffff;
	v8 =	vadd.s32 v8, v1  }
0x1f5: {  	vm2 =	vmand vm4, vm13;
	v2 =	vsel vm0, v17, v2;
	vm0 =	vmand vm15, vm14;
	v5 =	vld.idx.msk [tilespmem:v0+s17+$0x0], $0xffff  }
0x1f6: {  	v29 =	vmovc v41;
	v59 =	vadd.s32 $0x2, v10;
	v28 =	vmovc v43;
	v4 =	vsel vm2, v50, v4;
	v17 =	vld [tilespmem:$0x1FEB0];
	v6 =	vsel vm0, v24, v6  }
0x1f7: {  	vm1 =	vlt.f32 v19, v28;
	vm0 =	vlt.f32 v15, v29;
	v15 =	vld [tilespmem:$0x1FEA0];
	v41 =	vsub.f32 v36, v9  }
0x1f8: {  	v57 =	vadd.s32 $0x2, v11;
	v4 =	vadd.f32 v4, v38;
	v12 =	vld.idx.msk [tilespmem:v3+s17+$0x0], $0xffff;
	v59 =	vsel vm1, v59, v10  }
0x1f9: {  	v38 =	vsel vm0, v57, v11;
	vm1 =	vlt.f32 v7, v48;
	v11 =	vand.u32 $0x7FFFFFFF, v41;
	v7 =	vld.idx.msk [tilespmem:v8+s18+$0x0], $0xffff  }
0x1fa: {  	v52 =	vld [tilespmem:$0x1FFC0];
	v18 =	vadd.s32 $0x1, v13;
	vm0 =	vlt.f32 v5, v56;
	v5 =	vmul.f32 v11, v63  }
0x1fb: {  	v14 =	vsel vm1, $0x1, v62  }
0x1fc: {  	v44 =	vld [tilespmem:$0x1FEE0];
	v11 =	vadd.s32 v14, v16;
	v14 =	vsel vm0, $0x1, v62;
	v5 =	vmul.f32 $-2.000000000e+00, v5  }
0x1fd: {  	v2 =	vadd.f32 v2, v35;
	vm0 =	vlt.f32 v12, v55;
	v12 =	vld.idx.msk [tilespmem:v59+s17+$0x0], $0xffff;
	v0 =	vadd.s32 v14, v0  }
0x1fe: {  	v42 =	vmovc v32;
	v14 =	vsel vm0, $0x1, v62;
	v5 =	vmul.f32 $1.442695020e+00, v5;
	v32 =	vsub.f32 v46, v7  }
0x1ff: {  	v10 =	vld.idx.msk [tilespmem:v18+s17+$0x0], $0xffff;
	[tilespmem:v15+s22+$0x0] =	vst.idx.msk $0x3ff, v2;
	v15 =	vadd.s32 v52, v0;
	v3 =	vadd.s32 v14, v3  }
0x200: {  	v16 =	vld.idx.msk [tilespmem:v38+s17+$0x0], $0xffff;
	v14 =	vadd.s32 v52, v3;
	(erf) = vpow2.f32 v5;
	v5 =	vand.u32 $0x7FFFFFFF, v32  }
0x201: {  	[tilespmem:v17+s22+$0x0] =	vst.idx.msk $0x3ff, v4;
	v17 =	vld [tilespmem:$0x1FED0];
	vm2 =	veq.s32 v14, $0x0;
	vm12 =	veq.s32 v14, $0x63;
	v14 =	vmul.f32 v5, v44  }
0x202: {  	vm15 =	veq.s32 v15, $0x0;
	v43 =	vld.idx.msk [tilespmem:v11+s18+$0x0], $0xffff;
	vm0 =	vlt.f32 v12, v28  }
0x203: {  	vm5 =	veq.s32 v15, $0x63;
	v15 =	vld.idx.msk [tilespmem:v0+s18+$0x0], $0xffff;
	v12 =	vsel vm0, $0x1, v62;
	v14 =	vmul.f32 $-2.000000000e+00, v14  }
0x204: {  	v58 =	vadd.s32 $0x2, v13;
	vm3 =	vlt.f32 v10, v27;
	v18 =	vadd.s32 v52, v11;
	v10 =	vld.idx.msk [tilespmem:v3+s18+$0x0], $0xffff  }
0x205: {  	v13 =	vsel vm3, v58, v13;
	vm1 =	veq.s32 v18, $0x0;
	v14 =	vmul.f32 $1.442695020e+00, v14  }
0x206: {  	vm4 =	veq.s32 v18, $0x63;
	v18 =	vadd.f32 v6, v37;
	v4 =	vld.idx.msk [tilespmem:v11+s19+$0x0], $0xffff;
	v1 =	vadd.s32 v12, v59;
	v12 =	vmovc v31  }
0x207: {  	vm3 =	vlt.f32 v16, v29;
	v11 =	vld.idx.msk [tilespmem:v11+s20+$0x0], $0xffff;
	[tilespmem:$0x1FED0] =	vst v12;
	v12 =	vsub.f32 v48, v43;
	(erf) = vpow2.f32 v14  }
0x208: {  	v16 =	vsel vm3, $0x1, v62;
	v5 =	vld.idx.msk [tilespmem:v3+s19+$0x0], $0xffff;
	v34 =	vadd.s32 v21, v1;
	v45 =	vsub.f32 v56, v15  }
0x209: {  	[tilespmem:v17+s22+$0x0] =	vst.idx.msk $0x3ff, v18;
	vm3 =	vlt.f32 v48, v43;
	v17 =	vand.u32 $0x7FFFFFFF, v12;
	v18 =	vsub.f32 v55, v10  }
0x20a: {  	vm14 =	vlt.f32 v56, v15;
	v17 =	vmul.f32 v17, v44;
	v19 =	vand.u32 $0x7FFFFFFF, v45  }
0x20b: {  	vm3 =	vmand vm3, vm1;
	v19 =	vmul.f32 v19, v44;
	v31 =	vand.u32 $0x7FFFFFFF, v18  }
0x20c: {  	vm10 =	vlt.f32 v55, v10;
	v24 =	vpop (erf);
	v17 =	vmul.f32 $-2.000000000e+00, v17;
	v31 =	vmul.f32 v31, v44  }
0x20d: {  	v58 =	vmul.f32 v11, v12;
	v53 =	vadd.f32 $1.000000000e+00, v24;
	v19 =	vmul.f32 $-2.000000000e+00, v19  }
0x20e: {  	v6 =	vld.idx.msk [tilespmem:v0+s19+$0x0], $0xffff;
	vm1 =	vmand vm14, vm15;
	v54 =	vmul.f32 $1.442695020e+00, v17;
	v17 =	vmul.f32 $-2.000000000e+00, v31  }
0x20f: {  	v0 =	vld.idx.msk [tilespmem:v0+s20+$0x0], $0xffff;
	vm2 =	vmand vm10, vm2;
	(erf) = vrcp.f32 v53;
	v11 =	vmul.f32 $1.442695020e+00, v19  }
0x210: {  	v3 =	vld.idx.msk [tilespmem:v3+s20+$0x0], $0xffff;
	vm10 =	vgt.f32 v55, v10;
	v12 =	vmul.f32 $1.442695020e+00, v17;
	(erf) = vpow2.f32 v54;
	v55 =	vpop (erf)  }
0x211: {  	vm15 =	vgt.f32 v56, v15;
	v14 =	vld.idx.msk [tilespmem:v13+s17+$0x0], $0xffff;
	(erf) = vpow2.f32 v11;
	v15 =	vadd.f32 $1.000000000e+00, v55  }
0x212: {  	v37 =	vld.idx.msk [tilespmem:v47+s20+$0x0], $0xffff;
	vm0 =	veq.s32 v34, $0x0;
	vm13 =	vgt.f32 v48, v43;
	(erf) = vpow2.f32 v12  }
0x213: {  	v40 =	vmovc v33;
	v33 =	vld.idx.msk [tilespmem:v47+s19+$0x0], $0xffff;
	v57 =	vsub.f32 $1.000000000e+00, v4;
	vm6 =	vmand vm13, vm4;
	(erf) = vrcp.f32 v15  }
0x214: {  	vm14 =	vlt.f32 v36, v9;
	v60 =	vmul.f32 v0, v45;
	vm4 =	vmand vm15, vm5  }
0x215: {  	v10 =	vadd.s32 v16, v38;
	vm15 =	vgt.f32 v36, v9;
	v56 =	vmul.f32 v3, v18  }
0x216: {  	[tilespmem:$0x1FEA0] =	vst v40;
	vm5 =	vmand vm10, vm12;
	v40 =	vadd.s32 v21, v10;
	vm11 =	vlt.f32 v14, v27  }
0x217: {  	v3 =	vmul.f32 v37, v41;
	v11 =	vsel vm11, $0x1, v62;
	v12 =	vsub.f32 $1.000000000e+00, v24  }
0x218: {  	v18 =	vld.idx.msk [tilespmem:v8+s20+$0x0], $0xffff;
	v14 =	vsub.f32 $1.000000000e+00, v33;
	v48 =	vadd.s32 v11, v13;
	v11 =	vadd.s32 v21, v47;
	v45 =	vpop (erf)  }
0x219: {  	vm12 =	veq.s32 v11, $0x63;
	vm13 =	veq.s32 v11, $0x0;
	v2 =	vmul.f32 v45, v12;
	v13 =	vpop (erf)  }
0x21a: {  	v38 =	vld.idx.msk [tilespmem:v10+s19+$0x0], $0xffff;
	vm8 =	vmand vm14, vm13;
	vm7 =	vmand vm15, vm12;
	v15 =	vpop (erf);
	v19 =	vadd.f32 $1.000000000e+00, v13  }
0x21b: {  	v0 =	vsub.f32 $1.000000000e+00, v55;
	v11 =	vxor.u32 $0x80000000, v2;
	v16 =	vpop (erf);
	v2 =	vmul.f32 v2, v14;
	v14 =	vld.idx.msk [tilespmem:v8+s19+$0x0], $0xffff  }
0x21c: {  	vm14 =	vlt.f32 v46, v7;
	v45 =	vld.idx.msk [tilespmem:v10+s18+$0x0], $0xffff;
	v11 =	vmul.f32 v11, v33;
	(erf) = vrcp.f32 v19;
	v9 =	vpop (erf)  }
0x21d: {  	v8 =	vadd.s32 v52, v8;
	v52 =	vld.idx.msk [tilespmem:v10+s20+$0x0], $0xffff;
	v10 =	vmul.f32 v18, v32;
	v0 =	vmul.f32 v9, v0  }
0x21e: {  	v39 =	vld.idx.msk [tilespmem:v1+s18+$0x0], $0xffff;
	v17 =	vadd.f32 $1.000000000e+00, v16;
	v3 =	vsel vm8, v11, v3;
	v11 =	vadd.f32 $1.000000000e+00, v15  }
0x21f: {  	vm12 =	veq.s32 v8, $0x63;
	vm13 =	veq.s32 v8, $0x0;
	v8 =	vxor.u32 $0x80000000, v0  }
0x220: {  	v35 =	vld.idx.msk [tilespmem:v1+s19+$0x0], $0xffff;
	(erf) = vrcp.f32 v11;
	v9 =	vsub.f32 $1.000000000e+00, v14;
	v8 =	vmul.f32 v8, v14  }
0x221: {  	v43 =	vsub.f32 $1.000000000e+00, v6;
	v59 =	vsub.f32 $1.000000000e+00, v5;
	vm8 =	vmand vm14, vm13  }
0x222: {  	(erf) = vrcp.f32 v17;
	v0 =	vmul.f32 v0, v9;
	v9 =	vsel vm8, v8, v10;
	v8 =	vld [tilespmem:$0x1FF30]  }
0x223: {  	v49 =	vsub.f32 v28, v39;
	vm15 =	vgt.f32 v46, v7;
	v44 =	vld.idx.msk [tilespmem:v48+s18+$0x0], $0xffff;
	v2 =	vsel vm7, v2, v3  }
0x224: {  	v50 =	vld.idx.msk [tilespmem:v1+s20+$0x0], $0xffff;
	vm7 =	vmand vm15, vm12;
	v1 =	vadd.f32 v2, v33;
	v2 =	vsub.f32 $1.000000000e+00, v13  }
0x225: {  	s29 =	sshll.u32 s25, $0x7;
	[tilespmem:$0x1FEB0] =	vst v42;
	v42 =	vsub.f32 $1.000000000e+00, v35;
	v12 =	vand.u32 $0x7FFFFFFF, v49;
	v7 =	vpop (erf);
	v0 =	vsel vm7, v0, v9  }
0x226: {  	s3 =	sadd.s32 $0x180, s29;
	v51 =	vsub.f32 v29, v45;
	v2 =	vmul.f32 v7, v2;
	v10 =	vadd.f32 v0, v14  }
0x227: {  	s24 =	sadd.s32 $0x200, s24;
	v47 =	vsub.f32 $1.000000000e+00, v15;
	v41 =	vsub.f32 $1.000000000e+00, v16;
	[tilespmem:v30+s22+$0x0] =	vst.idx.msk $0x3ff, v1;
	v30 =	vor.u32 s3, v8  }
0x228: {  	s30 =	sadd.s32 $0x80, s29;
	s31 =	sadd.s32 $0x100, s29;
	v54 =	vsub.f32 v27, v44;
	v9 =	vand.u32 $0x7FFFFFFF, v51;
	[tilespmem:s24+$0x80] =	vst v10;
	v10 =	vxor.u32 $0x80000000, v2  }
0x229: {  	v7 =	vpop (erf);
	v2 =	vmul.f32 v2, v57;
	v32 =	vor.u32 s30, v8;
	v31 =	vor.u32 s31, v8  }
0x22a: {  	v33 =	vor.u32 s29, v8;
	v8 =	vmul.f32 v12, v63;
	v3 =	vmul.f32 v7, v47  }
0x22b: {  	v18 =	vld [tilespmem:$0x1FFD0];
	v46 =	vpop (erf);
	v7 =	vmul.f32 v9, v63;
	v9 =	vand.u32 $0x7FFFFFFF, v54;
	v47 =	vmul.f32 v10, v4  }
0x22c: {  	v0 =	vmul.f32 v46, v41;
	v9 =	vmul.f32 v9, v63;
	v10 =	vxor.u32 $0x80000000, v3;
	v36 =	vld.idx.msk [tilespmem:v30+s5+$0x0], $0xffff  }
0x22d: {  	v15 =	vld [tilespmem:$0x1FFE0];
	v3 =	vmul.f32 v3, v43;
	v1 =	vsel vm3, v47, v58;
	v10 =	vmul.f32 v10, v6  }
0x22e: {  	v8 =	vmul.f32 $-2.000000000e+00, v8;
	v63 =	vmul.f32 $-2.000000000e+00, v7;
	v11 =	vxor.u32 $0x80000000, v0  }
0x22f: {  	v61 =	vld [tilespmem:$0x1FFB0];
	v1 =	vsel vm6, v2, v1;
	v11 =	vmul.f32 v11, v5;
	v55 =	vsel vm1, v10, v60  }
0x230: {  	p0 =	slt.u32 s28, $0xFC;
	v37 =	vld.idx.msk [tilespmem:v48+s19+$0x0], $0xffff;
	v0 =	vmul.f32 v0, v59;
	v1 =	vadd.f32 v1, v4;
	v2 =	vsel vm4, v3, v55  }
.Ltmp1:
0x231: {  	v53 =	vld.idx.msk [tilespmem:v48+s20+$0x0], $0xffff;
	v57 =	vsel vm2, v11, v56;
	v2 =	vadd.f32 v2, v6;
	vm1 =	vlt.f32 v25, v36;
	(pc) =	sbr.rel @p0 .LBB2_4-.Ltmp1, $4  }
0x232: {  	s26 =	sadd.s32 $0x200, s26;
	v13 =	vld [tilespmem:$0x1FFA0];
	v0 =	vsel vm5, v0, v57;
	v58 =	vsel vm1, v15, v18;
	v59 =	vsel vm1, v20, v26  }
0x233: {  	v46 =	vld [tilespmem:s26+$0x80];
	[tilespmem:s24+$0xFFFFFF00] =	vst v1;
	v0 =	vadd.f32 v0, v5;
	vm1 =	vlt.f32 v59, v36;
	v60 =	vor.u32 $0x20, v58  }
0x234: {  	v47 =	vsub.f32 $1.000000000e+00, v38;
	v7 =	vmul.f32 $-2.000000000e+00, v9;
	v43 =	vld.idx.msk [tilespmem:v33+s5+$0x0], $0xffff;
	[tilespmem:s24+$0xFFFFFF80] =	vst v2;
	v57 =	vsel vm1, v60, v58  }
0x235: {  	s25 =	smov.u32 s28;
	s28 =	sadd.s32 $0x4, s28;
	v6 =	vmul.f32 $1.442695020e+00, v8;
	v8 =	vmul.f32 $1.442695020e+00, v63;
	v41 =	vld.idx.msk [tilespmem:v32+s5+$0x0], $0xffff;
	[tilespmem:s24+$0x0] =	vst v0;
	v58 =	vadd.s32 $0xF, v57  }
0x236: {  	_ = 	snop  }
0x237: {  	v59 =	vld [tilespmem:$0x1FEC0];
	_ =	sdelay $0x1  }
0x238: {  	v17 =	vld [tilespmem:s26+$0xFFFFFF00]  }
0x239: {  	v0 =	vld.idx.msk [tilespmem:v58+s17+$0x0], $0xffff  }
0x23a: {  	vm1 =	vlt.f32 v23, v46  }
0x23b: {  	v1 =	vsel vm1, v61, v13;
	v2 =	vsel vm1, v22, v59  }
0x23c: {  	v63 =	vor.u32 $0x20, v1;
	vm1 =	vlt.f32 v2, v46  }
0x23d: {  	v14 =	vadd.s32 $0x10, v57;
	v1 =	vsel vm1, v63, v1  }
0x23e: {  	v58 =	vld [tilespmem:s26+$0xFFFFFF80];
	vm2 =	vlt.f32 v23, v17;
	vm1 =	vlt.f32 v0, v36;
	v9 =	vadd.s32 $0xF, v1  }
0x23f: {  	v12 =	vsel vm2, v61, v13;
	v3 =	vsel vm2, v22, v59;
	v0 =	vsel vm1, v14, v57  }
0x240: {  	v19 =	vld [tilespmem:s26+$0x0];
	vm2 =	vlt.f32 v3, v17;
	v3 =	vor.u32 $0x20, v12;
	v10 =	vadd.s32 $0x7, v0  }
0x241: {  	v2 =	vsel vm2, v3, v12  }
0x242: {  	v3 =	vadd.s32 $0xF, v2  }
0x243: {  	vm1 =	vlt.f32 v23, v58;
	v9 =	vld.idx.msk [tilespmem:v9+s17+$0x0], $0xffff  }
0x244: {  	v11 =	vsel vm1, v61, v13;
	v12 =	vsel vm1, v22, v59  }
0x245: {  	vm2 =	vlt.f32 v23, v19;
	vm1 =	vlt.f32 v12, v58;
	v56 =	vor.u32 $0x20, v11;
	v10 =	vld.idx.msk [tilespmem:v10+s17+$0x0], $0xffff  }
0x246: {  	v55 =	vsel vm2, v61, v13;
	v14 =	vsel vm2, v22, v59;
	v11 =	vsel vm1, v56, v11  }
0x247: {  	vm2 =	vlt.f32 v14, v19;
	v57 =	vor.u32 $0x20, v55;
	v60 =	vadd.s32 $0xF, v11;
	v3 =	vld.idx.msk [tilespmem:v3+s17+$0x0], $0xffff  }
0x248: {  	v12 =	vsel vm2, v57, v55;
	vm1 =	vlt.f32 v9, v46;
	v9 =	vor.u32 $0x10, v1  }
0x249: {  	v13 =	vadd.s32 $0xF, v12;
	v1 =	vsel vm1, v9, v1  }
0x24a: {  	vm1 =	vlt.f32 v10, v36;
	v10 =	vadd.s32 $0x8, v0;
	v9 =	vadd.s32 $0x7, v1  }
0x24b: {  	v0 =	vsel vm1, v10, v0  }
0x24c: {  	vm1 =	vlt.f32 v3, v17;
	v3 =	vld.idx.msk [tilespmem:v60+s17+$0x0], $0xffff;
	v10 =	vadd.s32 $0x3, v0;
	_ =	sdelay $0x1  }
0x24d: {  	v13 =	vld.idx.msk [tilespmem:v13+s17+$0x0], $0xffff  }
0x24e: {  	v9 =	vld.idx.msk [tilespmem:v9+s17+$0x0], $0xffff  }
0x24f: {  	v15 =	vor.u32 $0x10, v2  }
0x250: {  	v2 =	vsel vm1, v15, v2;
	v15 =	vor.u32 $0x10, v11;
	vm1 =	vlt.f32 v3, v58;
	v3 =	vld.idx.msk [tilespmem:v10+s17+$0x0], $0xffff  }
0x251: {  	v61 =	vadd.s32 $0x7, v2;
	v11 =	vsel vm1, v15, v11  }
0x252: {  	v10 =	vor.u32 $0x10, v12;
	vm1 =	vlt.f32 v13, v19;
	v55 =	vadd.s32 $0x7, v11  }
0x253: {  	v10 =	vsel vm1, v10, v12;
	vm1 =	vlt.f32 v9, v46;
	v9 =	vadd.s32 $0x8, v1  }
0x254: {  	v12 =	vadd.s32 $0x7, v10;
	v1 =	vsel vm1, v9, v1  }
0x255: {  	vm1 =	vlt.f32 v3, v36;
	v3 =	vadd.s32 $0x4, v0;
	v9 =	vadd.s32 $0x3, v1  }
0x256: {  	v63 =	vld.idx.msk [tilespmem:v61+s17+$0x0], $0xffff;
	v0 =	vsel vm1, v3, v0  }
0x257: {  	v3 =	vld.idx.msk [tilespmem:v55+s17+$0x0], $0xffff;
	v56 =	vadd.s32 $0x1, v0;
	_ =	sdelay $0x1  }
0x258: {  	v12 =	vld.idx.msk [tilespmem:v12+s17+$0x0], $0xffff  }
0x259: {  	v9 =	vld.idx.msk [tilespmem:v9+s17+$0x0], $0xffff  }
0x25a: {  	v15 =	vadd.s32 $0x8, v2;
	vm1 =	vlt.f32 v63, v17  }
0x25b: {  	v2 =	vsel vm1, v15, v2;
	v15 =	vadd.s32 $0x8, v11;
	vm1 =	vlt.f32 v3, v58;
	v3 =	vld.idx.msk [tilespmem:v56+s17+$0x0], $0xffff  }
0x25c: {  	v57 =	vadd.s32 $0x3, v2;
	v11 =	vsel vm1, v15, v11  }
0x25d: {  	v60 =	vadd.s32 $0x8, v10;
	vm1 =	vlt.f32 v12, v19;
	v63 =	vadd.s32 $0x3, v11  }
0x25e: {  	v10 =	vsel vm1, v60, v10;
	vm1 =	vlt.f32 v9, v46;
	v9 =	vadd.s32 $0x4, v1  }
0x25f: {  	v13 =	vadd.s32 $0x3, v10;
	v1 =	vsel vm1, v9, v1  }
0x260: {  	vm1 =	vlt.f32 v3, v36;
	v3 =	vadd.s32 $0x2, v0;
	v9 =	vadd.s32 $0x1, v1  }
0x261: {  	v61 =	vld.idx.msk [tilespmem:v57+s17+$0x0], $0xffff;
	v0 =	vsel vm1, v3, v0;
	_ =	sdelay $0x1  }
0x262: {  	v3 =	vld.idx.msk [tilespmem:v63+s17+$0x0], $0xffff  }
0x263: {  	v55 =	vld.idx.msk [tilespmem:v13+s17+$0x0], $0xffff  }
0x264: {  	v9 =	vld.idx.msk [tilespmem:v9+s17+$0x0], $0xffff  }
0x265: {  	v15 =	vadd.s32 $0x4, v2;
	vm1 =	vlt.f32 v61, v17;
	v57 =	vld.idx.msk [tilespmem:v0+s17+$0x0], $0xffff  }
0x266: {  	v2 =	vsel vm1, v15, v2  }
0x267: {  	v16 =	vadd.s32 $0x4, v10;
	v56 =	vadd.s32 $0x1, v2  }
0x268: {  	v15 =	vadd.s32 $0x4, v11;
	vm1 =	vlt.f32 v3, v58;
	vm2 =	vlt.f32 v55, v19  }
0x269: {  	v11 =	vsel vm1, v15, v11;
	v10 =	vsel vm2, v16, v10  }
0x26a: {  	vm1 =	vlt.f32 v9, v46;
	v9 =	vadd.s32 $0x2, v1;
	vm2 =	vlt.f32 v57, v36  }
0x26b: {  	v1 =	vsel vm1, v9, v1;
	v9 =	vsel vm2, $0x1, v62  }
0x26c: {  	v3 =	vld.idx.msk [tilespmem:v56+s17+$0x0], $0xffff;
	v4 =	vadd.s32 v9, v0  }
0x26d: {  	v60 =	vadd.s32 $0x1, v11  }
0x26e: {  	v61 =	vadd.s32 $0x1, v10;
	_ =	sdelay $0x1  }
0x26f: {  	v7 =	vmul.f32 $1.442695020e+00, v7;
	[tilespmem:$0x1FE00] =	vst v4  }
0x270: {  	(erf) = vpow2.f32 v6;
	v63 =	vadd.s32 $0x2, v2;
	vm1 =	vlt.f32 v3, v17;
	v4 =	vld.idx.msk [tilespmem:v4+s18+$0x0], $0xffff  }
0x271: {  	(erf) = vpow2.f32 v8;
	v55 =	vsel vm1, v63, v2;
	v56 =	vld.idx.msk [tilespmem:v60+s17+$0x0], $0xffff  }
0x272: {  	(erf) = vpow2.f32 v7;
	v3 =	vld.idx.msk [tilespmem:v61+s17+$0x0], $0xffff  }
0x273: {  	v6 =	vld.idx.msk [tilespmem:v1+s17+$0x0], $0xffff;
	_ =	sdelay $0x1  }
0x274: {  	v26 =	vld [tilespmem:$0x1FEF0];
	[tilespmem:$0x1FE30] =	vst v4  }
0x275: {  	v8 =	vadd.s32 $0x2, v11;
	vm1 =	vlt.f32 v56, v58;
	v7 =	vld.idx.msk [tilespmem:v55+s17+$0x0], $0xffff  }
0x276: {  	v9 =	vadd.s32 $0x2, v10;
	v2 =	vsel vm1, v8, v11;
	vm1 =	vlt.f32 v3, v19  }
0x277: {  	v20 =	vld [tilespmem:$0x1FF00];
	vm2 =	vlt.f32 v6, v46;
	v3 =	vsel vm1, v9, v10;
	v5 =	vsub.f32 v36, v4  }
0x278: {  	v21 =	vld [tilespmem:$0x1FF10];
	v61 =	vpop (erf);
	v6 =	vsel vm2, $0x1, v62  }
0x279: {  	v25 =	vld [tilespmem:$0x1FF20];
	v60 =	vpop (erf);
	v6 =	vadd.s32 v6, v1;
	v57 =	vand.u32 $0x7FFFFFFF, v5  }
0x27a: {  	v63 =	vadd.f32 $1.000000000e+00, v61;
	v4 =	vpop (erf);
	[tilespmem:$0x1FE40] =	vst v5;
	v1 =	vmul.f32 v57, v26;
	v57 =	vld [tilespmem:$0x1FFE0];
	vm1 =	vlt.f32 v7, v17  }
0x27b: {  	v11 =	vadd.f32 $1.000000000e+00, v60;
	v10 =	vld.idx.msk [tilespmem:v2+s17+$0x0], $0xffff;
	[tilespmem:$0x1FDE0] =	vst v4;
	v7 =	vsel vm1, $0x1, v62  }
0x27c: {  	(erf) = vrcp.f32 v63;
	v1 =	vmul.f32 $-2.000000000e+00, v1;
	v7 =	vadd.s32 v7, v55;
	v55 =	vld.idx.msk [tilespmem:v3+s17+$0x0], $0xffff  }
0x27d: {  	(erf) = vrcp.f32 v11;
	v56 =	vadd.f32 $1.000000000e+00, v4  }
0x27e: {  	v8 =	vld.idx.msk [tilespmem:v6+s18+$0x0], $0xffff;
	vm1 =	vlt.f32 v20, v43;
	v1 =	vmul.f32 $1.442695020e+00, v1  }
0x27f: {  	v63 =	vld [tilespmem:$0x1FFE0];
	vm2 =	vlt.f32 v20, v41;
	(erf) = vrcp.f32 v56;
	v11 =	vsel vm1, v57, v18  }
0x280: {  	v5 =	vld [tilespmem:$0x1FEE0];
	v14 =	vsel vm1, v25, v21;
	vm1 =	vlt.f32 v10, v58;
	(erf) = vpow2.f32 v1  }
0x281: {  	v10 =	vsel vm1, $0x1, v62;
	v13 =	vld.idx.msk [tilespmem:v7+s18+$0x0], $0xffff;
	vm1 =	vlt.f32 v55, v19;
	v55 =	vimm.s32 $0x0  }
0x282: {  	v57 =	vsel vm2, v25, v21;
	v56 =	vsel vm1, $0x1, v55  }
0x283: {  	v62 =	vadd.s32 v10, v2;
	v24 =	vsub.f32 v46, v8;
	v55 =	vor.u32 $0x20, v11  }
0x284: {  	v1 =	vsel vm2, v63, v18;
	vm2 =	vlt.f32 v57, v41  }
0x285: {  	v57 =	vld.idx.msk [tilespmem:v31+s5+$0x0], $0xffff;
	vm1 =	vlt.f32 v14, v43;
	v63 =	vadd.s32 v56, v3;
	v3 =	vand.u32 $0x7FFFFFFF, v24;
	v56 =	vpop (erf)  }
0x286: {  	v2 =	vsel vm1, v55, v11;
	v3 =	vmul.f32 v3, v5;
	v14 =	vsub.f32 v17, v13;
	[tilespmem:$0x1FDC0] =	vst v56;
	v55 =	vpop (erf)  }
0x287: {  	v4 =	vld [tilespmem:$0x1FFE0];
	v11 =	vor.u32 $0x20, v1;
	v12 =	vadd.s32 $0xF, v2;
	[tilespmem:$0x1FDD0] =	vst v55  }
0x288: {  	v1 =	vsel vm2, v11, v1;
	v3 =	vmul.f32 $-2.000000000e+00, v3;
	v56 =	vpop (erf);
	v15 =	vand.u32 $0x7FFFFFFF, v14;
	v11 =	vld.idx.msk [tilespmem:v62+s18+$0x0], $0xffff  }
0x289: {  	v16 =	vadd.s32 $0xF, v1;
	[tilespmem:$0x1FDF0] =	vst v56;
	v56 =	vld [tilespmem:$0x1FFD0];
	v15 =	vmul.f32 v15, v5  }
0x28a: {  	v3 =	vmul.f32 $1.442695020e+00, v3;
	v55 =	vpop (erf);
	v9 =	vld.idx.msk [tilespmem:v63+s18+$0x0], $0xffff  }
0x28b: {  	[tilespmem:$0x1FE10] =	vst v55;
	v18 =	vadd.f32 $1.000000000e+00, v55;
	v15 =	vmul.f32 $-2.000000000e+00, v15  }
0x28c: {  	vm1 =	vlt.f32 v20, v57;
	v12 =	vld.idx.msk [tilespmem:v12+s17+$0x0], $0xffff;
	(erf) = vpow2.f32 v3  }
0x28d: {  	(erf) = vrcp.f32 v18;
	v18 =	vsel vm1, v25, v21;
	v3 =	vmul.f32 $1.442695020e+00, v15  }
0x28e: {  	v16 =	vld.idx.msk [tilespmem:v16+s17+$0x0], $0xffff;
	v15 =	vsel vm1, v4, v56;
	v55 =	vsub.f32 v58, v11;
	vm1 =	vlt.f32 v18, v57  }
0x28f: {  	v56 =	vsub.f32 v19, v9;
	(erf) = vpow2.f32 v3;
	v3 =	vor.u32 $0x20, v15  }
0x290: {  	v0 =	vadd.s32 $0x10, v2;
	v18 =	vand.u32 $0x7FFFFFFF, v55;
	v3 =	vsel vm1, v3, v15  }
0x291: {  	v15 =	vmul.f32 v18, v5;
	v18 =	vand.u32 $0x7FFFFFFF, v56;
	vm1 =	vlt.f32 v12, v43  }
0x292: {  	v18 =	vmul.f32 v18, v5;
	v5 =	vsel vm1, v0, v2  }
0x293: {  	v12 =	vadd.s32 $0xF, v3;
	vm1 =	vlt.f32 v16, v41;
	v16 =	vadd.s32 $0x10, v1  }
0x294: {  	v15 =	vmul.f32 $-2.000000000e+00, v15;
	v1 =	vsel vm1, v16, v1;
	v16 =	vadd.s32 $0x7, v5  }
0x295: {  	v18 =	vmul.f32 $-2.000000000e+00, v18;
	v4 =	vadd.s32 $0x7, v1;
	v0 =	vpop (erf)  }
0x296: {  	v15 =	vmul.f32 $1.442695020e+00, v15;
	v2 =	vpop (erf)  }
0x297: {  	v18 =	vmul.f32 $1.442695020e+00, v18;
	[tilespmem:$0x1FE20] =	vst v2  }
0x298: {  	(erf) = vpow2.f32 v15;
	v12 =	vld.idx.msk [tilespmem:v12+s17+$0x0], $0xffff  }
0x299: {  	v15 =	vadd.f32 $1.000000000e+00, v0;
	v16 =	vld.idx.msk [tilespmem:v16+s17+$0x0], $0xffff  }
0x29a: {  	(erf) = vpow2.f32 v18;
	v4 =	vld.idx.msk [tilespmem:v4+s17+$0x0], $0xffff  }
0x29b: {  	(erf) = vrcp.f32 v15;
	v18 =	vpop (erf)  }
0x29c: {  	v15 =	vadd.f32 $1.000000000e+00, v18  }
0x29d: {  	vm2 =	vlt.f32 v17, v13;
	v2 =	vadd.s32 $0x10, v3;
	vm3 =	vlt.f32 v12, v57  }
0x29e: {  	vm1 =	vgt.f32 v17, v13;
	v17 =	vld.idx.msk [tilespmem:v6+s20+$0x0], $0xffff;
	(erf) = vrcp.f32 v15;
	v10 =	vsel vm3, v2, v3  }
0x29f: {  	v15 =	vld.idx.msk [tilespmem:v7+s20+$0x0], $0xffff;
	vm3 =	vlt.f32 v16, v43;
	vm4 =	vlt.f32 v4, v41;
	v4 =	vadd.s32 $0x8, v5  }
0x2a0: {  	vm10 =	vgt.f32 v46, v8;
	v5 =	vsel vm3, v4, v5;
	vm3 =	vlt.f32 v46, v8;
	v46 =	vld [tilespmem:$0x1FFC0]  }
0x2a1: {  	v13 =	vadd.s32 $0x8, v1;
	v2 =	vld.idx.msk [tilespmem:v6+s19+$0x0], $0xffff;
	v12 =	vpop (erf)  }
0x2a2: {  	v3 =	vsub.f32 $1.000000000e+00, v0;
	v0 =	vadd.f32 $1.000000000e+00, v12  }
0x2a3: {  	vm15 =	vgt.f32 v19, v9;
	v16 =	vpop (erf)  }
0x2a4: {  	v1 =	vsel vm4, v13, v1;
	v4 =	vmul.f32 v15, v14;
	v13 =	vpop (erf);
	(erf) = vrcp.f32 v0  }
0x2a5: {  	v0 =	vmul.f32 v13, v3;
	v13 =	vmul.f32 v17, v24;
	v24 =	vld [tilespmem:$0x1FF30];
	v6 =	vadd.s32 v46, v6  }
0x2a6: {  	v15 =	vsub.f32 $1.000000000e+00, v2;
	v3 =	vsub.f32 $1.000000000e+00, v18;
	vm5 =	veq.s32 v6, $0x0  }
0x2a7: {  	v14 =	vld.idx.msk [tilespmem:v7+s19+$0x0], $0xffff;
	vm6 =	veq.s32 v6, $0x63;
	v6 =	vadd.s32 v46, v7;
	v7 =	vadd.f32 $1.000000000e+00, v16;
	v8 =	vpop (erf)  }
0x2a8: {  	s25 =	sshll.u32 s25, $0x7;
	vm3 =	vmand vm3, vm5;
	v3 =	vmul.f32 v8, v3;
	v8 =	vxor.u32 $0x80000000, v0  }
0x2a9: {  	s3 =	sadd.s32 $0x180, s25;
	vm13 =	veq.s32 v6, $0x63;
	v0 =	vmul.f32 v0, v15;
	v8 =	vmul.f32 v8, v2  }
0x2aa: {  	(erf) = vrcp.f32 v7;
	v7 =	vadd.s32 v46, v62;
	v17 =	vor.u32 s3, v24  }
0x2ab: {  	v15 =	vxor.u32 $0x80000000, v3;
	v8 =	vsel vm3, v8, v13;
	vm3 =	vmand vm10, vm6  }
0x2ac: {  	v0 =	vsel vm3, v0, v8;
	vm3 =	veq.s32 v6, $0x0;
	v8 =	vmul.f32 v15, v14  }
0x2ad: {  	v6 =	vsub.f32 $1.000000000e+00, v14;
	v0 =	vadd.f32 v0, v2;
	vm2 =	vmand vm2, vm3  }
0x2ae: {  	s24 =	sadd.s32 $0x200, s24;
	v13 =	vld.idx.msk [tilespmem:v62+s20+$0x0], $0xffff;
	[tilespmem:$0x1FE50] =	vst v17;
	vm3 =	vlt.f32 v58, v11;
	v2 =	vsel vm2, v8, v4;
	vm2 =	veq.s32 v7, $0x0  }
0x2af: {  	v15 =	vld.idx.msk [tilespmem:v63+s20+$0x0], $0xffff;
	[tilespmem:s24+$0x80] =	vst v0;
	vm3 =	vmand vm3, vm2;
	vm2 =	vlt.f32 v19, v9;
	v9 =	vsub.f32 $1.000000000e+00, v12  }
0x2b0: {  	v4 =	vld.idx.msk [tilespmem:v17+s5+$0x0], $0xffff;
	v17 =	vpop (erf)  }
0x2b1: {  	v3 =	vmul.f32 v3, v6;
	v6 =	vmul.f32 v17, v9;
	v9 =	vld [tilespmem:$0x1FFD0]  }
0x2b2: {  	v17 =	vld [tilespmem:$0x1FFE0];
	_ =	sdelay $0x1  }
0x2b3: {  	vm12 =	vgt.f32 v58, v11  }
0x2b4: {  	v16 =	vsub.f32 $1.000000000e+00, v16;
	vm5 =	vmand vm1, vm13;
	vm14 =	veq.s32 v7, $0x63  }
0x2b5: {  	v58 =	vadd.s32 $0x7, v10;
	v11 =	vmul.f32 v15, v56;
	v15 =	vld.idx.msk [tilespmem:v62+s19+$0x0], $0xffff;
	vm9 =	vlt.f32 v20, v4  }
0x2b6: {  	v8 =	vadd.s32 v46, v63;
	v7 =	vadd.s32 $0x3, v5;
	v9 =	vsel vm9, v17, v9  }
0x2b7: {  	v63 =	vld.idx.msk [tilespmem:v63+s19+$0x0], $0xffff;
	vm11 =	veq.s32 v8, $0x0;
	v55 =	vmul.f32 v13, v55;
	v17 =	vsel vm9, v25, v21  }
0x2b8: {  	v2 =	vsel vm5, v3, v2;
	vm10 =	vlt.f32 v17, v4;
	v3 =	vor.u32 $0x20, v9  }
0x2b9: {  	vm2 =	vmand vm2, vm11;
	v18 =	vxor.u32 $0x80000000, v6;
	v3 =	vsel vm10, v3, v9;
	v9 =	vpop (erf)  }
0x2ba: {  	vm11 =	veq.s32 v8, $0x63;
	v8 =	vmul.f32 v9, v16;
	v9 =	vmul.f32 v18, v15  }
0x2bb: {  	v17 =	vadd.s32 $0x3, v1;
	v16 =	vsub.f32 $1.000000000e+00, v15  }
0x2bc: {  	v19 =	vadd.s32 $0xF, v3;
	v18 =	vsub.f32 $1.000000000e+00, v63;
	v0 =	vsel vm3, v9, v55  }
0x2bd: {  	v9 =	vxor.u32 $0x80000000, v8;
	v6 =	vmul.f32 v6, v16;
	v16 =	vor.u32 s25, v24  }
0x2be: {  	s30 =	sadd.s32 $0x80, s25;
	vm1 =	vmand vm12, vm14;
	vm4 =	vmand vm15, vm11;
	v13 =	vld.idx.msk [tilespmem:v58+s17+$0x0], $0xffff;
	[tilespmem:$0x1FE60] =	vst v16;
	v9 =	vmul.f32 v9, v63  }
0x2bf: {  	v2 =	vadd.f32 v2, v14;
	v58 =	vor.u32 s30, v24;
	s25 =	sadd.s32 $0x100, s25;
	v8 =	vmul.f32 v8, v18;
	v7 =	vld.idx.msk [tilespmem:v7+s17+$0x0], $0xffff  }
0x2c0: {  	v55 =	vor.u32 s25, v24;
	v0 =	vsel vm1, v6, v0;
	v6 =	vsel vm2, v9, v11  }
0x2c1: {  	v9 =	vld.idx.msk [tilespmem:v17+s17+$0x0], $0xffff;
	v0 =	vadd.f32 v0, v15;
	v6 =	vsel vm4, v8, v6  }
0x2c2: {  	[tilespmem:s24+$0xFFFFFF00] =	vst v2;
	v14 =	vadd.f32 v6, v63;
	v6 =	vld.idx.msk [tilespmem:v19+s17+$0x0], $0xffff  }
0x2c3: {  	v62 =	vld.idx.msk [tilespmem:v16+s5+$0x0], $0xffff;
	[tilespmem:s24+$0xFFFFFF80] =	vst v0  }
0x2c4: {  	v12 =	vadd.s32 $0x4, v5;
	v63 =	vld.idx.msk [tilespmem:v58+s5+$0x0], $0xffff;
	vm2 =	vlt.f32 v7, v43;
	[tilespmem:s24+$0x0] =	vst v14  }
0x2c5: {  	vm1 =	vlt.f32 v13, v57;
	v8 =	vadd.s32 $0x8, v10;
	v0 =	vsel vm2, v12, v5;
	v5 =	vld.idx.msk [tilespmem:v55+s5+$0x0], $0xffff  }
0x2c6: {  	v7 =	vsel vm1, v8, v10;
	vm1 =	vlt.f32 v9, v41;
	v9 =	vld [tilespmem:$0x1FFE0]  }
0x2c7: {  	v13 =	vadd.s32 $0x4, v1;
	v12 =	vld [tilespmem:$0x1FFD0]  }
0x2c8: {  	v14 =	vadd.s32 $0x10, v3;
	v1 =	vsel vm1, v13, v1;
	v13 =	vld [tilespmem:$0x1FFE0];
	vm1 =	vlt.f32 v6, v4  }
0x2c9: {  	v2 =	vsel vm1, v14, v3;
	v3 =	vld [tilespmem:$0x1FFD0]  }
0x2ca: {  	v15 =	vld [tilespmem:$0x1FFE0]  }
0x2cb: {  	v8 =	vadd.s32 $0x3, v7;
	v14 =	vld [tilespmem:$0x1FFD0]  }
0x2cc: {  	v10 =	vadd.s32 $0x1, v0;
	vm2 =	vlt.f32 v20, v62;
	vm1 =	vlt.f32 v20, v63  }
0x2cd: {  	v6 =	vadd.s32 $0x1, v1;
	v11 =	vsel vm2, v25, v21;
	v12 =	vsel vm1, v13, v12  }
0x2ce: {  	v13 =	vsel vm1, v25, v21;
	vm1 =	vlt.f32 v11, v62;
	v3 =	vsel vm2, v9, v3  }
0x2cf: {  	v9 =	vadd.s32 $0x7, v2;
	vm2 =	vlt.f32 v20, v5;
	v11 =	vor.u32 $0x20, v3  }
0x2d0: {  	v8 =	vld.idx.msk [tilespmem:v8+s17+$0x0], $0xffff;
	v14 =	vsel vm2, v15, v14;
	v15 =	vsel vm2, v25, v21;
	v3 =	vsel vm1, v11, v3  }
0x2d1: {  	vm1 =	vlt.f32 v13, v63;
	v11 =	vor.u32 $0x20, v12;
	vm2 =	vlt.f32 v15, v5  }
0x2d2: {  	v10 =	vld.idx.msk [tilespmem:v10+s17+$0x0], $0xffff;
	v15 =	vor.u32 $0x20, v14;
	v13 =	vadd.s32 $0xF, v3;
	v11 =	vsel vm1, v11, v12  }
0x2d3: {  	v6 =	vld.idx.msk [tilespmem:v6+s17+$0x0], $0xffff;
	v12 =	vsel vm2, v15, v14;
	v14 =	vadd.s32 $0xF, v11  }
0x2d4: {  	v15 =	vadd.s32 $0xF, v12;
	v9 =	vld.idx.msk [tilespmem:v9+s17+$0x0], $0xffff  }
0x2d5: {  	vm1 =	vlt.f32 v8, v57;
	v8 =	vadd.s32 $0x4, v7  }
0x2d6: {  	v7 =	vsel vm1, v8, v7  }
0x2d7: {  	vm1 =	vlt.f32 v10, v43;
	v8 =	vadd.s32 $0x2, v0;
	v10 =	vadd.s32 $0x2, v1;
	v13 =	vld.idx.msk [tilespmem:v13+s17+$0x0], $0xffff  }
0x2d8: {  	v0 =	vsel vm1, v8, v0;
	v8 =	vadd.s32 $0x1, v7;
	vm1 =	vlt.f32 v6, v41;
	v6 =	vld.idx.msk [tilespmem:v14+s17+$0x0], $0xffff  }
0x2d9: {  	v1 =	vsel vm1, v10, v1;
	v14 =	vld.idx.msk [tilespmem:v15+s17+$0x0], $0xffff;
	vm2 =	vlt.f32 v9, v4;
	v9 =	vadd.s32 $0x8, v2  }
0x2da: {  	v2 =	vsel vm2, v9, v2  }
0x2db: {  	v9 =	vadd.s32 $0x10, v3;
	v10 =	vadd.s32 $0x3, v2  }
0x2dc: {  	v20 =	vld [tilespmem:$0x1FDC0];
	vm1 =	vlt.f32 v13, v62;
	v13 =	vmul.f32 v50, v49;
	v49 =	vadd.s32 $0x10, v12  }
0x2dd: {  	v8 =	vld.idx.msk [tilespmem:v8+s17+$0x0], $0xffff;
	v3 =	vsel vm1, v9, v3;
	v9 =	vadd.s32 $0x10, v11;
	vm1 =	vlt.f32 v6, v63  }
0x2de: {  	v15 =	vld.idx.msk [tilespmem:v1+s17+$0x0], $0xffff;
	vm2 =	vlt.f32 v14, v5;
	v6 =	vadd.s32 $0x7, v3;
	v11 =	vsel vm1, v9, v11  }
0x2df: {  	v9 =	vld.idx.msk [tilespmem:v0+s17+$0x0], $0xffff;
	v12 =	vsel vm2, v49, v12;
	v50 =	vadd.s32 $0x7, v11  }
0x2e0: {  	vm12 =	vlt.f32 v28, v39;
	v18 =	vadd.s32 $0x7, v12;
	v10 =	vld.idx.msk [tilespmem:v10+s17+$0x0], $0xffff  }
0x2e1: {  	vm6 =	vlt.f32 v27, v44;
	vm3 =	vlt.f32 v29, v45;
	v16 =	vsub.f32 $1.000000000e+00, v61  }
0x2e2: {  	v56 =	vmovc v24;
	v24 =	vmul.f32 v53, v54;
	vm14 =	vlt.f32 v8, v57;
	v8 =	vadd.s32 $0x2, v7  }
0x2e3: {  	v17 =	vsub.f32 $1.000000000e+00, v60;
	v16 =	vmul.f32 v20, v16;
	v7 =	vsel vm14, v8, v7;
	v6 =	vld.idx.msk [tilespmem:v6+s17+$0x0], $0xffff  }
0x2e4: {  	v8 =	vimm.s32 $0x0;
	vm15 =	vlt.f32 v15, v41;
	vm13 =	vlt.f32 v9, v43;
	v14 =	vld.idx.msk [tilespmem:v50+s17+$0x0], $0xffff  }
0x2e5: {  	v8 =	vsel vm13, $0x1, v8;
	v15 =	vld.idx.msk [tilespmem:v18+s17+$0x0], $0xffff;
	vm8 =	vlt.f32 v10, v4;
	v10 =	vadd.s32 $0x4, v2  }
0x2e6: {  	vm1 =	vgt.f32 v28, v39;
	v28 =	vadd.s32 v8, v0;
	v8 =	vld [tilespmem:$0x1FDE0];
	v0 =	vsel vm8, v10, v2  }
0x2e7: {  	v20 =	vld [tilespmem:$0x1FDD0];
	vm2 =	vgt.f32 v29, v45;
	v9 =	vimm.s32 $0x0;
	v2 =	vadd.s32 $0x1, v0  }
0x2e8: {  	v39 =	vadd.s32 $0x8, v3;
	v9 =	vsel vm15, $0x1, v9;
	v18 =	vld [tilespmem:$0x1FDF0];
	vm9 =	vlt.f32 v6, v62  }
0x2e9: {  	v45 =	vadd.s32 $0x8, v12;
	v9 =	vadd.s32 v9, v1;
	v1 =	vsel vm9, v39, v3  }
0x2ea: {  	v3 =	vadd.s32 $0x8, v11;
	vm10 =	vlt.f32 v14, v63;
	v10 =	vadd.s32 $0x3, v1  }
0x2eb: {  	vm11 =	vlt.f32 v15, v5;
	v8 =	vsub.f32 $1.000000000e+00, v8;
	v3 =	vsel vm10, v3, v11;
	v11 =	vld.idx.msk [tilespmem:v7+s17+$0x0], $0xffff  }
0x2ec: {  	v19 =	vmul.f32 v52, v51;
	v12 =	vsel vm11, v45, v12;
	v53 =	vadd.s32 $0x3, v3;
	v2 =	vld.idx.msk [tilespmem:v2+s17+$0x0], $0xffff  }
0x2ed: {  	v51 =	vld [tilespmem:$0x1FFF0];
	v17 =	vmul.f32 v20, v17;
	v8 =	vmul.f32 v18, v8;
	v18 =	vadd.s32 $0x3, v12  }
0x2ee: {  	vm4 =	vgt.f32 v27, v44;
	v27 =	vxor.u32 $0x80000000, v16;
	v16 =	vmul.f32 v16, v42;
	v39 =	vld.idx.msk [tilespmem:v28+s18+$0x0], $0xffff  }
0x2ef: {  	v54 =	vmul.f32 v27, v35;
	v27 =	vimm.s32 $0x0;
	v29 =	vxor.u32 $0x80000000, v17;
	v10 =	vld.idx.msk [tilespmem:v10+s17+$0x0], $0xffff  }
0x2f0: {  	v17 =	vmul.f32 v17, v47;
	vm10 =	vmand vm12, vm0;
	vm0 =	vlt.f32 v11, v57  }
0x2f1: {  	v45 =	vadd.s32 $0x2, v0;
	v27 =	vsel vm0, $0x1, v27;
	v14 =	vld.idx.msk [tilespmem:v53+s17+$0x0], $0xffff;
	vm0 =	vlt.f32 v2, v4  }
0x2f2: {  	vm8 =	veq.s32 v40, $0x0;
	v27 =	vadd.s32 v27, v7;
	v7 =	vld.idx.msk [tilespmem:v18+s17+$0x0], $0xffff;
	v0 =	vsel vm0, v45, v0  }
0x2f3: {  	vm3 =	vmand vm3, vm8;
	v6 =	vsub.f32 $1.000000000e+00, v37;
	v15 =	vadd.s32 v51, v48  }
0x2f4: {  	v42 =	vld.idx.msk [tilespmem:v9+s18+$0x0], $0xffff;
	v47 =	vadd.s32 $0x4, v1;
	v18 =	vsub.f32 v43, v39;
	vm9 =	vlt.f32 v10, v62  }
0x2f5: {  	v50 =	vadd.s32 $0x4, v3;
	v11 =	vmul.f32 v29, v38;
	v1 =	vsel vm9, v47, v1  }
0x2f6: {  	v10 =	vand.u32 $0x7FFFFFFF, v18;
	vm13 =	vlt.f32 v14, v63;
	v29 =	vadd.s32 $0x1, v1  }
0x2f7: {  	v2 =	vsel vm13, v50, v3;
	vm14 =	vlt.f32 v7, v5;
	v7 =	vmul.f32 v10, v26;
	v10 =	vld.idx.msk [tilespmem:v0+s17+$0x0], $0xffff  }
0x2f8: {  	vm7 =	veq.s32 v15, $0x0;
	v45 =	vld.idx.msk [tilespmem:v27+s18+$0x0], $0xffff;
	v3 =	vadd.s32 $0x4, v12;
	v52 =	vadd.s32 $0x1, v2  }
0x2f9: {  	v49 =	vsub.f32 v41, v42;
	v3 =	vsel vm14, v3, v12;
	v7 =	vmul.f32 $-2.000000000e+00, v7  }
0x2fa: {  	vm12 =	veq.s32 v34, $0x63;
	vm15 =	veq.s32 v15, $0x63;
	v53 =	vadd.s32 $0x1, v3  }
0x2fb: {  	v13 =	vsel vm10, v54, v13;
	v15 =	vand.u32 $0x7FFFFFFF, v49;
	v7 =	vmul.f32 $1.442695020e+00, v7;
	v54 =	vld.idx.msk [tilespmem:v29+s17+$0x0], $0xffff  }
0x2fc: {  	v11 =	vsel vm3, v11, v19;
	v15 =	vmul.f32 v15, v26;
	vm3 =	vlt.f32 v10, v4  }
0x2fd: {  	v10 =	vsub.f32 v57, v45;
	v12 =	vld.idx.msk [tilespmem:v52+s17+$0x0], $0xffff;
	(erf) = vpow2.f32 v7;
	v7 =	vimm.s32 $0x0  }
0x2fe: {  	v6 =	vmul.f32 v8, v6;
	v15 =	vmul.f32 $-2.000000000e+00, v15;
	v7 =	vsel vm3, $0x1, v7  }
0x2ff: {  	vm0 =	veq.s32 v40, $0x63;
	v14 =	vld.idx.msk [tilespmem:v53+s17+$0x0], $0xffff;
	v29 =	vadd.s32 v7, v0;
	v40 =	vand.u32 $0x7FFFFFFF, v10  }
0x300: {  	v7 =	vmul.f32 $1.442695020e+00, v15;
	v15 =	vadd.s32 $0x2, v1;
	vm3 =	vlt.f32 v54, v62  }
0x301: {  	v8 =	vxor.u32 $0x80000000, v8;
	v0 =	vmul.f32 v40, v26;
	v1 =	vsel vm3, v15, v1;
	v15 =	vld [tilespmem:$0x1FE00]  }
0x302: {  	(erf) = vpow2.f32 v7;
	v7 =	vadd.s32 $0x2, v2;
	vm3 =	vlt.f32 v12, v63  }
0x303: {  	vm6 =	vmand vm6, vm7;
	v8 =	vmul.f32 v8, v37;
	v2 =	vsel vm3, v7, v2  }
0x304: {  	v44 =	vld [tilespmem:$0x1FE10];
	v0 =	vmul.f32 $-2.000000000e+00, v0;
	vm3 =	vlt.f32 v14, v5;
	v7 =	vadd.s32 $0x2, v3  }
0x305: {  	v20 =	vld [tilespmem:$0x1FE30];
	vm1 =	vmand vm1, vm12;
	v8 =	vsel vm6, v8, v24;
	v3 =	vsel vm3, v7, v3  }
0x306: {  	v0 =	vmul.f32 $1.442695020e+00, v0;
	v7 =	vsel vm1, v16, v13;
	v40 =	vld.idx.msk [tilespmem:v29+s18+$0x0], $0xffff;
	vm1 =	vmand vm4, vm15  }
0x307: {  	v50 =	vsel vm1, v6, v8;
	v6 =	vld [tilespmem:$0x1FE20];
	v16 =	vmov v15  }
0x308: {  	vm0 =	vmand vm2, vm0;
	(erf) = vpow2.f32 v0;
	v0 =	vadd.s32 v51, v16;
	v16 =	vld.idx.msk [tilespmem:v2+s17+$0x0], $0xffff  }
0x309: {  	v11 =	vsel vm0, v17, v11;
	v12 =	vld.idx.msk [tilespmem:v15+s19+$0x0], $0xffff  }
0x30a: {  	v47 =	vld.idx.msk [tilespmem:v15+s20+$0x0], $0xffff  }
0x30b: {  	vm5 =	vgt.f32 v41, v42;
	vm2 =	vgt.f32 v36, v20;
	v15 =	vld.idx.msk [tilespmem:v1+s17+$0x0], $0xffff  }
0x30c: {  	vm6 =	vgt.f32 v57, v45;
	v8 =	vadd.f32 v7, v35;
	v7 =	vadd.f32 v11, v38;
	v11 =	vpop (erf)  }
0x30d: {  	v52 =	vimm.s32 $0x0;
	v13 =	vsub.f32 $1.000000000e+00, v44;
	v19 =	vadd.f32 $1.000000000e+00, v11  }
0x30e: {  	v53 =	vimm.s32 $0x0;
	vm4 =	vgt.f32 v43, v39;
	vm1 =	vlt.f32 v36, v20;
	v24 =	vld.idx.msk [tilespmem:v3+s17+$0x0], $0xffff  }
0x30f: {  	v20 =	vld [tilespmem:$0x1FE40];
	v48 =	vsub.f32 v4, v40;
	(erf) = vrcp.f32 v19;
	v13 =	vmul.f32 v6, v13  }
0x310: {  	vm12 =	vlt.f32 v16, v63;
	v16 =	vimm.s32 $0x0;
	vm3 =	vlt.f32 v15, v62  }
0x311: {  	v6 =	vadd.f32 v50, v37;
	v50 =	vpop (erf);
	v15 =	vand.u32 $0x7FFFFFFF, v48;
	v16 =	vsel vm3, $0x1, v16  }
0x312: {  	v19 =	vadd.f32 $1.000000000e+00, v50;
	v17 =	vxor.u32 $0x80000000, v13;
	v15 =	vmul.f32 v15, v26  }
0x313: {  	vm3 =	vlt.f32 v24, v5;
	v44 =	vadd.s32 v16, v1;
	v1 =	vsel vm12, $0x1, v52  }
0x314: {  	v14 =	vmul.f32 v47, v20;
	v47 =	vadd.s32 v1, v2;
	v1 =	vsel vm3, $0x1, v53;
	v16 =	vpop (erf)  }
0x315: {  	v54 =	vld.idx.msk [tilespmem:v28+s20+$0x0], $0xffff;
	v38 =	vadd.s32 v1, v3;
	v3 =	vmul.f32 $-2.000000000e+00, v15;
	v35 =	vadd.f32 $1.000000000e+00, v16  }
0x316: {  	(erf) = vrcp.f32 v19;
	v34 =	vsub.f32 $1.000000000e+00, v12;
	v36 =	vmul.f32 v17, v12;
	v17 =	vld.idx.msk [tilespmem:v27+s20+$0x0], $0xffff  }
0x317: {  	vm3 =	veq.s32 v0, $0x0;
	v15 =	vld.idx.msk [tilespmem:v9+s20+$0x0], $0xffff;
	v37 =	vmul.f32 $1.442695020e+00, v3;
	(erf) = vrcp.f32 v35  }
0x318: {  	v11 =	vsub.f32 $1.000000000e+00, v11;
	v13 =	vmul.f32 v13, v34;
	vm1 =	vmand vm1, vm3;
	v34 =	vld.idx.msk [tilespmem:v44+s18+$0x0], $0xffff  }
0x319: {  	vm0 =	veq.s32 v0, $0x63;
	v0 =	vsel vm1, v36, v14;
	(erf) = vpow2.f32 v37;
	v36 =	vld.idx.msk [tilespmem:v47+s18+$0x0], $0xffff  }
0x31a: {  	vm0 =	vmand vm2, vm0;
	vm2 =	vlt.f32 v43, v39;
	v53 =	vsub.f32 $1.000000000e+00, v50;
	v37 =	vld.idx.msk [tilespmem:v38+s18+$0x0], $0xffff  }
0x31b: {  	v1 =	vmul.f32 v54, v18;
	vm3 =	vlt.f32 v57, v45;
	vm1 =	vlt.f32 v41, v42  }
0x31c: {  	v10 =	vmul.f32 v17, v10;
	v52 =	vpop (erf);
	v3 =	vadd.s32 v51, v28;
	v0 =	vsel vm0, v13, v0  }
0x31d: {  	v11 =	vmul.f32 v52, v11;
	v35 =	vadd.f32 v0, v12;
	v12 =	vsub.f32 v62, v34  }
0x31e: {  	vm0 =	veq.s32 v3, $0x0;
	v2 =	vmul.f32 v15, v49;
	v14 =	vsub.f32 v63, v36  }
0x31f: {  	v54 =	vpop (erf);
	v15 =	vsub.f32 $1.000000000e+00, v16;
	v16 =	vand.u32 $0x7FFFFFFF, v12;
	v17 =	vsub.f32 v5, v37  }
0x320: {  	v0 =	vadd.s32 v51, v9;
	v9 =	vld.idx.msk [tilespmem:v9+s19+$0x0], $0xffff;
	v16 =	vmul.f32 v16, v26;
	v19 =	vand.u32 $0x7FFFFFFF, v14;
	v18 =	vpop (erf)  }
0x321: {  	v15 =	vmul.f32 v18, v15;
	v18 =	vmul.f32 v19, v26;
	v19 =	vand.u32 $0x7FFFFFFF, v17  }
0x322: {  	v24 =	vld.idx.msk [tilespmem:v28+s19+$0x0], $0xffff;
	vm13 =	veq.s32 v3, $0x63;
	v28 =	vpop (erf);
	v16 =	vmul.f32 $-2.000000000e+00, v16;
	v19 =	vmul.f32 v19, v26  }
0x323: {  	v45 =	vld.idx.msk [tilespmem:v27+s19+$0x0], $0xffff;
	v13 =	vmul.f32 v54, v53;
	v3 =	vadd.f32 $1.000000000e+00, v28;
	v18 =	vmul.f32 $-2.000000000e+00, v18  }
0x324: {  	vm14 =	veq.s32 v0, $0x0;
	v16 =	vmul.f32 $1.442695020e+00, v16;
	v19 =	vmul.f32 $-2.000000000e+00, v19  }
0x325: {  	v50 =	vsub.f32 $1.000000000e+00, v9;
	(erf) = vrcp.f32 v3;
	v49 =	vmul.f32 $1.442695020e+00, v18  }
0x326: {  	vm15 =	veq.s32 v0, $0x63;
	(erf) = vpow2.f32 v16;
	v16 =	vmul.f32 $1.442695020e+00, v19  }
0x327: {  	vm0 =	vmand vm2, vm0;
	v0 =	vmul.f32 v13, v50;
	(erf) = vpow2.f32 v49  }
0x328: {  	v13 =	vxor.u32 $0x80000000, v13;
	(erf) = vpow2.f32 v16;
	v16 =	vsub.f32 $1.000000000e+00, v45  }
0x329: {  	v13 =	vmul.f32 v13, v9;
	v3 =	vsub.f32 $1.000000000e+00, v24;
	v18 =	vadd.s32 v51, v27  }
0x32a: {  	vm12 =	veq.s32 v18, $0x0;
	v16 =	vmul.f32 v15, v16;
	v15 =	vxor.u32 $0x80000000, v15  }
0x32b: {  	v3 =	vmul.f32 v11, v3;
	v11 =	vxor.u32 $0x80000000, v11;
	v15 =	vmul.f32 v15, v45  }
0x32c: {  	vm1 =	vmand vm1, vm14;
	v11 =	vmul.f32 v11, v24;
	vm2 =	vmand vm3, vm12  }
0x32d: {  	v2 =	vsel vm1, v13, v2;
	vm1 =	vmand vm5, vm15;
	v10 =	vsel vm2, v15, v10  }
0x32e: {  	vm3 =	veq.s32 v18, $0x63;
	v1 =	vsel vm0, v11, v1;
	vm0 =	vmand vm4, vm13  }
0x32f: {  	v53 =	vsub.f32 $1.000000000e+00, v28;
	v1 =	vsel vm0, v3, v1;
	vm0 =	vmand vm6, vm3;
	v15 =	vpop (erf)  }
0x330: {  	v0 =	vsel vm1, v0, v2;
	vm1 =	vgt.f32 v4, v40;
	v54 =	vsel vm0, v16, v10;
	v10 =	vpop (erf)  }
0x331: {  	v0 =	vadd.f32 v0, v9;
	v13 =	vmul.f32 v15, v53;
	v15 =	vpop (erf);
	v18 =	vadd.f32 $1.000000000e+00, v10  }
0x332: {  	v9 =	vld.idx.msk [tilespmem:v38+s20+$0x0], $0xffff;
	v1 =	vadd.f32 v1, v24;
	vm0 =	vlt.f32 v4, v40;
	v4 =	vpop (erf);
	v24 =	vadd.f32 $1.000000000e+00, v15  }
0x333: {  	v11 =	vld.idx.msk [tilespmem:v29+s19+$0x0], $0xffff;
	(erf) = vrcp.f32 v18;
	v18 =	vadd.f32 $1.000000000e+00, v4  }
0x334: {  	v3 =	vld.idx.msk [tilespmem:v29+s20+$0x0], $0xffff;
	(erf) = vrcp.f32 v24  }
0x335: {  	(erf) = vrcp.f32 v18  }
0x336: {  	v27 =	vld.idx.msk [tilespmem:v44+s20+$0x0], $0xffff  }
0x337: {  	v9 =	vmul.f32 v9, v17;
	v40 =	vld [tilespmem:$0x1FEA0]  }
0x338: {  	v19 =	vld.idx.msk [tilespmem:v44+s19+$0x0], $0xffff;
	v16 =	vadd.s32 v51, v29;
	v29 =	vsub.f32 $1.000000000e+00, v11;
	v28 =	vxor.u32 $0x80000000, v13  }
0x339: {  	v3 =	vmul.f32 v3, v48;
	vm2 =	veq.s32 v16, $0x0;
	v28 =	vmul.f32 v28, v11;
	v24 =	vld.idx.msk [tilespmem:v47+s19+$0x0], $0xffff  }
0x33a: {  	vm3 =	veq.s32 v16, $0x63;
	vm0 =	vmand vm0, vm2;
	v13 =	vmul.f32 v13, v29  }
0x33b: {  	vm1 =	vmand vm1, vm3;
	v10 =	vsub.f32 $1.000000000e+00, v10;
	v3 =	vsel vm0, v28, v3  }
0x33c: {  	v12 =	vmul.f32 v27, v12;
	v15 =	vsub.f32 $1.000000000e+00, v15;
	v3 =	vsel vm1, v13, v3;
	v17 =	vpop (erf)  }
0x33d: {  	v4 =	vsub.f32 $1.000000000e+00, v4;
	v3 =	vadd.f32 v3, v11;
	v10 =	vmul.f32 v17, v10;
	v17 =	vpop (erf)  }
0x33e: {  	v61 =	vld [tilespmem:$0x1FFB0];
	v11 =	vsub.f32 $1.000000000e+00, v19;
	v27 =	vsub.f32 $1.000000000e+00, v24;
	v15 =	vmul.f32 v17, v15;
	v17 =	vpop (erf)  }
0x33f: {  	v60 =	vld [tilespmem:$0x1FFA0];
	[tilespmem:v40+s22+$0x0] =	vst.idx.msk $0x3ff, v8;
	v4 =	vmul.f32 v17, v4;
	v17 =	vxor.u32 $0x80000000, v10  }
0x340: {  	v10 =	vmul.f32 v10, v11;
	v11 =	vxor.u32 $0x80000000, v15;
	v15 =	vmul.f32 v15, v27;
	v27 =	vld [tilespmem:$0x1FEB0];
	_ =	sdelay $0x3  }
0x341: {  	v18 =	vld.idx.msk [tilespmem:v38+s19+$0x0], $0xffff;
	_ =	sdelay $0x3  }
0x342: {  	v16 =	vld.idx.msk [tilespmem:v47+s20+$0x0], $0xffff;
	v8 =	vmul.f32 v17, v19;
	v17 =	vxor.u32 $0x80000000, v4;
	[tilespmem:v27+s22+$0x0] =	vst.idx.msk $0x3ff, v7  }
0x343: {  	v7 =	vmul.f32 v11, v24;
	v11 =	vmul.f32 v17, v18;
	v17 =	vld [tilespmem:$0x1FED0];
	_ =	sdelay $0x2  }
0x344: {  	v57 =	vadd.s32 v51, v44;
	vm15 =	vgt.f32 v5, v37;
	vm4 =	vgt.f32 v63, v36  }
0x345: {  	v2 =	vadd.f32 v54, v45;
	vm2 =	vlt.f32 v63, v36;
	[tilespmem:v30+s22+$0x0] =	vst.idx.msk $0x3ff, v35  }
0x346: {  	v14 =	vmul.f32 v16, v14;
	v28 =	vadd.s32 v51, v47;
	[tilespmem:v33+s22+$0x0] =	vst.idx.msk $0x3ff, v1  }
0x347: {  	vm0 =	veq.s32 v57, $0x0;
	vm1 =	vlt.f32 v62, v34;
	vm13 =	veq.s32 v28, $0x0;
	[tilespmem:v32+s22+$0x0] =	vst.idx.msk $0x3ff, v0  }
0x348: {  	vm0 =	vmand vm1, vm0;
	vm1 =	vmand vm2, vm13;
	vm13 =	veq.s32 v28, $0x63;
	[tilespmem:v31+s22+$0x0] =	vst.idx.msk $0x3ff, v2  }
0x349: {  	vm3 =	vlt.f32 v5, v37;
	v5 =	vsel vm1, v7, v14;
	vm1 =	vmand vm4, vm13;
	[tilespmem:v17+s22+$0x0] =	vst.idx.msk $0x3ff, v6  }
0x34a: {  	v43 =	vsel vm1, v15, v5;
	v5 =	vld [tilespmem:$0x1FE50];
	_ =	sdelay $0x7  }
0x34b: {  	v29 =	vadd.s32 v51, v38;
	[tilespmem:v5+s22+$0x0] =	vst.idx.msk $0x3ff, v3  }
0x34c: {  	vm12 =	veq.s32 v57, $0x63;
	vm14 =	veq.s32 v29, $0x0;
	v16 =	vsub.f32 $1.000000000e+00, v18;
	v3 =	vld [tilespmem:$0x1FE60]  }
0x34d: {  	vm2 =	vmand vm3, vm14;
	vm3 =	vgt.f32 v62, v34;
	vm14 =	veq.s32 v29, $0x63  }
0x34e: {  	v4 =	vmul.f32 v4, v16;
	v41 =	vsel vm0, v8, v12;
	vm0 =	vmand vm3, vm12  }
0x34f: {  	v1 =	vsel vm0, v10, v41;
	vm0 =	vmand vm15, vm14;
	v42 =	vsel vm2, v11, v9  }
0x350: {  	v0 =	vsel vm0, v4, v42;
	v2 =	vadd.f32 v43, v24  }
0x351: {  	v0 =	vadd.f32 v0, v18  }
0x352: {  	v1 =	vadd.f32 v1, v19;
	[tilespmem:v58+s22+$0x0] =	vst.idx.msk $0x3ff, v2  }
0x353: {  	[tilespmem:v55+s22+$0x0] =	vst.idx.msk $0x3ff, v0  }
0x354: {  	s31 =	simm.s32 $0x0;
	[tilespmem:v3+s22+$0x0] =	vst.idx.msk $0x3ff, v1  }
0x355: {  	[hbm4b:s8+s31] =	stream.linear.scatter [tilespmem:s22], [sflag:$0x2], $0x8000, $0x38;
	[tilespmem:$0x14780] =	vst v63  }
0x356: {  	_ =	swait.ge [sflag:s13], $0x8000  }
0x357: {  	[sflag:s13] =	ssyncset.done $0x0  }
0x358: {  	[sflag:s13] =	ssyncadd.s32 $0xFFFF8000  }
0x359: {  	[tilespmem:s31], [sflag:$0x2] =	stream.linear.gather [hbm4b:s9+s31], $0x8000, $0x38;
	[tilespmem:$0x14780] =	vst v63  }
0x35a: {  	_ =	swait.ge [sflag:s13], $0x8000  }
0x35b: {  	[sflag:s13] =	ssyncset.done $0x0  }
0x35c: {  	s24 =	simm.s32 $0x100;
	[sflag:s13] =	ssyncadd.s32 $0xFFFF8000  }
0x35d: {  	v7 =	vld [tilespmem:s24+$0x80];
	_ =	sdelay $0x4  }
0x35e: {  	v6 =	vld [tilespmem:s24+$0x0];
	vm0 =	vlt.f32 v23, v7  }
0x35f: {  	v4 =	vld [tilespmem:s24+$0xFFFFFF00];
	v44 =	vsel vm0, v61, v60;
	v45 =	vsel vm0, v22, v59  }
0x360: {  	v5 =	vld [tilespmem:s24+$0xFFFFFF80];
	vm0 =	vlt.f32 v45, v7;
	v47 =	vor.u32 $0x20, v44  }
0x361: {  	v0 =	vsel vm0, v47, v44  }
0x362: {  	v1 =	vadd.s32 $0xF, v0;
	_ =	sdelay $0x1  }
0x363: {  	vm1 =	vlt.f32 v23, v6;
	vm2 =	vlt.f32 v23, v4  }
0x364: {  	v3 =	vsel vm2, v61, v60;
	v8 =	vsel vm2, v22, v59;
	vm0 =	vlt.f32 v23, v5  }
0x365: {  	v10 =	vsel vm1, v61, v60;
	v11 =	vsel vm1, v22, v59;
	v48 =	vsel vm0, v61, v60  }
0x366: {  	v9 =	vsel vm0, v22, v59;
	vm0 =	vlt.f32 v8, v4;
	v8 =	vor.u32 $0x20, v3;
	v1 =	vld.idx.msk [tilespmem:v1+s17+$0x0], $0xffff  }
0x367: {  	vm1 =	vlt.f32 v9, v5;
	v9 =	vor.u32 $0x20, v48;
	v3 =	vsel vm0, v8, v3  }
0x368: {  	v2 =	vsel vm1, v9, v48;
	v9 =	vadd.s32 $0xF, v3  }
0x369: {  	vm2 =	vlt.f32 v11, v6;
	v8 =	vor.u32 $0x20, v10  }
0x36a: {  	v8 =	vsel vm2, v8, v10;
	v11 =	vadd.s32 $0xF, v2  }
0x36b: {  	v49 =	vor.u32 $0x10, v0;
	v10 =	vadd.s32 $0xF, v8;
	vm0 =	vlt.f32 v1, v7  }
0x36c: {  	v0 =	vsel vm0, v49, v0  }
0x36d: {  	v9 =	vld.idx.msk [tilespmem:v9+s17+$0x0], $0xffff;
	v1 =	vadd.s32 $0x7, v0;
	_ =	sdelay $0x1  }
0x36e: {  	v11 =	vld.idx.msk [tilespmem:v11+s17+$0x0], $0xffff  }
0x36f: {  	v10 =	vld.idx.msk [tilespmem:v10+s17+$0x0], $0xffff;
	_ =	sdelay $0x1  }
0x370: {  	v50 =	vor.u32 $0x10, v3;
	vm0 =	vlt.f32 v9, v4;
	v1 =	vld.idx.msk [tilespmem:v1+s17+$0x0], $0xffff  }
0x371: {  	v3 =	vsel vm0, v50, v3  }
0x372: {  	v53 =	vor.u32 $0x10, v2;
	vm0 =	vlt.f32 v11, v5;
	v11 =	vadd.s32 $0x7, v3  }
0x373: {  	v9 =	vor.u32 $0x10, v8;
	v2 =	vsel vm0, v53, v2;
	vm0 =	vlt.f32 v10, v6  }
0x374: {  	v10 =	vadd.s32 $0x7, v2;
	v8 =	vsel vm0, v9, v8  }
0x375: {  	v54 =	vadd.s32 $0x8, v0;
	v9 =	vadd.s32 $0x7, v8;
	vm0 =	vlt.f32 v1, v7  }
0x376: {  	v0 =	vsel vm0, v54, v0  }
0x377: {  	v11 =	vld.idx.msk [tilespmem:v11+s17+$0x0], $0xffff;
	v1 =	vadd.s32 $0x3, v0;
	_ =	sdelay $0x1  }
0x378: {  	v10 =	vld.idx.msk [tilespmem:v10+s17+$0x0], $0xffff  }
0x379: {  	v9 =	vld.idx.msk [tilespmem:v9+s17+$0x0], $0xffff;
	_ =	sdelay $0x1  }
0x37a: {  	v12 =	vadd.s32 $0x8, v3;
	vm0 =	vlt.f32 v11, v4;
	v1 =	vld.idx.msk [tilespmem:v1+s17+$0x0], $0xffff  }
0x37b: {  	v3 =	vsel vm0, v12, v3  }
0x37c: {  	v13 =	vadd.s32 $0x8, v2;
	vm0 =	vlt.f32 v10, v5;
	v10 =	vadd.s32 $0x3, v3  }
0x37d: {  	v11 =	vadd.s32 $0x8, v8;
	v2 =	vsel vm0, v13, v2;
	vm0 =	vlt.f32 v9, v6  }
0x37e: {  	v9 =	vadd.s32 $0x3, v2;
	v8 =	vsel vm0, v11, v8  }
0x37f: {  	v55 =	vadd.s32 $0x4, v0;
	v11 =	vadd.s32 $0x3, v8;
	vm0 =	vlt.f32 v1, v7  }
0x380: {  	v0 =	vsel vm0, v55, v0  }
0x381: {  	v10 =	vld.idx.msk [tilespmem:v10+s17+$0x0], $0xffff;
	v1 =	vadd.s32 $0x1, v0;
	_ =	sdelay $0x1  }
0x382: {  	v9 =	vld.idx.msk [tilespmem:v9+s17+$0x0], $0xffff  }
0x383: {  	v11 =	vld.idx.msk [tilespmem:v11+s17+$0x0], $0xffff;
	_ =	sdelay $0x1  }
0x384: {  	v12 =	vadd.s32 $0x4, v3;
	vm0 =	vlt.f32 v10, v4;
	v1 =	vld.idx.msk [tilespmem:v1+s17+$0x0], $0xffff  }
0x385: {  	v3 =	vsel vm0, v12, v3  }
0x386: {  	v13 =	vadd.s32 $0x4, v2;
	vm0 =	vlt.f32 v9, v5;
	v9 =	vadd.s32 $0x1, v3  }
0x387: {  	v10 =	vadd.s32 $0x4, v8;
	v2 =	vsel vm0, v13, v2;
	vm0 =	vlt.f32 v11, v6  }
0x388: {  	v11 =	vadd.s32 $0x1, v2;
	v8 =	vsel vm0, v10, v8  }
0x389: {  	v57 =	vadd.s32 $0x2, v0;
	v10 =	vadd.s32 $0x1, v8;
	vm0 =	vlt.f32 v1, v7  }
0x38a: {  	v0 =	vsel vm0, v57, v0  }
0x38b: {  	v58 =	vld.idx.msk [tilespmem:v9+s17+$0x0], $0xffff;
	_ =	sdelay $0x1  }
0x38c: {  	v9 =	vld.idx.msk [tilespmem:v11+s17+$0x0], $0xffff  }
0x38d: {  	v10 =	vld.idx.msk [tilespmem:v10+s17+$0x0], $0xffff  }
0x38e: {  	v11 =	vld.idx.msk [tilespmem:v0+s17+$0x0], $0xffff  }
0x38f: {  	v12 =	vadd.s32 $0x2, v3;
	vm0 =	vlt.f32 v58, v4  }
0x390: {  	v3 =	vsel vm0, v12, v3  }
0x391: {  	v39 =	vimm.s32 $0x0  }
0x392: {  	v13 =	vadd.s32 $0x2, v2;
	v62 =	vadd.s32 $0x2, v8;
	vm0 =	vlt.f32 v9, v5  }
0x393: {  	v2 =	vsel vm0, v13, v2;
	vm0 =	vlt.f32 v10, v6;
	vm1 =	vlt.f32 v11, v7  }
0x394: {  	v1 =	vsel vm0, v62, v8;
	v8 =	vsel vm1, $0x1, v39  }
0x395: {  	v0 =	vadd.s32 v8, v0;
	v8 =	vld.idx.msk [tilespmem:v3+s17+$0x0], $0xffff;
	_ =	sdelay $0x2  }
0x396: {  	v9 =	vld.idx.msk [tilespmem:v2+s17+$0x0], $0xffff  }
0x397: {  	v10 =	vld.idx.msk [tilespmem:v1+s17+$0x0], $0xffff  }
0x398: {  	v11 =	vld.idx.msk [tilespmem:v0+s18+$0x0], $0xffff;
	vm0 =	vlt.f32 v8, v4  }
0x399: {  	v8 =	vsel vm0, $0x1, v39  }
0x39a: {  	v3 =	vadd.s32 v8, v3  }
0x39b: {  	v20 =	vld [tilespmem:$0x1FEE0];
	vm0 =	vlt.f32 v9, v5  }
0x39c: {  	v8 =	vsel vm0, $0x1, v39;
	vm0 =	vlt.f32 v10, v6  }
0x39d: {  	v2 =	vadd.s32 v8, v2;
	v8 =	vsel vm0, $0x1, v39;
	v9 =	vsub.f32 v7, v11  }
0x39e: {  	v1 =	vadd.s32 v8, v1  }
0x39f: {  	v8 =	vand.u32 $0x7FFFFFFF, v9;
	v10 =	vld.idx.msk [tilespmem:v3+s18+$0x0], $0xffff  }
0x3a0: {  	v8 =	vmul.f32 v8, v20;
	_ =	sdelay $0x1  }
0x3a1: {  	v63 =	vld.idx.msk [tilespmem:v2+s18+$0x0], $0xffff;
	v8 =	vmul.f32 $-2.000000000e+00, v8  }
0x3a2: {  	v36 =	vld.idx.msk [tilespmem:v1+s18+$0x0], $0xffff  }
0x3a3: {  	v8 =	vmul.f32 $1.442695020e+00, v8;
	v37 =	vsub.f32 v4, v10;
	_ =	sdelay $0x1  }
0x3a4: {  	(erf) = vpow2.f32 v8;
	v15 =	vand.u32 $0x7FFFFFFF, v37  }
0x3a5: {  	v8 =	vsub.f32 v5, v63;
	v15 =	vmul.f32 v15, v20  }
0x3a6: {  	v16 =	vsub.f32 v6, v36  }
0x3a7: {  	v17 =	vand.u32 $0x7FFFFFFF, v8;
	v15 =	vmul.f32 $-2.000000000e+00, v15  }
0x3a8: {  	v18 =	vand.u32 $0x7FFFFFFF, v16;
	v17 =	vmul.f32 v17, v20  }
0x3a9: {  	v18 =	vmul.f32 v18, v20;
	v15 =	vmul.f32 $1.442695020e+00, v15  }
0x3aa: {  	v17 =	vmul.f32 $-2.000000000e+00, v17  }
0x3ab: {  	v18 =	vmul.f32 $-2.000000000e+00, v18  }
0x3ac: {  	v17 =	vmul.f32 $1.442695020e+00, v17  }
0x3ad: {  	v18 =	vmul.f32 $1.442695020e+00, v18;
	(erf) = vpow2.f32 v15;
	v15 =	vpop (erf)  }
0x3ae: {  	(erf) = vpow2.f32 v17;
	v17 =	vadd.f32 $1.000000000e+00, v15  }
0x3af: {  	(erf) = vpow2.f32 v18  }
0x3b0: {  	(erf) = vrcp.f32 v17;
	_ =	sdelay $0x5  }
0x3b1: {  	v24 =	vadd.s32 v46, v3;
	v17 =	vpop (erf)  }
0x3b2: {  	v19 =	vld.idx.msk [tilespmem:v0+s19+$0x0], $0xffff;
	v18 =	vpop (erf)  }
0x3b3: {  	v27 =	vld.idx.msk [tilespmem:v0+s20+$0x0], $0xffff;
	v15 =	vsub.f32 $1.000000000e+00, v15;
	v38 =	vpop (erf)  }
0x3b4: {  	vm1 =	veq.s32 v24, $0x0;
	vm0 =	veq.s32 v24, $0x63;
	v24 =	vpop (erf)  }
0x3b5: {  	v0 =	vadd.s32 v46, v0;
	v15 =	vmul.f32 v24, v15  }
0x3b6: {  	vm15 =	veq.s32 v0, $0x63;
	vm9 =	veq.s32 v0, $0x0  }
0x3b7: {  	v29 =	vsub.f32 $1.000000000e+00, v19;
	vm10 =	vlt.f32 v7, v11;
	v44 =	vxor.u32 $0x80000000, v15  }
0x3b8: {  	vm11 =	vgt.f32 v7, v11;
	v9 =	vmul.f32 v27, v9;
	v0 =	vmul.f32 v44, v19  }
0x3b9: {  	s25 =	simm.s32 $0x180;
	vm5 =	vmand vm10, vm9;
	v30 =	vld.idx.msk [tilespmem:v3+s19+$0x0], $0xffff;
	v24 =	vadd.f32 $1.000000000e+00, v17;
	v7 =	vmul.f32 v15, v29  }
0x3ba: {  	v42 =	vor.u32 s25, v56;
	vm4 =	vmand vm11, vm15;
	v3 =	vld.idx.msk [tilespmem:v3+s20+$0x0], $0xffff;
	v0 =	vsel vm5, v0, v9  }
0x3bb: {  	v27 =	vld.idx.msk [tilespmem:v2+s19+$0x0], $0xffff;
	(erf) = vrcp.f32 v24;
	v0 =	vsel vm4, v7, v0  }
0x3bc: {  	v31 =	vadd.s32 v46, v2;
	v2 =	vld.idx.msk [tilespmem:v2+s20+$0x0], $0xffff;
	v7 =	vadd.f32 $1.000000000e+00, v18;
	v0 =	vadd.f32 v0, v19  }
0x3bd: {  	s24 =	simm.s32 $0x8100;
	v11 =	vld.idx.msk [tilespmem:v1+s19+$0x0], $0xffff;
	vm12 =	vlt.f32 v4, v10;
	vm13 =	vgt.f32 v4, v10;
	v4 =	vadd.f32 $1.000000000e+00, v38  }
0x3be: {  	v28 =	vadd.s32 v46, v1;
	vm2 =	veq.s32 v31, $0x0;
	v1 =	vld.idx.msk [tilespmem:v1+s20+$0x0], $0xffff;
	(erf) = vrcp.f32 v7;
	[tilespmem:s24+$0x80] =	vst v0  }
0x3bf: {  	vm6 =	veq.s32 v31, $0x63;
	vm15 =	vlt.f32 v6, v36;
	(erf) = vrcp.f32 v4;
	v4 =	vld.idx.msk [tilespmem:v42+s5+$0x0], $0xffff  }
0x3c0: {  	vm4 =	vmand vm12, vm1;
	vm12 =	vgt.f32 v6, v36;
	v6 =	vsub.f32 $1.000000000e+00, v18;
	v18 =	vld [tilespmem:$0x1FF00]  }
0x3c1: {  	vm3 =	veq.s32 v28, $0x0;
	vm7 =	veq.s32 v28, $0x63;
	vm14 =	vlt.f32 v5, v63;
	v47 =	vld [tilespmem:$0x1FFD0]  }
0x3c2: {  	v45 =	vsub.f32 $1.000000000e+00, v30;
	v3 =	vmul.f32 v3, v37;
	vm2 =	vmand vm14, vm2;
	v48 =	vld [tilespmem:$0x1FFE0]  }
0x3c3: {  	s26 =	simm.s32 $0x80;
	vm1 =	vmand vm15, vm3;
	vm3 =	vgt.f32 v5, v63;
	v5 =	vsub.f32 $1.000000000e+00, v17  }
0x3c4: {  	v2 =	vmul.f32 v2, v8;
	v1 =	vmul.f32 v1, v16;
	v16 =	vor.u32 s26, v56;
	v10 =	vpop (erf)  }
0x3c5: {  	v8 =	vsub.f32 $1.000000000e+00, v38;
	v9 =	vsub.f32 $1.000000000e+00, v11;
	v10 =	vmul.f32 v10, v5  }
0x3c6: {  	vm5 =	vmand vm13, vm0;
	vm3 =	vmand vm3, vm6;
	vm13 =	vlt.f32 v18, v4  }
0x3c7: {  	v54 =	vxor.u32 $0x80000000, v10;
	v12 =	vsel vm13, v48, v47;
	v49 =	vsel vm13, v25, v21  }
0x3c8: {  	s30 =	simm.s32 $0x300;
	v55 =	vmul.f32 v54, v30;
	vm6 =	vlt.f32 v49, v4;
	v5 =	vor.u32 $0x20, v12;
	v50 =	vpop (erf)  }
0x3c9: {  	s31 =	simm.s32 $0x0;
	v0 =	vmul.f32 v10, v45;
	v12 =	vsel vm6, v5, v12;
	v6 =	vmul.f32 v50, v6;
	v5 =	vld [tilespmem:s30+$0x80]  }
0x3ca: {  	v17 =	vor.u32 s31, v56;
	v7 =	vsub.f32 $1.000000000e+00, v27;
	v3 =	vsel vm4, v55, v3;
	v53 =	vpop (erf)  }
0x3cb: {  	v0 =	vsel vm5, v0, v3;
	v8 =	vmul.f32 v53, v8;
	v10 =	vxor.u32 $0x80000000, v6  }
0x3cc: {  	v15 =	vadd.s32 $0xF, v12;
	v0 =	vadd.f32 v0, v30;
	v10 =	vmul.f32 v10, v27  }
0x3cd: {  	v57 =	vmul.f32 v6, v7;
	v7 =	vld [tilespmem:s30+$0xFFFFFF80];
	v6 =	vxor.u32 $0x80000000, v8;
	v9 =	vmul.f32 v8, v9  }
0x3ce: {  	v8 =	vld [tilespmem:s30+$0xFFFFFF00];
	v58 =	vmul.f32 v6, v11;
	v2 =	vsel vm2, v10, v2;
	vm2 =	vlt.f32 v23, v5  }
0x3cf: {  	vm0 =	vmand vm12, vm7;
	v10 =	vsel vm2, v61, v60;
	v62 =	vsel vm2, v22, v59  }
0x3d0: {  	[tilespmem:s24+$0xFFFFFF00] =	vst v0;
	v6 =	vld [tilespmem:s30+$0x0];
	v1 =	vsel vm1, v58, v1;
	vm1 =	vlt.f32 v62, v5;
	v63 =	vor.u32 $0x20, v10  }
0x3d1: {  	s29 =	simm.s32 $0x100;
	v3 =	vld.idx.msk [tilespmem:v15+s17+$0x0], $0xffff;
	v2 =	vsel vm3, v57, v2;
	v1 =	vsel vm0, v9, v1;
	v9 =	vsel vm1, v63, v10  }
0x3d2: {  	v24 =	vor.u32 s29, v56;
	[tilespmem:$0x1FE70] =	vst v17;
	v2 =	vadd.f32 v2, v27;
	v10 =	vadd.s32 $0xF, v9  }
0x3d3: {  	vm0 =	vlt.f32 v23, v7;
	v27 =	vld.idx.msk [tilespmem:v17+s5+$0x0], $0xffff;
	v1 =	vadd.f32 v1, v11;
	vm3 =	vlt.f32 v23, v8  }
0x3d4: {  	v32 =	vsel vm0, v61, v60;
	v34 =	vsel vm0, v22, v59;
	[tilespmem:s24+$0xFFFFFF80] =	vst v2;
	v11 =	vsel vm3, v22, v59  }
0x3d5: {  	vm1 =	vlt.f32 v23, v6;
	v33 =	vsel vm3, v61, v60;
	[tilespmem:$0x1FE80] =	vst v16;
	vm0 =	vlt.f32 v11, v8;
	v37 =	vld [tilespmem:$0x1FFD0]  }
0x3d6: {  	v11 =	vor.u32 $0x20, v33;
	vm2 =	vlt.f32 v3, v4;
	v3 =	vadd.s32 $0x10, v12;
	v28 =	vld.idx.msk [tilespmem:v16+s5+$0x0], $0xffff  }
0x3d7: {  	v35 =	vsel vm1, v61, v60;
	v15 =	vsel vm1, v22, v59;
	v3 =	vsel vm2, v3, v12;
	v10 =	vld.idx.msk [tilespmem:v10+s17+$0x0], $0xffff  }
0x3d8: {  	v2 =	vsel vm0, v11, v33;
	vm0 =	vlt.f32 v34, v7;
	v16 =	vld [tilespmem:$0x1FFE0];
	v12 =	vadd.s32 $0x7, v3  }
0x3d9: {  	v52 =	vmovc v26;
	v11 =	vor.u32 $0x20, v32;
	vm1 =	vlt.f32 v15, v6;
	v36 =	vadd.s32 $0xF, v2  }
0x3da: {  	v26 =	vmovc v25;
	[tilespmem:s24+$0x0] =	vst v1;
	v0 =	vsel vm0, v11, v32;
	v11 =	vor.u32 $0x20, v35;
	vm0 =	vlt.f32 v18, v27  }
0x3db: {  	v19 =	vld [tilespmem:$0x1FFE0];
	v15 =	vadd.s32 $0xF, v0;
	v11 =	vsel vm1, v11, v35;
	v17 =	vsel vm0, v26, v21  }
0x3dc: {  	v25 =	vmovc v18;
	vm1 =	vlt.f32 v18, v28;
	v18 =	vld [tilespmem:$0x1FFD0];
	vm2 =	vlt.f32 v10, v5;
	v10 =	vor.u32 $0x10, v9  }
0x3dd: {  	v14 =	vsel vm0, v16, v37;
	v16 =	vadd.s32 $0xF, v11;
	v12 =	vld.idx.msk [tilespmem:v12+s17+$0x0], $0xffff;
	v9 =	vsel vm2, v10, v9  }
0x3de: {  	vm0 =	vlt.f32 v17, v27;
	v13 =	vld.idx.msk [tilespmem:v36+s17+$0x0], $0xffff;
	[tilespmem:$0x1FE90] =	vst v24;
	v17 =	vadd.s32 $0x7, v9  }
0x3df: {  	v29 =	vld.idx.msk [tilespmem:v24+s5+$0x0], $0xffff  }
0x3e0: {  	v15 =	vld.idx.msk [tilespmem:v15+s17+$0x0], $0xffff  }
0x3e1: {  	v38 =	vor.u32 $0x10, v2;
	v40 =	vadd.s32 $0x8, v3;
	v24 =	vld [tilespmem:$0x1FFE0];
	v10 =	vor.u32 $0x20, v14  }
0x3e2: {  	v41 =	vsel vm1, v26, v21;
	v10 =	vsel vm0, v10, v14;
	v16 =	vld.idx.msk [tilespmem:v16+s17+$0x0], $0xffff;
	vm0 =	vlt.f32 v12, v4  }
0x3e3: {  	v18 =	vsel vm1, v19, v18;
	v19 =	vadd.s32 $0xF, v10;
	v3 =	vsel vm0, v40, v3;
	v47 =	vld.idx.msk [tilespmem:v17+s17+$0x0], $0xffff  }
0x3e4: {  	v43 =	vor.u32 $0x20, v18;
	vm0 =	vlt.f32 v41, v28;
	v44 =	vadd.s32 $0x3, v3;
	v17 =	vld [tilespmem:$0x1FFD0]  }
0x3e5: {  	v30 =	vor.u32 $0x10, v0;
	v12 =	vsel vm0, v43, v18;
	vm0 =	vlt.f32 v13, v8  }
0x3e6: {  	vm1 =	vlt.f32 v15, v7;
	v18 =	vadd.s32 $0xF, v12;
	v1 =	vsel vm0, v38, v2  }
0x3e7: {  	v45 =	vor.u32 $0x10, v11;
	v0 =	vsel vm1, v30, v0;
	v15 =	vadd.s32 $0x7, v1  }
0x3e8: {  	vm0 =	vlt.f32 v25, v29;
	vm1 =	vlt.f32 v16, v6;
	v30 =	vadd.s32 $0x7, v0;
	v16 =	vld.idx.msk [tilespmem:v19+s17+$0x0], $0xffff  }
0x3e9: {  	v19 =	vsel vm0, v26, v21;
	v11 =	vsel vm1, v45, v11;
	v48 =	vld.idx.msk [tilespmem:v44+s17+$0x0], $0xffff;
	v17 =	vsel vm0, v24, v17  }
0x3ea: {  	vm0 =	vlt.f32 v19, v29;
	v19 =	vadd.s32 $0x7, v11;
	v49 =	vor.u32 $0x20, v17  }
0x3eb: {  	v50 =	vadd.s32 $0x8, v9;
	v14 =	vsel vm0, v49, v17;
	v17 =	vld.idx.msk [tilespmem:v18+s17+$0x0], $0xffff;
	vm0 =	vlt.f32 v47, v5  }
0x3ec: {  	v15 =	vld.idx.msk [tilespmem:v15+s17+$0x0], $0xffff;
	v18 =	vadd.s32 $0xF, v14;
	v2 =	vsel vm0, v50, v9  }
0x3ed: {  	v9 =	vadd.s32 $0x10, v10;
	vm0 =	vlt.f32 v16, v27;
	v16 =	vadd.s32 $0x3, v2  }
0x3ee: {  	v30 =	vld.idx.msk [tilespmem:v30+s17+$0x0], $0xffff;
	v9 =	vsel vm0, v9, v10;
	vm0 =	vlt.f32 v48, v4;
	v10 =	vadd.s32 $0x4, v3  }
0x3ef: {  	v53 =	vld.idx.msk [tilespmem:v19+s17+$0x0], $0xffff;
	v19 =	vadd.s32 $0x7, v9;
	v3 =	vsel vm0, v10, v3  }
0x3f0: {  	v10 =	vadd.s32 $0x10, v12;
	vm0 =	vlt.f32 v17, v28;
	v17 =	vadd.s32 $0x1, v3  }
0x3f1: {  	v31 =	vadd.s32 $0x8, v1;
	v18 =	vld.idx.msk [tilespmem:v18+s17+$0x0], $0xffff;
	v10 =	vsel vm0, v10, v12;
	vm0 =	vlt.f32 v15, v8  }
0x3f2: {  	v12 =	vadd.s32 $0x7, v10;
	v1 =	vsel vm0, v31, v1  }
0x3f3: {  	v15 =	vadd.s32 $0x8, v0;
	vm0 =	vlt.f32 v30, v7;
	v16 =	vld.idx.msk [tilespmem:v16+s17+$0x0], $0xffff;
	v30 =	vadd.s32 $0x3, v1  }
0x3f4: {  	v31 =	vadd.s32 $0x8, v11;
	v0 =	vsel vm0, v15, v0;
	vm0 =	vlt.f32 v53, v6;
	v54 =	vld.idx.msk [tilespmem:v19+s17+$0x0], $0xffff  }
0x3f5: {  	v15 =	vadd.s32 $0x3, v0;
	v11 =	vsel vm0, v31, v11;
	v17 =	vld.idx.msk [tilespmem:v17+s17+$0x0], $0xffff  }
0x3f6: {  	vm0 =	vlt.f32 v18, v29;
	v18 =	vadd.s32 $0x3, v11  }
0x3f7: {  	v19 =	vadd.s32 $0x10, v14;
	v31 =	vadd.s32 $0x8, v9;
	v12 =	vld.idx.msk [tilespmem:v12+s17+$0x0], $0xffff  }
0x3f8: {  	v14 =	vsel vm0, v19, v14;
	vm0 =	vlt.f32 v16, v5;
	v16 =	vadd.s32 $0x4, v2;
	v30 =	vld.idx.msk [tilespmem:v30+s17+$0x0], $0xffff  }
0x3f9: {  	v19 =	vadd.s32 $0x7, v14;
	v2 =	vsel vm0, v16, v2;
	vm0 =	vlt.f32 v54, v27  }
0x3fa: {  	v16 =	vadd.s32 $0x2, v3;
	v55 =	vld.idx.msk [tilespmem:v15+s17+$0x0], $0xffff;
	v15 =	vadd.s32 $0x1, v2;
	vm1 =	vlt.f32 v17, v4  }
0x3fb: {  	v9 =	vsel vm0, v31, v9;
	v17 =	vld.idx.msk [tilespmem:v18+s17+$0x0], $0xffff;
	v3 =	vsel vm1, v16, v3  }
0x3fc: {  	v16 =	vadd.s32 $0x8, v10;
	v18 =	vadd.s32 $0x3, v9;
	vm0 =	vlt.f32 v12, v28  }
0x3fd: {  	v57 =	vadd.s32 $0x4, v1;
	v10 =	vsel vm0, v16, v10;
	vm0 =	vlt.f32 v30, v8  }
0x3fe: {  	v16 =	vld.idx.msk [tilespmem:v19+s17+$0x0], $0xffff;
	v19 =	vadd.s32 $0x3, v10;
	v1 =	vsel vm0, v57, v1  }
0x3ff: {  	v58 =	vadd.s32 $0x4, v0;
	vm0 =	vlt.f32 v55, v7;
	v59 =	vld.idx.msk [tilespmem:v15+s17+$0x0], $0xffff;
	v15 =	vadd.s32 $0x1, v1  }
0x400: {  	v30 =	vadd.s32 $0x4, v11;
	v0 =	vsel vm0, v58, v0;
	vm0 =	vlt.f32 v17, v6;
	v62 =	vld.idx.msk [tilespmem:v3+s17+$0x0], $0xffff  }
0x401: {  	v17 =	vld.idx.msk [tilespmem:v18+s17+$0x0], $0xffff;
	v18 =	vadd.s32 $0x1, v0;
	v11 =	vsel vm0, v30, v11  }
0x402: {  	v30 =	vadd.s32 $0x1, v11  }
0x403: {  	v31 =	vadd.s32 $0x8, v14;
	v34 =	vadd.s32 $0x2, v2;
	v19 =	vld.idx.msk [tilespmem:v19+s17+$0x0], $0xffff  }
0x404: {  	v63 =	vadd.s32 $0x4, v9;
	vm0 =	vlt.f32 v16, v29;
	vm1 =	vlt.f32 v59, v5;
	v15 =	vld.idx.msk [tilespmem:v15+s17+$0x0], $0xffff  }
0x405: {  	v14 =	vsel vm0, v31, v14;
	v2 =	vsel vm1, v34, v2;
	vm0 =	vlt.f32 v62, v4  }
0x406: {  	v35 =	vadd.s32 $0x3, v14;
	v36 =	vld.idx.msk [tilespmem:v18+s17+$0x0], $0xffff;
	vm1 =	vlt.f32 v17, v27;
	v16 =	vsel vm0, $0x1, v39  }
0x407: {  	v18 =	vsel vm1, v63, v9;
	v17 =	vld.idx.msk [tilespmem:v30+s17+$0x0], $0xffff;
	v30 =	vadd.s32 v16, v3  }
0x408: {  	v3 =	vadd.s32 $0x4, v10;
	v9 =	vadd.s32 $0x1, v18  }
0x409: {  	v16 =	vadd.s32 $0x2, v1;
	vm0 =	vlt.f32 v19, v28;
	vm1 =	vlt.f32 v15, v8  }
0x40a: {  	v3 =	vsel vm0, v3, v10;
	v10 =	vld.idx.msk [tilespmem:v2+s17+$0x0], $0xffff;
	v1 =	vsel vm1, v16, v1  }
0x40b: {  	v12 =	vld.idx.msk [tilespmem:v35+s17+$0x0], $0xffff;
	v16 =	vadd.s32 $0x1, v3  }
0x40c: {  	v15 =	vadd.s32 $0x2, v0;
	vm0 =	vlt.f32 v36, v7;
	v33 =	vld.idx.msk [tilespmem:v30+s18+$0x0], $0xffff  }
0x40d: {  	v0 =	vsel vm0, v15, v0;
	v15 =	vld.idx.msk [tilespmem:v9+s17+$0x0], $0xffff  }
0x40e: {  	v37 =	vadd.s32 $0x2, v11;
	vm0 =	vlt.f32 v17, v6  }
0x40f: {  	v11 =	vsel vm0, v37, v11;
	vm0 =	vlt.f32 v10, v5;
	v38 =	vld.idx.msk [tilespmem:v1+s17+$0x0], $0xffff  }
0x410: {  	v10 =	vld.idx.msk [tilespmem:v16+s17+$0x0], $0xffff;
	v9 =	vsel vm0, $0x1, v39  }
0x411: {  	v19 =	vadd.s32 $0x2, v18;
	v9 =	vadd.s32 v9, v2;
	v2 =	vsub.f32 v4, v33  }
0x412: {  	v16 =	vadd.s32 $0x4, v14;
	vm0 =	vlt.f32 v12, v29;
	v17 =	vld.idx.msk [tilespmem:v0+s17+$0x0], $0xffff;
	vm1 =	vlt.f32 v15, v27  }
0x413: {  	v14 =	vsel vm0, v16, v14;
	v15 =	vsel vm1, v19, v18;
	v16 =	vand.u32 $0x7FFFFFFF, v2  }
0x414: {  	v40 =	vld.idx.msk [tilespmem:v11+s17+$0x0], $0xffff;
	v18 =	vadd.s32 $0x1, v14;
	vm0 =	vlt.f32 v38, v8;
	v41 =	vmul.f32 v16, v52  }
0x415: {  	v16 =	vadd.s32 $0x2, v3;
	vm1 =	vlt.f32 v10, v28;
	v10 =	vsel vm0, $0x1, v39  }
0x416: {  	v32 =	vld.idx.msk [tilespmem:v9+s18+$0x0], $0xffff;
	v3 =	vsel vm1, v16, v3;
	v1 =	vadd.s32 v10, v1;
	v10 =	vmul.f32 $-2.000000000e+00, v41  }
0x417: {  	vm0 =	vlt.f32 v17, v7  }
0x418: {  	v47 =	vadd.s32 $0x2, v14;
	v43 =	vsel vm0, $0x1, v39;
	v44 =	vld.idx.msk [tilespmem:v15+s17+$0x0], $0xffff;
	v10 =	vmul.f32 $1.442695020e+00, v10  }
0x419: {  	vm0 =	vlt.f32 v40, v6;
	v0 =	vadd.s32 v43, v0;
	v17 =	vadd.s32 v46, v1  }
0x41a: {  	v16 =	vld.idx.msk [tilespmem:v18+s17+$0x0], $0xffff;
	v45 =	vsel vm0, $0x1, v39;
	vm1 =	veq.s32 v17, $0x0;
	(erf) = vpow2.f32 v10  }
0x41b: {  	v11 =	vadd.s32 v45, v11;
	v10 =	vadd.s32 v46, v0;
	v19 =	vsub.f32 v5, v32;
	v48 =	vld.idx.msk [tilespmem:v3+s17+$0x0], $0xffff  }
0x41c: {  	vm2 =	veq.s32 v17, $0x63;
	v31 =	vadd.s32 v46, v11;
	v18 =	vld.idx.msk [tilespmem:v1+s18+$0x0], $0xffff;
	vm3 =	veq.s32 v10, $0x0  }
0x41d: {  	vm6 =	veq.s32 v31, $0x0;
	vm0 =	vlt.f32 v44, v27;
	v49 =	vand.u32 $0x7FFFFFFF, v19  }
0x41e: {  	vm5 =	veq.s32 v10, $0x63;
	v17 =	vld.idx.msk [tilespmem:v0+s18+$0x0], $0xffff;
	v50 =	vsel vm0, $0x1, v39;
	v12 =	vmul.f32 v49, v20  }
0x41f: {  	vm7 =	veq.s32 v31, $0x63;
	vm0 =	vlt.f32 v16, v29;
	v31 =	vadd.s32 v50, v15  }
0x420: {  	v10 =	vld.idx.msk [tilespmem:v11+s18+$0x0], $0xffff;
	v13 =	vsel vm0, v47, v14;
	v34 =	vadd.s32 v51, v31;
	v12 =	vmul.f32 $-2.000000000e+00, v12  }
0x421: {  	vm14 =	vlt.f32 v48, v28;
	v15 =	vsub.f32 v8, v18;
	vm0 =	veq.s32 v34, $0x0  }
0x422: {  	vm15 =	vlt.f32 v8, v18;
	vm8 =	vgt.f32 v8, v18;
	v12 =	vmul.f32 $1.442695020e+00, v12  }
0x423: {  	v37 =	vld.idx.msk [tilespmem:v1+s19+$0x0], $0xffff;
	v18 =	vsel vm14, $0x1, v39;
	v53 =	vsub.f32 v7, v17;
	vm12 =	vlt.f32 v7, v17;
	v55 =	vpop (erf)  }
0x424: {  	v1 =	vld.idx.msk [tilespmem:v1+s20+$0x0], $0xffff;
	v16 =	vand.u32 $0x7FFFFFFF, v15;
	(erf) = vpow2.f32 v12;
	v58 =	vadd.f32 $1.000000000e+00, v55  }
0x425: {  	v43 =	vld.idx.msk [tilespmem:v0+s19+$0x0], $0xffff;
	v54 =	vsub.f32 v6, v10;
	v16 =	vmul.f32 v16, v20;
	v57 =	vand.u32 $0x7FFFFFFF, v53  }
0x426: {  	v0 =	vld.idx.msk [tilespmem:v0+s20+$0x0], $0xffff;
	vm4 =	vmand vm15, vm1;
	v38 =	vmul.f32 v57, v20;
	(erf) = vrcp.f32 v58  }
0x427: {  	v8 =	vld.idx.msk [tilespmem:v11+s19+$0x0], $0xffff;
	vm14 =	vgt.f32 v7, v17;
	v59 =	vand.u32 $0x7FFFFFFF, v54;
	v16 =	vmul.f32 $-2.000000000e+00, v16  }
0x428: {  	v11 =	vld.idx.msk [tilespmem:v11+s20+$0x0], $0xffff;
	v3 =	vadd.s32 v18, v3;
	v12 =	vmul.f32 v59, v20;
	v38 =	vmul.f32 $-2.000000000e+00, v38  }
0x429: {  	v1 =	vmul.f32 v1, v15;
	v15 =	vsub.f32 $1.000000000e+00, v37;
	v16 =	vmul.f32 $1.442695020e+00, v16  }
0x42a: {  	vm3 =	vmand vm12, vm3;
	v12 =	vmul.f32 $-2.000000000e+00, v12;
	v38 =	vmul.f32 $1.442695020e+00, v38  }
0x42b: {  	vm5 =	vmand vm14, vm5;
	vm14 =	vlt.f32 v4, v33;
	(erf) = vpow2.f32 v16  }
0x42c: {  	vm13 =	vlt.f32 v6, v10;
	v62 =	vld.idx.msk [tilespmem:v13+s17+$0x0], $0xffff;
	(erf) = vpow2.f32 v38;
	v12 =	vmul.f32 $1.442695020e+00, v12  }
0x42d: {  	v0 =	vmul.f32 v0, v53;
	vm15 =	vgt.f32 v6, v10;
	v7 =	vmul.f32 v11, v54;
	v11 =	vpop (erf)  }
0x42e: {  	v53 =	vld.idx.msk [tilespmem:v30+s19+$0x0], $0xffff;
	v17 =	vsub.f32 $1.000000000e+00, v55;
	(erf) = vpow2.f32 v12;
	v6 =	vadd.f32 $1.000000000e+00, v11  }
0x42f: {  	v40 =	vadd.s32 v51, v3;
	v10 =	vld.idx.msk [tilespmem:v30+s20+$0x0], $0xffff;
	vm1 =	vmand vm13, vm6;
	vm6 =	vmand vm8, vm2;
	v54 =	vpop (erf)  }
0x430: {  	vm2 =	vmand vm15, vm7;
	(erf) = vrcp.f32 v6;
	v6 =	vmul.f32 v54, v17  }
0x431: {  	v35 =	vld.idx.msk [tilespmem:v31+s19+$0x0], $0xffff;
	vm15 =	vgt.f32 v4, v33;
	vm11 =	vlt.f32 v62, v29;
	v17 =	vadd.s32 v51, v30  }
0x432: {  	v55 =	vld.idx.msk [tilespmem:v9+s19+$0x0], $0xffff;
	vm12 =	veq.s32 v17, $0x63;
	vm13 =	veq.s32 v17, $0x0;
	v17 =	vxor.u32 $0x80000000, v6  }
0x433: {  	v57 =	vld.idx.msk [tilespmem:v9+s20+$0x0], $0xffff;
	v9 =	vadd.s32 v46, v9;
	v14 =	vsel vm11, $0x1, v39;
	v30 =	vsub.f32 $1.000000000e+00, v53  }
0x434: {  	s30 =	simm.s32 $0x200;
	v2 =	vmul.f32 v10, v2;
	v39 =	vld.idx.msk [tilespmem:v31+s18+$0x0], $0xffff;
	v48 =	vadd.s32 v14, v13;
	v18 =	vpop (erf);
	v10 =	vmul.f32 v17, v53  }
0x435: {  	v33 =	vor.u32 s30, v56;
	v63 =	vsub.f32 $1.000000000e+00, v8;
	vm8 =	vmand vm14, vm13;
	v17 =	vpop (erf)  }
0x436: {  	v44 =	vld.idx.msk [tilespmem:v3+s18+$0x0], $0xffff;
	v4 =	vadd.f32 $1.000000000e+00, v18;
	v2 =	vsel vm8, v10, v2;
	v10 =	vadd.f32 $1.000000000e+00, v17  }
0x437: {  	s31 =	simm.s32 $0x300;
	v41 =	vsub.f32 $1.000000000e+00, v35;
	v16 =	vsub.f32 $1.000000000e+00, v43;
	v6 =	vmul.f32 v6, v30;
	v30 =	vpop (erf)  }
0x438: {  	v50 =	vld.idx.msk [tilespmem:v31+s20+$0x0], $0xffff;
	v31 =	vor.u32 s31, v56;
	(erf) = vrcp.f32 v4;
	v4 =	vadd.f32 $1.000000000e+00, v30  }
0x439: {  	v49 =	vsub.f32 v27, v39;
	v45 =	vld.idx.msk [tilespmem:v48+s18+$0x0], $0xffff;
	vm7 =	vmand vm15, vm12;
	(erf) = vrcp.f32 v10  }
0x43a: {  	v2 =	vsel vm7, v6, v2;
	v6 =	vsub.f32 $1.000000000e+00, v11;
	v10 =	vpop (erf);
	(erf) = vrcp.f32 v4  }
0x43b: {  	v51 =	vsub.f32 v28, v44;
	vm12 =	vlt.f32 v5, v32;
	vm13 =	vgt.f32 v5, v32  }
0x43c: {  	s29 =	simm.s32 $0x280;
	vm14 =	veq.s32 v9, $0x0;
	vm15 =	veq.s32 v9, $0x63;
	v6 =	vmul.f32 v10, v6  }
0x43d: {  	v32 =	vor.u32 s29, v56;
	v58 =	vsub.f32 $1.000000000e+00, v18;
	v10 =	vmul.f32 v57, v19  }
0x43e: {  	v54 =	vsub.f32 v29, v45;
	v11 =	vsub.f32 $1.000000000e+00, v55;
	v5 =	vxor.u32 $0x80000000, v6  }
0x43f: {  	vm8 =	vmand vm13, vm15;
	vm7 =	vmand vm12, vm14;
	v5 =	vmul.f32 v5, v55  }
0x440: {  	s26 =	simm.s32 $0x380;
	v9 =	vsub.f32 $1.000000000e+00, v17;
	v4 =	vand.u32 $0x7FFFFFFF, v49;
	v6 =	vmul.f32 v6, v11  }
0x441: {  	v11 =	vsub.f32 $1.000000000e+00, v30;
	v30 =	vor.u32 s26, v56;
	v5 =	vsel vm7, v5, v10;
	v10 =	vpop (erf)  }
0x442: {  	v38 =	vld.idx.msk [tilespmem:v3+s19+$0x0], $0xffff;
	v4 =	vmul.f32 v4, v52;
	v5 =	vsel vm8, v6, v5;
	v6 =	vmul.f32 v10, v58;
	v10 =	vpop (erf)  }
0x443: {  	v18 =	vld [tilespmem:$0x1FFD0];
	v2 =	vadd.f32 v2, v53;
	v5 =	vadd.f32 v5, v55;
	v9 =	vmul.f32 v10, v9;
	v10 =	vpop (erf)  }
0x444: {  	s24 =	simm.s32 $0x8300;
	v53 =	vld.idx.msk [tilespmem:v3+s20+$0x0], $0xffff;
	v4 =	vmul.f32 $-2.000000000e+00, v4;
	v12 =	vxor.u32 $0x80000000, v6;
	v10 =	vmul.f32 v10, v11  }
0x445: {  	v11 =	vmul.f32 v12, v37;
	v59 =	vmul.f32 v9, v16;
	v16 =	vld [tilespmem:$0x1FFE0];
	v9 =	vxor.u32 $0x80000000, v9;
	[tilespmem:s24+$0x80] =	vst v5  }
0x446: {  	v3 =	vand.u32 $0x7FFFFFFF, v54;
	v6 =	vmul.f32 v6, v15;
	v5 =	vmul.f32 v9, v43;
	v36 =	vld.idx.msk [tilespmem:v30+s5+$0x0], $0xffff  }
0x447: {  	v1 =	vsel vm4, v11, v1;
	v9 =	vxor.u32 $0x80000000, v10;
	v10 =	vmul.f32 v10, v63  }
0x448: {  	v9 =	vmul.f32 v9, v8;
	v1 =	vsel vm6, v6, v1;
	v0 =	vsel vm3, v5, v0  }
0x449: {  	[tilespmem:v42+s22+$0x0] =	vst.idx.msk $0x3ff, v2;
	v5 =	vand.u32 $0x7FFFFFFF, v51;
	v1 =	vadd.f32 v1, v37;
	v0 =	vsel vm5, v59, v0  }
0x44a: {  	s26 =	simm.s32 $0x500;
	v5 =	vmul.f32 v5, v52;
	v6 =	vsel vm1, v9, v7;
	v7 =	vmovc v52;
	v0 =	vadd.f32 v0, v43  }
0x44b: {  	v46 =	vld [tilespmem:s26+$0x80];
	v6 =	vsel vm2, v10, v6;
	v3 =	vmul.f32 v3, v7;
	vm1 =	vlt.f32 v25, v36  }
0x44c: {  	v37 =	vld.idx.msk [tilespmem:v48+s19+$0x0], $0xffff;
	v62 =	vadd.f32 v6, v8;
	v6 =	vsel vm1, v16, v18;
	v7 =	vsel vm1, v26, v21  }
0x44d: {  	v52 =	vld.idx.msk [tilespmem:v48+s20+$0x0], $0xffff;
	[tilespmem:s24+$0xFFFFFF00] =	vst v1;
	v8 =	vmul.f32 $-2.000000000e+00, v5;
	vm1 =	vlt.f32 v7, v36;
	v63 =	vor.u32 $0x20, v6  }
0x44e: {  	v47 =	vsub.f32 $1.000000000e+00, v38;
	[tilespmem:s24+$0xFFFFFF80] =	vst v0;
	v43 =	vld.idx.msk [tilespmem:v33+s5+$0x0], $0xffff;
	v5 =	vmul.f32 $1.442695020e+00, v4;
	v57 =	vsel vm1, v63, v6  }
0x44f: {  	s28 =	simm.s32 $0xC;
	s25 =	simm.s32 $0x8;
	v42 =	vld.idx.msk [tilespmem:v32+s5+$0x0], $0xffff;
	v7 =	vmul.f32 $-2.000000000e+00, v3;
	[tilespmem:s24+$0x0] =	vst v62;
	v8 =	vmul.f32 $1.442695020e+00, v8;
	v58 =	vadd.s32 $0xF, v57  }
.LBB2_6:
0x450: {  	v56 =	vld [tilespmem:s26+$0xFFFFFF80]  }
0x451: {  	v55 =	vld [tilespmem:s26+$0x0]  }
0x452: {  	v21 =	vld [tilespmem:$0x1FFF0]  }
0x453: {  	v4 =	vmul.f32 v50, v49;
	v25 =	vld [tilespmem:$0x1FF00]  }
0x454: {  	vm2 =	vlt.f32 v27, v39;
	v15 =	vld [tilespmem:$0x1FEC0];
	v0 =	vmul.f32 $1.442695020e+00, v7;
	(erf) = vpow2.f32 v5  }
0x455: {  	vm1 =	vlt.f32 v28, v44;
	v1 =	vld.idx.msk [tilespmem:v58+s17+$0x0], $0xffff;
	v58 =	vadd.s32 $0x10, v57;
	(erf) = vpow2.f32 v8  }
0x456: {  	v5 =	vmul.f32 v53, v51;
	vm0 =	vmand vm2, vm0;
	(erf) = vpow2.f32 v0  }
0x457: {  	v26 =	vld [tilespmem:$0x1FF10];
	v9 =	vsub.f32 $1.000000000e+00, v37;
	v6 =	vmul.f32 v52, v54;
	vm5 =	vlt.f32 v23, v46  }
0x458: {  	v20 =	vld [tilespmem:$0x1FF20];
	v7 =	vadd.s32 v21, v48;
	vm3 =	vlt.f32 v25, v43;
	vm4 =	vlt.f32 v25, v42  }
0x459: {  	v48 =	vld [tilespmem:s26+$0xFFFFFF00];
	vm6 =	vlt.f32 v23, v56;
	v2 =	vsel vm5, v61, v60;
	v3 =	vsel vm5, v22, v15  }
0x45a: {  	vm12 =	vlt.f32 v23, v55;
	vm14 =	vlt.f32 v1, v36;
	v0 =	vsel vm3, v16, v18  }
0x45b: {  	vm7 =	vlt.f32 v3, v46;
	v3 =	vor.u32 $0x20, v2;
	v10 =	vsel vm6, v61, v60  }
0x45c: {  	v13 =	vsel vm6, v22, v15;
	v14 =	vsel vm12, v61, v60;
	v1 =	vsel vm14, v58, v57  }
0x45d: {  	v62 =	vsel vm4, v20, v26;
	vm5 =	veq.s32 v7, $0x0;
	v2 =	vsel vm7, v3, v2  }
0x45e: {  	v24 =	vld [tilespmem:$0x1FFD0];
	vm15 =	vlt.f32 v13, v56;
	v12 =	vadd.s32 $0xF, v2;
	vm8 =	vlt.f32 v23, v48  }
0x45f: {  	v59 =	vor.u32 $0x20, v10;
	v52 =	vor.u32 $0x20, v0;
	v3 =	vsel vm8, v61, v60;
	v61 =	vld [tilespmem:$0x1FFE0]  }
0x460: {  	v8 =	vld.idx.msk [tilespmem:v31+s5+$0x0], $0xffff;
	vm11 =	vlt.f32 v62, v42;
	v10 =	vsel vm15, v59, v10;
	v11 =	vsel vm8, v22, v15  }
0x461: {  	v15 =	vsel vm12, v22, v15;
	vm13 =	vlt.f32 v11, v48;
	v11 =	vor.u32 $0x20, v3  }
0x462: {  	v63 =	vld [tilespmem:$0x1FFE0];
	vm9 =	vlt.f32 v15, v55;
	v15 =	vadd.s32 $0x7, v1;
	v3 =	vsel vm13, v11, v3  }
0x463: {  	v17 =	vadd.s32 $0xF, v10;
	v11 =	vor.u32 $0x20, v14;
	v12 =	vld.idx.msk [tilespmem:v12+s17+$0x0], $0xffff;
	v13 =	vadd.s32 $0xF, v3  }
0x464: {  	v60 =	vsel vm3, v20, v26;
	v11 =	vsel vm9, v11, v14;
	v53 =	vsel vm4, v61, v24;
	v24 =	vld [tilespmem:$0x1FFD0]  }
0x465: {  	vm3 =	vlt.f32 v25, v8;
	vm10 =	vlt.f32 v60, v43;
	v19 =	vadd.s32 $0xF, v11  }
0x466: {  	v18 =	vor.u32 $0x10, v10;
	v60 =	vsel vm3, v20, v26;
	v0 =	vsel vm10, v52, v0  }
0x467: {  	v14 =	vor.u32 $0x10, v3;
	v51 =	vor.u32 $0x10, v11;
	vm4 =	veq.s32 v40, $0x0;
	v15 =	vld.idx.msk [tilespmem:v15+s17+$0x0], $0xffff  }
0x468: {  	v61 =	vor.u32 $0x10, v2;
	v62 =	vor.u32 $0x20, v53;
	vm1 =	vmand vm1, vm4;
	v13 =	vld.idx.msk [tilespmem:v13+s17+$0x0], $0xffff  }
0x469: {  	v17 =	vld.idx.msk [tilespmem:v17+s17+$0x0], $0xffff;
	v57 =	vsel vm3, v63, v24;
	vm3 =	vlt.f32 v12, v46;
	v12 =	vsel vm11, v62, v53  }
0x46a: {  	v19 =	vld.idx.msk [tilespmem:v19+s17+$0x0], $0xffff;
	v2 =	vsel vm3, v61, v2;
	vm3 =	vlt.f32 v60, v8;
	v61 =	vadd.s32 $0xF, v0  }
0x46b: {  	v60 =	vor.u32 $0x20, v57;
	v53 =	vadd.s32 $0xF, v12;
	v63 =	vadd.s32 $0x7, v2  }
0x46c: {  	v52 =	vsel vm3, v60, v57;
	vm3 =	vlt.f32 v15, v36;
	v15 =	vadd.s32 $0x8, v1  }
0x46d: {  	v16 =	vpop (erf);
	v59 =	vadd.s32 $0xF, v52;
	v1 =	vsel vm3, v15, v1;
	vm3 =	vlt.f32 v13, v48  }
0x46e: {  	v62 =	vadd.f32 $1.000000000e+00, v16;
	v3 =	vsel vm3, v14, v3;
	vm3 =	vlt.f32 v17, v56  }
0x46f: {  	v50 =	vpop (erf);
	v15 =	vadd.s32 $0x3, v1;
	v10 =	vsel vm3, v18, v10;
	vm3 =	vlt.f32 v19, v55;
	v18 =	vld.idx.msk [tilespmem:v61+s17+$0x0], $0xffff  }
0x470: {  	v49 =	vpop (erf);
	v16 =	vsub.f32 $1.000000000e+00, v16;
	v54 =	vadd.s32 $0x7, v3;
	v11 =	vsel vm3, v51, v11;
	v51 =	vld.idx.msk [tilespmem:v53+s17+$0x0], $0xffff  }
0x471: {  	vm4 =	vgt.f32 v28, v44;
	v24 =	vadd.f32 $1.000000000e+00, v49;
	v49 =	vsub.f32 $1.000000000e+00, v49;
	v14 =	vld.idx.msk [tilespmem:v63+s17+$0x0], $0xffff  }
0x472: {  	v57 =	vadd.s32 $0x10, v0;
	(erf) = vrcp.f32 v62;
	v58 =	vadd.s32 $0x7, v10;
	v59 =	vld.idx.msk [tilespmem:v59+s17+$0x0], $0xffff  }
0x473: {  	v13 =	vadd.s32 $0x10, v12;
	v17 =	vadd.s32 $0x10, v52;
	v63 =	vadd.f32 $1.000000000e+00, v50  }
0x474: {  	v19 =	vadd.s32 $0x8, v3;
	v53 =	vadd.s32 $0x8, v10;
	v60 =	vadd.s32 $0x7, v11;
	v15 =	vld.idx.msk [tilespmem:v15+s17+$0x0], $0xffff  }
0x475: {  	(erf) = vrcp.f32 v63;
	v54 =	vld.idx.msk [tilespmem:v54+s17+$0x0], $0xffff;
	vm13 =	vlt.f32 v18, v43;
	vm14 =	vlt.f32 v51, v42  }
0x476: {  	vm12 =	vlt.f32 v14, v46;
	v14 =	vadd.s32 $0x8, v2;
	v0 =	vsel vm13, v57, v0  }
0x477: {  	v58 =	vld.idx.msk [tilespmem:v58+s17+$0x0], $0xffff;
	v2 =	vsel vm12, v14, v2;
	v63 =	vadd.s32 $0x7, v0;
	vm15 =	vlt.f32 v59, v8  }
0x478: {  	v12 =	vsel vm14, v13, v12;
	v18 =	vadd.s32 $0x3, v2;
	v13 =	vsel vm15, v17, v52  }
0x479: {  	v62 =	vld.idx.msk [tilespmem:v60+s17+$0x0], $0xffff;
	vm8 =	vlt.f32 v15, v36;
	v15 =	vadd.s32 $0x4, v1;
	v17 =	vadd.s32 $0x7, v12  }
0x47a: {  	v52 =	vadd.s32 $0x7, v13;
	v1 =	vsel vm8, v15, v1;
	vm9 =	vlt.f32 v54, v48  }
0x47b: {  	vm3 =	vlt.f32 v29, v45;
	v54 =	vadd.s32 $0x1, v1;
	v3 =	vsel vm9, v19, v3  }
0x47c: {  	v61 =	vadd.s32 $0x8, v11;
	vm10 =	vlt.f32 v58, v56;
	v57 =	vadd.s32 $0x3, v3;
	v14 =	vld.idx.msk [tilespmem:v63+s17+$0x0], $0xffff  }
0x47d: {  	v50 =	vsub.f32 $1.000000000e+00, v50;
	v15 =	vadd.s32 $0x8, v0;
	v10 =	vsel vm10, v53, v10;
	v18 =	vld.idx.msk [tilespmem:v18+s17+$0x0], $0xffff  }
0x47e: {  	v19 =	vadd.s32 $0x8, v12;
	v58 =	vpop (erf);
	vm11 =	vlt.f32 v62, v55;
	v53 =	vadd.s32 $0x3, v10;
	v17 =	vld.idx.msk [tilespmem:v17+s17+$0x0], $0xffff  }
0x47f: {  	v51 =	vadd.s32 $0x4, v3;
	v16 =	vmul.f32 v58, v16;
	v62 =	vpop (erf);
	(erf) = vrcp.f32 v24;
	v24 =	vld.idx.msk [tilespmem:v52+s17+$0x0], $0xffff  }
0x480: {  	v11 =	vsel vm11, v61, v11;
	v59 =	vadd.s32 $0x4, v10;
	v63 =	vadd.s32 $0x8, v13;
	v54 =	vld.idx.msk [tilespmem:v54+s17+$0x0], $0xffff  }
0x481: {  	v60 =	vadd.s32 $0x3, v11;
	v61 =	vadd.s32 $0x4, v11;
	v50 =	vmul.f32 v62, v50;
	v52 =	vld.idx.msk [tilespmem:v57+s17+$0x0], $0xffff  }
0x482: {  	vm13 =	vlt.f32 v14, v43;
	vm12 =	vlt.f32 v18, v46;
	v18 =	vadd.s32 $0x4, v2  }
0x483: {  	v53 =	vld.idx.msk [tilespmem:v53+s17+$0x0], $0xffff;
	v14 =	vxor.u32 $0x80000000, v16;
	vm14 =	vlt.f32 v17, v42;
	v2 =	vsel vm12, v18, v2  }
0x484: {  	v16 =	vmul.f32 v16, v41;
	v12 =	vsel vm14, v19, v12;
	v57 =	vadd.s32 $0x1, v2  }
0x485: {  	v0 =	vsel vm13, v15, v0;
	v17 =	vadd.s32 $0x2, v1;
	v19 =	vadd.s32 $0x3, v12  }
0x486: {  	v18 =	vld.idx.msk [tilespmem:v60+s17+$0x0], $0xffff;
	v58 =	vadd.s32 $0x3, v0;
	vm15 =	vlt.f32 v54, v36;
	vm10 =	vlt.f32 v52, v48  }
0x487: {  	v15 =	vxor.u32 $0x80000000, v50;
	v1 =	vsel vm15, v17, v1;
	v3 =	vsel vm10, v51, v3  }
0x488: {  	v14 =	vmul.f32 v14, v35;
	vm11 =	vlt.f32 v53, v56;
	v53 =	vadd.s32 $0x1, v3  }
0x489: {  	v50 =	vmul.f32 v50, v47;
	v60 =	vadd.s32 $0x4, v0;
	vm9 =	vlt.f32 v24, v8;
	v24 =	vld.idx.msk [tilespmem:v57+s17+$0x0], $0xffff  }
0x48a: {  	v15 =	vmul.f32 v15, v38;
	v13 =	vsel vm9, v63, v13;
	v17 =	vadd.s32 $0x4, v12;
	v19 =	vld.idx.msk [tilespmem:v19+s17+$0x0], $0xffff  }
0x48b: {  	v51 =	vadd.s32 $0x3, v13;
	v10 =	vsel vm11, v59, v10;
	vm12 =	vlt.f32 v18, v55;
	v18 =	vld.idx.msk [tilespmem:v58+s17+$0x0], $0xffff  }
0x48c: {  	v52 =	vpop (erf);
	v63 =	vadd.s32 $0x4, v13;
	v57 =	vadd.s32 $0x1, v10;
	v11 =	vsel vm12, v61, v11;
	v62 =	vld.idx.msk [tilespmem:v1+s17+$0x0], $0xffff  }
0x48d: {  	vm15 =	vgt.f32 v29, v45;
	v49 =	vmul.f32 v52, v49;
	v59 =	vadd.s32 $0x1, v11;
	v41 =	vld.idx.msk [tilespmem:v53+s17+$0x0], $0xffff  }
0x48e: {  	v54 =	vadd.s32 $0x2, v3;
	vm2 =	vlt.f32 v24, v46;
	v24 =	vadd.s32 $0x2, v2  }
0x48f: {  	v52 =	vxor.u32 $0x80000000, v49;
	vm13 =	vlt.f32 v19, v42;
	v2 =	vsel vm2, v24, v2  }
0x490: {  	v49 =	vmul.f32 v49, v9;
	v51 =	vld.idx.msk [tilespmem:v51+s17+$0x0], $0xffff;
	vm2 =	vlt.f32 v18, v43;
	v12 =	vsel vm13, v17, v12  }
0x491: {  	v57 =	vld.idx.msk [tilespmem:v57+s17+$0x0], $0xffff;
	v0 =	vsel vm2, v60, v0;
	vm2 =	vlt.f32 v62, v36;
	v17 =	vadd.s32 $0x1, v12  }
0x492: {  	v24 =	vld.idx.msk [tilespmem:v59+s17+$0x0], $0xffff;
	v62 =	vimm.s32 $0x0;
	v9 =	vadd.s32 $0x1, v0;
	vm14 =	vlt.f32 v41, v48  }
0x493: {  	v58 =	vadd.s32 $0x2, v10;
	v19 =	vsel vm2, $0x1, v62;
	v3 =	vsel vm14, v54, v3  }
0x494: {  	vm12 =	veq.s32 v34, $0x63;
	v61 =	vadd.s32 $0x2, v11;
	v47 =	vadd.s32 v19, v1;
	v59 =	vld.idx.msk [tilespmem:v2+s17+$0x0], $0xffff  }
0x495: {  	v18 =	vmul.f32 v52, v37;
	vm13 =	veq.s32 v40, $0x63;
	vm2 =	vlt.f32 v51, v8  }
0x496: {  	v52 =	vadd.s32 $0x2, v0;
	v13 =	vsel vm2, v63, v13;
	vm2 =	vlt.f32 v57, v56;
	v17 =	vld.idx.msk [tilespmem:v17+s17+$0x0], $0xffff  }
0x497: {  	vm14 =	veq.s32 v7, $0x63;
	v10 =	vsel vm2, v58, v10;
	vm2 =	vlt.f32 v24, v55;
	v24 =	vld.idx.msk [tilespmem:v9+s17+$0x0], $0xffff  }
0x498: {  	v19 =	vadd.s32 $0x1, v13;
	v57 =	vsel vm0, v14, v4;
	v11 =	vsel vm2, v61, v11;
	v7 =	vld.idx.msk [tilespmem:v3+s17+$0x0], $0xffff  }
0x499: {  	vm2 =	vmand vm3, vm5;
	vm3 =	vgt.f32 v27, v39;
	v9 =	vld.idx.msk [tilespmem:v47+s18+$0x0], $0xffff;
	vm9 =	vlt.f32 v59, v46  }
0x49a: {  	v29 =	vmovc v8;
	v4 =	vsel vm1, v15, v5;
	vm0 =	vmand vm3, vm12;
	v8 =	vsel vm9, $0x1, v62  }
0x49b: {  	v63 =	vld [tilespmem:$0x1FEF0];
	v27 =	vmovc v43;
	v6 =	vsel vm2, v18, v6;
	vm2 =	vmand vm4, vm13;
	v8 =	vadd.s32 v8, v2  }
0x49c: {  	v28 =	vmovc v42;
	v1 =	vsel vm0, v16, v57;
	vm0 =	vmand vm15, vm14;
	v5 =	vld.idx.msk [tilespmem:v10+s17+$0x0], $0xffff;
	vm1 =	vlt.f32 v24, v27  }
0x49d: {  	v6 =	vsel vm0, v49, v6;
	v58 =	vld.idx.msk [tilespmem:v11+s17+$0x0], $0xffff;
	v0 =	vsel vm1, v52, v0;
	vm1 =	vlt.f32 v7, v48  }
0x49e: {  	vm0 =	vlt.f32 v17, v28;
	v17 =	vld [tilespmem:$0x1FE80];
	v42 =	vsub.f32 v36, v9;
	v15 =	vsel vm1, $0x1, v62  }
0x49f: {  	v54 =	vadd.s32 $0x2, v12;
	v4 =	vsel vm2, v50, v4;
	v3 =	vadd.s32 v15, v3;
	v15 =	vld [tilespmem:$0x1FE70]  }
0x4a0: {  	v1 =	vadd.f32 v1, v35;
	v4 =	vadd.f32 v4, v38;
	v35 =	vand.u32 $0x7FFFFFFF, v42;
	v7 =	vld.idx.msk [tilespmem:v8+s18+$0x0], $0xffff  }
0x4a1: {  	v59 =	vld.idx.msk [tilespmem:v19+s17+$0x0], $0xffff;
	v38 =	vsel vm0, v54, v12;
	vm0 =	vlt.f32 v5, v56;
	v5 =	vmul.f32 v35, v63  }
0x4a2: {  	v50 =	vld [tilespmem:$0x1FEE0]  }
0x4a3: {  	v52 =	vld [tilespmem:$0x1FFC0];
	v39 =	vsel vm0, $0x1, v62;
	v5 =	vmul.f32 $-2.000000000e+00, v5  }
0x4a4: {  	vm0 =	vlt.f32 v58, v55;
	v10 =	vadd.s32 v39, v10  }
0x4a5: {  	v44 =	vmovc v32;
	v41 =	vsel vm0, $0x1, v62;
	v5 =	vmul.f32 $1.442695020e+00, v5;
	v32 =	vsub.f32 v46, v7  }
0x4a6: {  	v51 =	vadd.s32 $0x2, v13;
	vm3 =	vlt.f32 v59, v29;
	v16 =	vld.idx.msk [tilespmem:v38+s17+$0x0], $0xffff;
	v11 =	vadd.s32 v41, v11  }
0x4a7: {  	v13 =	vsel vm3, v51, v13;
	v40 =	vld.idx.msk [tilespmem:v0+s17+$0x0], $0xffff;
	[tilespmem:v17+s22+$0x0] =	vst.idx.msk $0x3ff, v4;
	(erf) = vpow2.f32 v5;
	v5 =	vand.u32 $0x7FFFFFFF, v32  }
0x4a8: {  	v18 =	vadd.s32 v52, v3;
	v17 =	vld [tilespmem:$0x1FE90];
	[tilespmem:v15+s22+$0x0] =	vst.idx.msk $0x3ff, v1;
	v51 =	vmul.f32 v5, v50  }
0x4a9: {  	vm1 =	veq.s32 v18, $0x0;
	v15 =	vadd.s32 v52, v10;
	v45 =	vld.idx.msk [tilespmem:v3+s18+$0x0], $0xffff  }
0x4aa: {  	vm15 =	veq.s32 v15, $0x0;
	vm5 =	veq.s32 v15, $0x63;
	v15 =	vld.idx.msk [tilespmem:v10+s18+$0x0], $0xffff;
	v14 =	vmul.f32 $-2.000000000e+00, v51  }
0x4ab: {  	v12 =	vadd.s32 v52, v11;
	vm4 =	veq.s32 v18, $0x63;
	v18 =	vadd.f32 v6, v37;
	v2 =	vld.idx.msk [tilespmem:v11+s18+$0x0], $0xffff  }
0x4ac: {  	vm2 =	veq.s32 v12, $0x0;
	v6 =	vld.idx.msk [tilespmem:v10+s19+$0x0], $0xffff;
	vm0 =	vlt.f32 v40, v27;
	v14 =	vmul.f32 $1.442695020e+00, v14  }
0x4ad: {  	vm12 =	veq.s32 v12, $0x63;
	vm3 =	vlt.f32 v16, v28;
	v60 =	vld.idx.msk [tilespmem:v10+s20+$0x0], $0xffff;
	v49 =	vsel vm0, $0x1, v62  }
0x4ae: {  	v4 =	vld.idx.msk [tilespmem:v3+s19+$0x0], $0xffff;
	v0 =	vadd.s32 v49, v0;
	v54 =	vsub.f32 v48, v45;
	(erf) = vpow2.f32 v14  }
0x4af: {  	v16 =	vsel vm3, $0x1, v62;
	v5 =	vld.idx.msk [tilespmem:v11+s19+$0x0], $0xffff;
	v34 =	vadd.s32 v21, v0;
	v10 =	vsub.f32 v56, v15  }
0x4b0: {  	[tilespmem:v17+s22+$0x0] =	vst.idx.msk $0x3ff, v18;
	v18 =	vsub.f32 v55, v2;
	vm3 =	vlt.f32 v48, v45;
	v17 =	vand.u32 $0x7FFFFFFF, v54  }
0x4b1: {  	v3 =	vld.idx.msk [tilespmem:v3+s20+$0x0], $0xffff;
	vm13 =	vgt.f32 v48, v45;
	v19 =	vand.u32 $0x7FFFFFFF, v10;
	v24 =	vpop (erf);
	v17 =	vmul.f32 v17, v50  }
0x4b2: {  	v53 =	vmovc v31;
	v31 =	vand.u32 $0x7FFFFFFF, v18;
	v19 =	vmul.f32 v19, v50;
	v45 =	vadd.f32 $1.000000000e+00, v24  }
0x4b3: {  	vm0 =	veq.s32 v34, $0x0;
	v31 =	vmul.f32 v31, v50;
	v17 =	vmul.f32 $-2.000000000e+00, v17  }
0x4b4: {  	vm10 =	vlt.f32 v55, v2;
	v19 =	vmul.f32 $-2.000000000e+00, v19;
	(erf) = vrcp.f32 v45  }
0x4b5: {  	vm14 =	vlt.f32 v56, v15;
	v49 =	vmul.f32 $1.442695020e+00, v17;
	v17 =	vmul.f32 $-2.000000000e+00, v31  }
0x4b6: {  	vm3 =	vmand vm3, vm1;
	v58 =	vmul.f32 v3, v54;
	v3 =	vmul.f32 $1.442695020e+00, v19  }
0x4b7: {  	[tilespmem:$0x1FE90] =	vst v53;
	vm1 =	vmand vm14, vm15;
	v14 =	vld.idx.msk [tilespmem:v13+s17+$0x0], $0xffff;
	v51 =	vmul.f32 $1.442695020e+00, v17;
	(erf) = vpow2.f32 v49;
	v53 =	vpop (erf)  }
0x4b8: {  	v11 =	vld.idx.msk [tilespmem:v11+s20+$0x0], $0xffff;
	vm15 =	vgt.f32 v56, v15;
	(erf) = vpow2.f32 v3;
	v15 =	vadd.f32 $1.000000000e+00, v53  }
0x4b9: {  	vm2 =	vmand vm10, vm2;
	vm10 =	vgt.f32 v55, v2;
	(erf) = vpow2.f32 v51  }
0x4ba: {  	vm6 =	vmand vm13, vm4;
	vm14 =	vlt.f32 v36, v9;
	v54 =	vld.idx.msk [tilespmem:v47+s19+$0x0], $0xffff;
	(erf) = vrcp.f32 v15  }
0x4bb: {  	v60 =	vmul.f32 v60, v10;
	vm4 =	vmand vm15, vm5;
	vm5 =	vmand vm10, vm12  }
0x4bc: {  	v10 =	vadd.s32 v16, v38;
	v55 =	vsub.f32 $1.000000000e+00, v24;
	vm11 =	vlt.f32 v14, v29;
	v3 =	vld.idx.msk [tilespmem:v47+s20+$0x0], $0xffff  }
0x4bd: {  	vm15 =	vgt.f32 v36, v9;
	v56 =	vmul.f32 v11, v18;
	v11 =	vsel vm11, $0x1, v62;
	v14 =	vpop (erf)  }
0x4be: {  	v39 =	vld.idx.msk [tilespmem:v0+s18+$0x0], $0xffff;
	v48 =	vadd.s32 v11, v13;
	v11 =	vadd.s32 v21, v47;
	v2 =	vmul.f32 v14, v55  }
0x4bf: {  	v43 =	vmovc v33;
	v35 =	vld.idx.msk [tilespmem:v0+s19+$0x0], $0xffff;
	v40 =	vadd.s32 v21, v10;
	v38 =	vsub.f32 $1.000000000e+00, v54;
	vm13 =	veq.s32 v11, $0x0  }
0x4c0: {  	v50 =	vld.idx.msk [tilespmem:v0+s20+$0x0], $0xffff;
	vm12 =	veq.s32 v11, $0x63;
	vm8 =	vmand vm14, vm13;
	v11 =	vxor.u32 $0x80000000, v2;
	v33 =	vpop (erf)  }
0x4c1: {  	v18 =	vld.idx.msk [tilespmem:v8+s20+$0x0], $0xffff;
	vm7 =	vmand vm15, vm12;
	v3 =	vmul.f32 v3, v42;
	v11 =	vmul.f32 v11, v54;
	v15 =	vpop (erf)  }
0x4c2: {  	vm14 =	vlt.f32 v46, v7;
	v0 =	vsub.f32 $1.000000000e+00, v53;
	v14 =	vld.idx.msk [tilespmem:v8+s19+$0x0], $0xffff;
	v19 =	vadd.f32 $1.000000000e+00, v33;
	v16 =	vpop (erf)  }
0x4c3: {  	v8 =	vadd.s32 v52, v8;
	v3 =	vsel vm8, v11, v3;
	v11 =	vadd.f32 $1.000000000e+00, v15;
	v9 =	vpop (erf)  }
0x4c4: {  	[tilespmem:$0x1FE80] =	vst v44;
	v44 =	vld.idx.msk [tilespmem:v10+s18+$0x0], $0xffff;
	vm12 =	veq.s32 v8, $0x63;
	(erf) = vrcp.f32 v19;
	v0 =	vmul.f32 v9, v0  }
0x4c5: {  	v53 =	vld.idx.msk [tilespmem:v10+s20+$0x0], $0xffff;
	vm13 =	veq.s32 v8, $0x0;
	v17 =	vadd.f32 $1.000000000e+00, v16;
	(erf) = vrcp.f32 v11  }
0x4c6: {  	v2 =	vmul.f32 v2, v38;
	v38 =	vld.idx.msk [tilespmem:v10+s19+$0x0], $0xffff;
	v10 =	vmul.f32 v18, v32;
	v8 =	vxor.u32 $0x80000000, v0  }
0x4c7: {  	(erf) = vrcp.f32 v17;
	v9 =	vsub.f32 $1.000000000e+00, v14;
	v8 =	vmul.f32 v8, v14  }
0x4c8: {  	[tilespmem:$0x1FE70] =	vst v43;
	v43 =	vsub.f32 $1.000000000e+00, v6;
	v57 =	vsub.f32 $1.000000000e+00, v4;
	v45 =	vld.idx.msk [tilespmem:v48+s18+$0x0], $0xffff;
	vm8 =	vmand vm14, vm13  }
0x4c9: {  	v59 =	vsub.f32 $1.000000000e+00, v5;
	v0 =	vmul.f32 v0, v9;
	v9 =	vsel vm8, v8, v10;
	v8 =	vld [tilespmem:$0x1FF30]  }
0x4ca: {  	v41 =	vsub.f32 $1.000000000e+00, v35;
	v49 =	vsub.f32 v27, v39;
	vm15 =	vgt.f32 v46, v7  }
0x4cb: {  	v51 =	vsub.f32 v28, v44;
	v42 =	vsub.f32 $1.000000000e+00, v33;
	v2 =	vsel vm7, v2, v3  }
0x4cc: {  	s3 =	sshll.u32 s25, $0x7;
	v3 =	vsub.f32 $1.000000000e+00, v15;
	vm7 =	vmand vm15, vm12;
	v1 =	vadd.f32 v2, v54  }
0x4cd: {  	s31 =	sadd.s32 $0x180, s3;
	v54 =	vsub.f32 v29, v45;
	v0 =	vsel vm7, v0, v9;
	v7 =	vpop (erf);
	v9 =	vand.u32 $0x7FFFFFFF, v51  }
0x4ce: {  	[tilespmem:v30+s22+$0x0] =	vst.idx.msk $0x3ff, v1;
	v10 =	vadd.f32 v0, v14;
	v2 =	vmul.f32 v7, v42;
	v7 =	vpop (erf);
	v30 =	vor.u32 s31, v8  }
0x4cf: {  	s24 =	sadd.s32 $0x200, s24;
	v47 =	vsub.f32 $1.000000000e+00, v16;
	v3 =	vmul.f32 v7, v3;
	v7 =	vmul.f32 v9, v63  }
0x4d0: {  	v55 =	vpop (erf);
	v9 =	vand.u32 $0x7FFFFFFF, v54;
	[tilespmem:s24+$0x80] =	vst v10;
	v10 =	vxor.u32 $0x80000000, v2;
	v2 =	vmul.f32 v2, v57  }
0x4d1: {  	s29 =	sadd.s32 $0x80, s3;
	s30 =	sadd.s32 $0x100, s3;
	v12 =	vand.u32 $0x7FFFFFFF, v49;
	v0 =	vmul.f32 v55, v47;
	v9 =	vmul.f32 v9, v63  }
0x4d2: {  	v18 =	vld [tilespmem:$0x1FFD0];
	v32 =	vor.u32 s29, v8;
	v31 =	vor.u32 s30, v8;
	v33 =	vor.u32 s3, v8  }
0x4d3: {  	v8 =	vmul.f32 v12, v63;
	v57 =	vmul.f32 v10, v4;
	v10 =	vxor.u32 $0x80000000, v3;
	v36 =	vld.idx.msk [tilespmem:v30+s5+$0x0], $0xffff  }
0x4d4: {  	v16 =	vld [tilespmem:$0x1FFE0];
	v3 =	vmul.f32 v3, v43;
	v10 =	vmul.f32 v10, v6;
	v11 =	vxor.u32 $0x80000000, v0  }
0x4d5: {  	v0 =	vmul.f32 v0, v59;
	v1 =	vsel vm3, v57, v58;
	v11 =	vmul.f32 v11, v5  }
0x4d6: {  	v61 =	vld [tilespmem:$0x1FFB0];
	v8 =	vmul.f32 $-2.000000000e+00, v8;
	v1 =	vsel vm6, v2, v1;
	v58 =	vsel vm1, v10, v60  }
0x4d7: {  	p0 =	slt.u32 s28, $0xFC;
	v37 =	vld.idx.msk [tilespmem:v48+s19+$0x0], $0xffff;
	v1 =	vadd.f32 v1, v4;
	v2 =	vsel vm4, v3, v58;
	v3 =	vsel vm2, v11, v56  }
.Ltmp2:
0x4d8: {  	s26 =	sadd.s32 $0x200, s26;
	v52 =	vld.idx.msk [tilespmem:v48+s20+$0x0], $0xffff;
	v2 =	vadd.f32 v2, v6;
	v0 =	vsel vm5, v0, v3;
	vm1 =	vlt.f32 v25, v36;
	(pc) =	sbr.rel @p0 .LBB2_6-.Ltmp2, $4  }
0x4d9: {  	v46 =	vld [tilespmem:s26+$0x80];
	v0 =	vadd.f32 v0, v5;
	v59 =	vsel vm1, v16, v18;
	v3 =	vsel vm1, v20, v26  }
0x4da: {  	v60 =	vld [tilespmem:$0x1FFA0];
	[tilespmem:s24+$0xFFFFFF00] =	vst v1;
	vm1 =	vlt.f32 v3, v36;
	v63 =	vor.u32 $0x20, v59;
	v3 =	vmul.f32 $-2.000000000e+00, v7  }
0x4db: {  	v47 =	vsub.f32 $1.000000000e+00, v38;
	v5 =	vmul.f32 $1.442695020e+00, v8;
	v43 =	vld.idx.msk [tilespmem:v33+s5+$0x0], $0xffff;
	[tilespmem:s24+$0xFFFFFF80] =	vst v2;
	v57 =	vsel vm1, v63, v59  }
0x4dc: {  	s25 =	smov.u32 s28;
	s28 =	sadd.s32 $0x4, s28;
	v42 =	vld.idx.msk [tilespmem:v32+s5+$0x0], $0xffff;
	[tilespmem:s24+$0x0] =	vst v0;
	v7 =	vmul.f32 $-2.000000000e+00, v9;
	v58 =	vadd.s32 $0xF, v57;
	v8 =	vmul.f32 $1.442695020e+00, v3  }
0x4dd: {  	_ =	sdelay $0x3  }
0x4de: {  	v0 =	vld.idx.msk [tilespmem:v58+s17+$0x0], $0xffff  }
0x4df: {  	v14 =	vld [tilespmem:$0x1FEC0];
	_ =	sdelay $0x2  }
0x4e0: {  	v4 =	vld [tilespmem:s26+$0xFFFFFF00];
	vm1 =	vlt.f32 v23, v46  }
0x4e1: {  	v56 =	vld [tilespmem:s26+$0xFFFFFF80];
	v1 =	vsel vm1, v61, v60  }
0x4e2: {  	v6 =	vld [tilespmem:s26+$0x0];
	v2 =	vsel vm1, v22, v14;
	vm11 =	vlt.f32 v0, v36;
	v0 =	vadd.s32 $0x10, v57  }
0x4e3: {  	vm1 =	vlt.f32 v2, v46;
	v2 =	vor.u32 $0x20, v1;
	v0 =	vsel vm11, v0, v57  }
0x4e4: {  	v1 =	vsel vm1, v2, v1;
	v10 =	vadd.s32 $0x7, v0  }
0x4e5: {  	v2 =	vadd.s32 $0xF, v1;
	_ =	sdelay $0x1  }
0x4e6: {  	vm2 =	vlt.f32 v23, v4;
	vm13 =	vlt.f32 v23, v56;
	vm14 =	vlt.f32 v23, v6  }
0x4e7: {  	v3 =	vsel vm2, v61, v60;
	v9 =	vsel vm2, v22, v14;
	v11 =	vsel vm13, v61, v60  }
0x4e8: {  	v12 =	vsel vm13, v22, v14;
	vm12 =	vlt.f32 v9, v4;
	v57 =	vor.u32 $0x20, v3;
	v10 =	vld.idx.msk [tilespmem:v10+s17+$0x0], $0xffff  }
0x4e9: {  	v13 =	vsel vm14, v61, v60;
	v14 =	vsel vm14, v22, v14;
	v3 =	vsel vm12, v57, v3;
	v2 =	vld.idx.msk [tilespmem:v2+s17+$0x0], $0xffff  }
0x4ea: {  	vm1 =	vlt.f32 v12, v56;
	v58 =	vor.u32 $0x20, v11;
	v9 =	vadd.s32 $0xF, v3  }
0x4eb: {  	vm2 =	vlt.f32 v14, v6;
	v59 =	vor.u32 $0x20, v13;
	v11 =	vsel vm1, v58, v11  }
0x4ec: {  	v12 =	vsel vm2, v59, v13;
	v60 =	vadd.s32 $0xF, v11  }
0x4ed: {  	v61 =	vadd.s32 $0x8, v0;
	v13 =	vadd.s32 $0xF, v12;
	vm4 =	vlt.f32 v10, v36  }
0x4ee: {  	vm15 =	vlt.f32 v2, v46;
	v2 =	vor.u32 $0x10, v1;
	v0 =	vsel vm4, v61, v0  }
0x4ef: {  	v9 =	vld.idx.msk [tilespmem:v9+s17+$0x0], $0xffff;
	v1 =	vsel vm15, v2, v1;
	v19 =	vadd.s32 $0x3, v0  }
0x4f0: {  	v2 =	vadd.s32 $0x7, v1  }
0x4f1: {  	v63 =	vld.idx.msk [tilespmem:v60+s17+$0x0], $0xffff  }
0x4f2: {  	v13 =	vld.idx.msk [tilespmem:v13+s17+$0x0], $0xffff;
	_ =	sdelay $0x1  }
0x4f3: {  	v15 =	vor.u32 $0x10, v3;
	vm5 =	vlt.f32 v9, v4;
	v22 =	vld.idx.msk [tilespmem:v19+s17+$0x0], $0xffff  }
0x4f4: {  	v3 =	vsel vm5, v15, v3;
	v2 =	vld.idx.msk [tilespmem:v2+s17+$0x0], $0xffff  }
0x4f5: {  	v21 =	vor.u32 $0x10, v11;
	vm6 =	vlt.f32 v63, v56;
	v20 =	vadd.s32 $0x7, v3  }
0x4f6: {  	v23 =	vor.u32 $0x10, v12;
	vm7 =	vlt.f32 v13, v6;
	v11 =	vsel vm6, v21, v11  }
0x4f7: {  	v12 =	vsel vm7, v23, v12;
	v55 =	vadd.s32 $0x7, v11  }
0x4f8: {  	v57 =	vadd.s32 $0x4, v0;
	v14 =	vadd.s32 $0x7, v12;
	vm9 =	vlt.f32 v22, v36  }
0x4f9: {  	vm8 =	vlt.f32 v2, v46;
	v2 =	vadd.s32 $0x8, v1;
	v0 =	vsel vm9, v57, v0  }
0x4fa: {  	v9 =	vld.idx.msk [tilespmem:v20+s17+$0x0], $0xffff;
	v1 =	vsel vm8, v2, v1;
	v59 =	vadd.s32 $0x1, v0  }
0x4fb: {  	v2 =	vadd.s32 $0x3, v1  }
0x4fc: {  	v58 =	vld.idx.msk [tilespmem:v55+s17+$0x0], $0xffff  }
0x4fd: {  	v14 =	vld.idx.msk [tilespmem:v14+s17+$0x0], $0xffff;
	_ =	sdelay $0x1  }
0x4fe: {  	v60 =	vadd.s32 $0x8, v3;
	vm10 =	vlt.f32 v9, v4;
	v17 =	vld.idx.msk [tilespmem:v59+s17+$0x0], $0xffff  }
0x4ff: {  	v3 =	vsel vm10, v60, v3;
	v2 =	vld.idx.msk [tilespmem:v2+s17+$0x0], $0xffff  }
0x500: {  	v63 =	vadd.s32 $0x8, v11;
	vm11 =	vlt.f32 v58, v56;
	v61 =	vadd.s32 $0x3, v3  }
0x501: {  	v19 =	vadd.s32 $0x8, v12;
	vm12 =	vlt.f32 v14, v6;
	v11 =	vsel vm11, v63, v11  }
0x502: {  	v12 =	vsel vm12, v19, v12;
	v20 =	vadd.s32 $0x3, v11  }
0x503: {  	v21 =	vadd.s32 $0x2, v0;
	v13 =	vadd.s32 $0x3, v12  }
0x504: {  	vm14 =	vlt.f32 v17, v36;
	vm13 =	vlt.f32 v2, v46;
	v2 =	vadd.s32 $0x4, v1  }
0x505: {  	v9 =	vld.idx.msk [tilespmem:v61+s17+$0x0], $0xffff;
	v0 =	vsel vm14, v21, v0;
	v1 =	vsel vm13, v2, v1  }
0x506: {  	v2 =	vadd.s32 $0x1, v1  }
0x507: {  	v22 =	vld.idx.msk [tilespmem:v20+s17+$0x0], $0xffff  }
0x508: {  	v13 =	vld.idx.msk [tilespmem:v13+s17+$0x0], $0xffff;
	_ =	sdelay $0x1  }
0x509: {  	v23 =	vadd.s32 $0x4, v3;
	vm15 =	vlt.f32 v9, v4;
	v57 =	vld.idx.msk [tilespmem:v0+s17+$0x0], $0xffff  }
0x50a: {  	v3 =	vsel vm15, v23, v3;
	v2 =	vld.idx.msk [tilespmem:v2+s17+$0x0], $0xffff  }
0x50b: {  	v15 =	vadd.s32 $0x4, v11;
	v55 =	vadd.s32 $0x1, v3  }
0x50c: {  	v58 =	vadd.s32 $0x4, v12;
	vm4 =	vlt.f32 v22, v56;
	vm5 =	vlt.f32 v13, v6  }
0x50d: {  	v11 =	vsel vm4, v15, v11;
	v10 =	vsel vm5, v58, v12  }
0x50e: {  	v59 =	vadd.s32 $0x1, v11;
	v12 =	vadd.s32 $0x1, v10  }
0x50f: {  	vm7 =	vlt.f32 v57, v36;
	vm6 =	vlt.f32 v2, v46;
	v2 =	vadd.s32 $0x2, v1  }
0x510: {  	v9 =	vld.idx.msk [tilespmem:v55+s17+$0x0], $0xffff;
	v1 =	vsel vm6, v2, v1;
	v2 =	vsel vm7, $0x1, v62  }
0x511: {  	v60 =	vadd.s32 v2, v0;
	_ =	sdelay $0x1  }
0x512: {  	v12 =	vld.idx.msk [tilespmem:v12+s17+$0x0], $0xffff  }
0x513: {  	v0 =	vld.idx.msk [tilespmem:v59+s17+$0x0], $0xffff  }
0x514: {  	vm8 =	vlt.f32 v9, v4;
	v2 =	vadd.s32 $0x2, v3;
	v13 =	vld.idx.msk [tilespmem:v1+s17+$0x0], $0xffff  }
0x515: {  	(erf) = vpow2.f32 v5;
	v2 =	vsel vm8, v2, v3;
	v3 =	vmul.f32 $1.442695020e+00, v7;
	v14 =	vld.idx.msk [tilespmem:v60+s18+$0x0], $0xffff  }
0x516: {  	(erf) = vpow2.f32 v8  }
0x517: {  	(erf) = vpow2.f32 v3;
	_ =	sdelay $0x1  }
0x518: {  	v15 =	vadd.s32 $0x2, v10;
	v3 =	vadd.s32 $0x2, v11;
	vm9 =	vlt.f32 v0, v56  }
0x519: {  	v57 =	vld [tilespmem:$0x1FEF0];
	vm10 =	vlt.f32 v12, v6;
	v0 =	vsel vm9, v3, v11;
	vm11 =	vlt.f32 v13, v46;
	[tilespmem:$0x1FDB0] =	vst v14  }
0x51a: {  	v7 =	vsel vm10, v15, v10;
	v17 =	vsel vm11, $0x1, v62;
	v3 =	vld.idx.msk [tilespmem:v2+s17+$0x0], $0xffff  }
0x51b: {  	v59 =	vadd.s32 v17, v1;
	v1 =	vsub.f32 v36, v14;
	_ =	sdelay $0x1  }
0x51c: {  	v25 =	vld [tilespmem:$0x1FF00];
	v62 =	vpop (erf);
	[tilespmem:$0x1FDA0] =	vst v1  }
0x51d: {  	v63 =	vpop (erf);
	v1 =	vand.u32 $0x7FFFFFFF, v1;
	v19 =	vld.idx.msk [tilespmem:v0+s17+$0x0], $0xffff  }
0x51e: {  	v22 =	vpop (erf);
	v1 =	vmul.f32 v1, v57;
	v20 =	vld.idx.msk [tilespmem:v7+s17+$0x0], $0xffff;
	vm12 =	vlt.f32 v3, v4;
	v3 =	vadd.f32 $1.000000000e+00, v62  }
0x51f: {  	v26 =	vld [tilespmem:$0x1FF10];
	v61 =	vimm.s32 $0x0;
	v23 =	vadd.f32 $1.000000000e+00, v63;
	[tilespmem:$0x1FD50] =	vst v22  }
0x520: {  	v11 =	vld.idx.msk [tilespmem:v59+s18+$0x0], $0xffff;
	v1 =	vmul.f32 $-2.000000000e+00, v1;
	v21 =	vsel vm12, $0x1, v61;
	(erf) = vrcp.f32 v3  }
0x521: {  	vm14 =	vlt.f32 v25, v42;
	v58 =	vadd.s32 v21, v2;
	v2 =	vadd.f32 $1.000000000e+00, v22;
	v22 =	vld [tilespmem:$0x1FF20]  }
0x522: {  	vm13 =	vlt.f32 v25, v43;
	v1 =	vmul.f32 $1.442695020e+00, v1;
	(erf) = vrcp.f32 v23  }
0x523: {  	vm3 =	vlt.f32 v19, v56;
	vm15 =	vlt.f32 v20, v6;
	v20 =	vld [tilespmem:$0x1FEE0];
	(erf) = vrcp.f32 v2  }
0x524: {  	v3 =	vsel vm13, v16, v18;
	v2 =	vsel vm3, $0x1, v61;
	(erf) = vpow2.f32 v1  }
0x525: {  	v14 =	vadd.s32 v2, v0;
	v0 =	vsel vm15, $0x1, v61;
	v21 =	vsub.f32 v46, v11  }
0x526: {  	v23 =	vadd.s32 v0, v7;
	v0 =	vor.u32 $0x20, v3;
	v5 =	vld.idx.msk [tilespmem:v58+s18+$0x0], $0xffff;
	v55 =	vsel vm13, v22, v26  }
0x527: {  	v12 =	vsel vm14, v16, v18;
	v13 =	vand.u32 $0x7FFFFFFF, v21;
	vm1 =	vlt.f32 v55, v43  }
0x528: {  	v15 =	vsel vm14, v22, v26;
	v55 =	vld.idx.msk [tilespmem:v31+s5+$0x0], $0xffff;
	v2 =	vsel vm1, v0, v3;
	v3 =	vmul.f32 v13, v20  }
0x529: {  	v17 =	vor.u32 $0x20, v12;
	vm5 =	vlt.f32 v15, v42;
	v0 =	vpop (erf)  }
0x52a: {  	v12 =	vsel vm5, v17, v12;
	v10 =	vadd.s32 $0xF, v2;
	v3 =	vmul.f32 $-2.000000000e+00, v3;
	[tilespmem:$0x1FD40] =	vst v0  }
0x52b: {  	v15 =	vadd.s32 $0xF, v12;
	v8 =	vsub.f32 v4, v5;
	v0 =	vpop (erf);
	v13 =	vld.idx.msk [tilespmem:v14+s18+$0x0], $0xffff  }
0x52c: {  	[tilespmem:$0x1FD60] =	vst v0;
	v0 =	vpop (erf);
	v3 =	vmul.f32 $1.442695020e+00, v3  }
0x52d: {  	v9 =	vmov v16;
	vm6 =	vlt.f32 v25, v55;
	v16 =	vld.idx.msk [tilespmem:v23+s18+$0x0], $0xffff;
	[tilespmem:$0x1FD70] =	vst v0;
	v19 =	vand.u32 $0x7FFFFFFF, v8;
	v0 =	vpop (erf)  }
0x52e: {  	v17 =	vmul.f32 v19, v20;
	[tilespmem:$0x1FD80] =	vst v0;
	(erf) = vpow2.f32 v3;
	v3 =	vadd.f32 $1.000000000e+00, v0  }
0x52f: {  	v7 =	vmov v18;
	v18 =	vsel vm6, v22, v26;
	v10 =	vld.idx.msk [tilespmem:v10+s17+$0x0], $0xffff  }
0x530: {  	v17 =	vmul.f32 $-2.000000000e+00, v17;
	(erf) = vrcp.f32 v3;
	v3 =	vld.idx.msk [tilespmem:v15+s17+$0x0], $0xffff;
	v19 =	vsub.f32 v56, v13  }
0x531: {  	vm7 =	vlt.f32 v18, v55;
	v18 =	vsel vm6, v9, v7  }
0x532: {  	v15 =	vsub.f32 v6, v16;
	v17 =	vmul.f32 $1.442695020e+00, v17;
	v24 =	vand.u32 $0x7FFFFFFF, v19  }
0x533: {  	v0 =	vor.u32 $0x20, v18;
	v24 =	vmul.f32 v24, v20  }
0x534: {  	v1 =	vand.u32 $0x7FFFFFFF, v15;
	(erf) = vpow2.f32 v17;
	vm8 =	vlt.f32 v10, v43  }
0x535: {  	v1 =	vmul.f32 v1, v20;
	v20 =	vadd.s32 $0x10, v2;
	vm9 =	vlt.f32 v3, v42  }
0x536: {  	v10 =	vmul.f32 $-2.000000000e+00, v24;
	v2 =	vsel vm8, v20, v2;
	v20 =	vadd.s32 $0x10, v12  }
0x537: {  	v0 =	vsel vm7, v0, v18;
	v1 =	vmul.f32 $-2.000000000e+00, v1;
	v12 =	vsel vm9, v20, v12;
	v18 =	vpop (erf)  }
0x538: {  	v3 =	vmul.f32 $1.442695020e+00, v10;
	v10 =	vadd.s32 $0xF, v0;
	v20 =	vadd.f32 $1.000000000e+00, v18  }
0x539: {  	v17 =	vadd.s32 $0x7, v2;
	v1 =	vmul.f32 $1.442695020e+00, v1  }
0x53a: {  	(erf) = vpow2.f32 v3  }
0x53b: {  	(erf) = vpow2.f32 v1  }
0x53c: {  	v3 =	vadd.s32 $0x7, v12;
	(erf) = vrcp.f32 v20;
	v20 =	vpop (erf)  }
0x53d: {  	v1 =	vld.idx.msk [tilespmem:v10+s17+$0x0], $0xffff;
	[tilespmem:$0x1FD90] =	vst v20  }
0x53e: {  	v10 =	vld.idx.msk [tilespmem:v17+s17+$0x0], $0xffff  }
0x53f: {  	v17 =	vpop (erf)  }
0x540: {  	v20 =	vadd.f32 $1.000000000e+00, v17  }
0x541: {  	vm5 =	vgt.f32 v46, v11;
	vm4 =	vlt.f32 v4, v5;
	v3 =	vld.idx.msk [tilespmem:v3+s17+$0x0], $0xffff  }
0x542: {  	vm3 =	vgt.f32 v4, v5;
	vm6 =	vlt.f32 v46, v11;
	v4 =	vld.idx.msk [tilespmem:v58+s20+$0x0], $0xffff;
	(erf) = vrcp.f32 v20  }
0x543: {  	v5 =	vld.idx.msk [tilespmem:v59+s20+$0x0], $0xffff;
	vm7 =	vlt.f32 v1, v55;
	v1 =	vadd.s32 $0x10, v0;
	vm10 =	vlt.f32 v10, v43;
	v10 =	vpop (erf)  }
0x544: {  	v0 =	vsel vm7, v1, v0;
	v1 =	vadd.s32 $0x8, v2;
	v46 =	vadd.f32 $1.000000000e+00, v10  }
0x545: {  	vm2 =	vlt.f32 v56, v13;
	vm1 =	vgt.f32 v56, v13;
	v1 =	vsel vm10, v1, v2  }
0x546: {  	v11 =	vld.idx.msk [tilespmem:v59+s19+$0x0], $0xffff;
	vm11 =	vlt.f32 v3, v42;
	(erf) = vrcp.f32 v46;
	v46 =	vadd.s32 $0x8, v12  }
0x547: {  	v2 =	vsub.f32 $1.000000000e+00, v18;
	v13 =	vpop (erf);
	v3 =	vmul.f32 v4, v8;
	v8 =	vsel vm11, v46, v12;
	v46 =	vld [tilespmem:$0x1FFC0]  }
0x548: {  	v4 =	vmul.f32 v5, v21;
	v5 =	vld.idx.msk [tilespmem:v14+s20+$0x0], $0xffff;
	v20 =	vpop (erf)  }
0x549: {  	v56 =	vadd.f32 $1.000000000e+00, v13;
	v2 =	vmul.f32 v20, v2  }
0x54a: {  	v24 =	vld [tilespmem:$0x1FF30];
	v17 =	vsub.f32 $1.000000000e+00, v17;
	v10 =	vsub.f32 $1.000000000e+00, v10  }
0x54b: {  	v13 =	vsub.f32 $1.000000000e+00, v13;
	(erf) = vrcp.f32 v56;
	v56 =	vxor.u32 $0x80000000, v2  }
0x54c: {  	vm11 =	vlt.f32 v6, v16;
	v18 =	vmul.f32 v56, v11;
	v12 =	vadd.s32 v46, v59  }
0x54d: {  	s25 =	sshll.u32 s25, $0x7;
	v5 =	vmul.f32 v5, v19;
	v56 =	vld.idx.msk [tilespmem:v23+s20+$0x0], $0xffff;
	v20 =	vpop (erf);
	v59 =	vsub.f32 $1.000000000e+00, v11;
	vm12 =	veq.s32 v12, $0x0  }
0x54e: {  	s3 =	sadd.s32 $0x180, s25;
	vm8 =	veq.s32 v12, $0x63;
	v12 =	vmul.f32 v20, v17;
	v17 =	vadd.s32 v46, v58  }
0x54f: {  	v20 =	vor.u32 s3, v24;
	v2 =	vmul.f32 v2, v59;
	vm6 =	vmand vm6, vm12  }
0x550: {  	v21 =	vld.idx.msk [tilespmem:v58+s19+$0x0], $0xffff;
	vm5 =	vmand vm5, vm8;
	vm13 =	veq.s32 v17, $0x0;
	v4 =	vsel vm6, v18, v4  }
0x551: {  	v59 =	vadd.s32 v46, v14;
	vm14 =	veq.s32 v17, $0x63;
	v2 =	vsel vm5, v2, v4  }
0x552: {  	v14 =	vld.idx.msk [tilespmem:v14+s19+$0x0], $0xffff;
	v15 =	vmul.f32 v56, v15;
	vm12 =	vgt.f32 v6, v16;
	v2 =	vadd.f32 v2, v11  }
0x553: {  	s24 =	sadd.s32 $0x200, s24;
	v17 =	vadd.s32 v46, v23;
	v58 =	vxor.u32 $0x80000000, v12;
	vm15 =	veq.s32 v59, $0x0;
	v19 =	vpop (erf)  }
0x554: {  	vm10 =	veq.s32 v59, $0x63;
	vm3 =	vmand vm3, vm14;
	v10 =	vmul.f32 v19, v10;
	[tilespmem:s24+$0x80] =	vst v2  }
0x555: {  	vm14 =	veq.s32 v17, $0x0;
	vm5 =	vmand vm4, vm13;
	v2 =	vsub.f32 $1.000000000e+00, v21;
	v4 =	vld.idx.msk [tilespmem:v20+s5+$0x0], $0xffff  }
0x556: {  	vm2 =	vmand vm2, vm15;
	v11 =	vmul.f32 v58, v21;
	v59 =	vxor.u32 $0x80000000, v10  }
0x557: {  	v58 =	vpop (erf);
	v56 =	vsub.f32 $1.000000000e+00, v14;
	v16 =	vmul.f32 v59, v14;
	v2 =	vmul.f32 v12, v2;
	v12 =	vld.idx.msk [tilespmem:v23+s19+$0x0], $0xffff  }
0x558: {  	v3 =	vsel vm5, v11, v3;
	v11 =	vadd.s32 $0x7, v0;
	v13 =	vmul.f32 v58, v13  }
0x559: {  	v6 =	vmul.f32 v10, v56;
	v10 =	vadd.s32 $0x3, v1;
	v5 =	vsel vm2, v16, v5  }
0x55a: {  	v23 =	vor.u32 s25, v24;
	v2 =	vsel vm3, v2, v3;
	vm13 =	vlt.f32 v25, v4  }
0x55b: {  	v3 =	vadd.s32 $0x3, v8;
	v46 =	vsel vm13, v9, v7;
	v56 =	vsel vm13, v22, v26  }
0x55c: {  	v58 =	vsub.f32 $1.000000000e+00, v12;
	vm2 =	vlt.f32 v56, v4;
	v59 =	vor.u32 $0x20, v46  }
0x55d: {  	s31 =	sadd.s32 $0x80, s25;
	vm1 =	vmand vm1, vm10;
	v2 =	vadd.f32 v2, v21;
	v16 =	vsel vm2, v59, v46  }
0x55e: {  	v11 =	vld.idx.msk [tilespmem:v11+s17+$0x0], $0xffff;
	v18 =	vmul.f32 v13, v58;
	v13 =	vxor.u32 $0x80000000, v13;
	v46 =	vor.u32 s31, v24  }
0x55f: {  	v5 =	vsel vm1, v6, v5;
	v6 =	vld.idx.msk [tilespmem:v10+s17+$0x0], $0xffff;
	v19 =	vadd.s32 $0xF, v16;
	v13 =	vmul.f32 v13, v12  }
0x560: {  	vm15 =	veq.s32 v17, $0x63;
	vm5 =	vmand vm11, vm14;
	s25 =	sadd.s32 $0x100, s25;
	[tilespmem:s24+$0xFFFFFF00] =	vst v2;
	v2 =	vadd.f32 v5, v14;
	v3 =	vld.idx.msk [tilespmem:v3+s17+$0x0], $0xffff  }
0x561: {  	vm7 =	vmand vm12, vm15;
	v56 =	vor.u32 s25, v24;
	v59 =	vld.idx.msk [tilespmem:v23+s5+$0x0], $0xffff;
	v17 =	vsel vm5, v13, v15  }
0x562: {  	[tilespmem:s24+$0xFFFFFF80] =	vst v2;
	v18 =	vsel vm7, v18, v17  }
0x563: {  	v21 =	vadd.s32 $0x8, v0;
	v2 =	vadd.s32 $0x4, v8;
	v5 =	vadd.f32 v18, v12;
	v58 =	vld.idx.msk [tilespmem:v46+s5+$0x0], $0xffff  }
0x564: {  	vm8 =	vlt.f32 v11, v55;
	vm9 =	vlt.f32 v6, v43;
	v17 =	vadd.s32 $0x4, v1;
	v19 =	vld.idx.msk [tilespmem:v19+s17+$0x0], $0xffff  }
0x565: {  	v0 =	vsel vm8, v21, v0;
	v1 =	vsel vm9, v17, v1;
	vm10 =	vlt.f32 v3, v42;
	[tilespmem:s24+$0x0] =	vst v5  }
0x566: {  	v3 =	vadd.s32 $0x3, v0;
	vm11 =	vlt.f32 v25, v59;
	v18 =	vadd.s32 $0x10, v16;
	v6 =	vld.idx.msk [tilespmem:v56+s5+$0x0], $0xffff  }
0x567: {  	v2 =	vsel vm10, v2, v8;
	v11 =	vsel vm11, v9, v7;
	v5 =	vadd.s32 $0x1, v1  }
0x568: {  	v10 =	vadd.s32 $0x1, v2;
	v21 =	vor.u32 $0x20, v11;
	vm13 =	vlt.f32 v25, v58  }
0x569: {  	vm12 =	vlt.f32 v19, v4;
	v19 =	vsel vm11, v22, v26;
	v14 =	vsel vm13, v9, v7  }
0x56a: {  	v13 =	vsel vm13, v22, v26;
	v8 =	vsel vm12, v18, v16;
	vm15 =	vlt.f32 v19, v59  }
0x56b: {  	vm2 =	vlt.f32 v13, v58;
	v12 =	vadd.s32 $0x7, v8;
	vm14 =	vlt.f32 v25, v6  }
0x56c: {  	v3 =	vld.idx.msk [tilespmem:v3+s17+$0x0], $0xffff;
	v11 =	vsel vm15, v21, v11;
	v15 =	vsel vm14, v22, v26;
	v22 =	vor.u32 $0x20, v14  }
0x56d: {  	v9 =	vsel vm14, v9, v7;
	v13 =	vsel vm2, v22, v14;
	v14 =	vadd.s32 $0xF, v11  }
0x56e: {  	v5 =	vld.idx.msk [tilespmem:v5+s17+$0x0], $0xffff;
	vm5 =	vlt.f32 v15, v6;
	v21 =	vor.u32 $0x20, v9;
	v22 =	vadd.s32 $0xF, v13  }
0x56f: {  	v10 =	vld.idx.msk [tilespmem:v10+s17+$0x0], $0xffff;
	v15 =	vsel vm5, v21, v9  }
0x570: {  	v16 =	vadd.s32 $0xF, v15  }
0x571: {  	vm6 =	vlt.f32 v3, v55;
	v3 =	vadd.s32 $0x4, v0;
	v12 =	vld.idx.msk [tilespmem:v12+s17+$0x0], $0xffff  }
0x572: {  	v0 =	vsel vm6, v3, v0;
	v3 =	vld.idx.msk [tilespmem:v14+s17+$0x0], $0xffff  }
0x573: {  	v9 =	vadd.s32 $0x2, v1;
	vm7 =	vlt.f32 v5, v43;
	v17 =	vadd.s32 $0x1, v0;
	v14 =	vld.idx.msk [tilespmem:v22+s17+$0x0], $0xffff  }
0x574: {  	v19 =	vadd.s32 $0x2, v2;
	vm8 =	vlt.f32 v10, v42;
	v1 =	vsel vm7, v9, v1  }
0x575: {  	v2 =	vsel vm8, v19, v2;
	v10 =	vld.idx.msk [tilespmem:v16+s17+$0x0], $0xffff  }
0x576: {  	v21 =	vadd.s32 $0x8, v8;
	v22 =	vadd.s32 $0x10, v11;
	vm9 =	vlt.f32 v12, v4  }
0x577: {  	v5 =	vsel vm9, v21, v8;
	v21 =	vadd.s32 $0x10, v13;
	vm10 =	vlt.f32 v3, v59  }
0x578: {  	v12 =	vadd.s32 $0x3, v5;
	v3 =	vld.idx.msk [tilespmem:v17+s17+$0x0], $0xffff;
	v8 =	vsel vm10, v22, v11;
	vm11 =	vlt.f32 v14, v58  }
0x579: {  	v11 =	vld.idx.msk [tilespmem:v1+s17+$0x0], $0xffff;
	v14 =	vadd.s32 $0x7, v8;
	v13 =	vsel vm11, v21, v13  }
0x57a: {  	v16 =	vld.idx.msk [tilespmem:v2+s17+$0x0], $0xffff;
	v22 =	vadd.s32 $0x10, v15;
	vm12 =	vlt.f32 v10, v6;
	v7 =	vadd.s32 $0x7, v13  }
0x57b: {  	v24 =	vsub.f32 $1.000000000e+00, v63;
	v63 =	vld [tilespmem:$0x1FD60];
	v10 =	vsel vm12, v22, v15  }
0x57c: {  	vm4 =	vlt.f32 v29, v45;
	vm3 =	vgt.f32 v27, v39;
	v26 =	vld [tilespmem:$0x1FFF0];
	v15 =	vadd.s32 $0x7, v10  }
0x57d: {  	vm1 =	vgt.f32 v28, v44;
	vm2 =	vgt.f32 v29, v45;
	vm5 =	vlt.f32 v28, v44;
	v12 =	vld.idx.msk [tilespmem:v12+s17+$0x0], $0xffff  }
0x57e: {  	vm14 =	vlt.f32 v3, v55;
	v3 =	vadd.s32 $0x2, v0;
	vm13 =	vlt.f32 v11, v43;
	v28 =	vld.idx.msk [tilespmem:v14+s17+$0x0], $0xffff  }
0x57f: {  	vm15 =	vlt.f32 v16, v42;
	v0 =	vsel vm14, v3, v0;
	v3 =	vsel vm13, $0x1, v61;
	v29 =	vld.idx.msk [tilespmem:v7+s17+$0x0], $0xffff  }
0x580: {  	v24 =	vmul.f32 v63, v24;
	v18 =	vadd.s32 v3, v1;
	v1 =	vsel vm15, $0x1, v61  }
0x581: {  	vm6 =	vlt.f32 v27, v39;
	v39 =	vadd.s32 $0x8, v8;
	v17 =	vadd.s32 v1, v2;
	v2 =	vld.idx.msk [tilespmem:v15+s17+$0x0], $0xffff  }
0x582: {  	v16 =	vmul.f32 v52, v54;
	v1 =	vadd.s32 $0x4, v5;
	vm11 =	vlt.f32 v12, v4  }
0x583: {  	v12 =	vadd.s32 v26, v48;
	v48 =	vadd.s32 $0x8, v13;
	v1 =	vsel vm11, v1, v5  }
0x584: {  	v52 =	vld [tilespmem:$0x1FD40];
	vm12 =	vlt.f32 v28, v59;
	v44 =	vadd.s32 $0x1, v1;
	vm13 =	vlt.f32 v29, v58  }
0x585: {  	v19 =	vmul.f32 v50, v49;
	v54 =	vld [tilespmem:$0x1FD50];
	v5 =	vsel vm12, v39, v8;
	v13 =	vsel vm13, v48, v13  }
0x586: {  	v25 =	vld [tilespmem:$0x1FDB0];
	v50 =	vadd.s32 $0x3, v5;
	vm14 =	vlt.f32 v2, v6;
	v2 =	vadd.s32 $0x8, v10  }
0x587: {  	v21 =	vmul.f32 v53, v51;
	v45 =	vld.idx.msk [tilespmem:v0+s17+$0x0], $0xffff;
	v2 =	vsel vm14, v2, v10;
	v51 =	vadd.s32 $0x3, v13  }
0x588: {  	v49 =	vsub.f32 $1.000000000e+00, v62;
	vm8 =	veq.s32 v40, $0x0;
	v39 =	vld.idx.msk [tilespmem:v18+s18+$0x0], $0xffff;
	v27 =	vadd.s32 $0x3, v2  }
0x589: {  	v62 =	vimm.s32 $0x0;
	vm8 =	vmand vm5, vm8;
	v3 =	vsub.f32 $1.000000000e+00, v37;
	v11 =	vld.idx.msk [tilespmem:v44+s17+$0x0], $0xffff  }
0x58a: {  	v53 =	vmul.f32 v52, v49;
	v61 =	vsub.f32 $1.000000000e+00, v54;
	v49 =	vxor.u32 $0x80000000, v24;
	v48 =	vld [tilespmem:$0x1FD70]  }
0x58b: {  	vm15 =	vmand vm6, vm0;
	v24 =	vmul.f32 v24, v47;
	vm0 =	veq.s32 v40, $0x63;
	v14 =	vld.idx.msk [tilespmem:v50+s17+$0x0], $0xffff  }
0x58c: {  	vm6 =	vgt.f32 v36, v25;
	v9 =	vmul.f32 v49, v38;
	vm9 =	vlt.f32 v45, v55;
	v10 =	vld.idx.msk [tilespmem:v51+s17+$0x0], $0xffff  }
0x58d: {  	v22 =	vxor.u32 $0x80000000, v53;
	v54 =	vadd.s32 $0x4, v2;
	v8 =	vsel vm9, $0x1, v62;
	v27 =	vld.idx.msk [tilespmem:v27+s17+$0x0], $0xffff  }
0x58e: {  	v8 =	vadd.s32 v8, v0;
	v50 =	vadd.s32 $0x2, v1;
	vm11 =	vlt.f32 v11, v4  }
0x58f: {  	v44 =	vmul.f32 v53, v41;
	v53 =	vadd.s32 $0x4, v13;
	v1 =	vsel vm11, v50, v1  }
0x590: {  	v29 =	vld.idx.msk [tilespmem:v17+s18+$0x0], $0xffff;
	v45 =	vsub.f32 v43, v39;
	v51 =	vadd.s32 $0x4, v5;
	vm10 =	vlt.f32 v14, v59  }
0x591: {  	v15 =	vmul.f32 v48, v61;
	v5 =	vsel vm10, v51, v5;
	vm13 =	vlt.f32 v10, v58  }
0x592: {  	v11 =	vsel vm13, v53, v13;
	v61 =	vadd.s32 $0x1, v5;
	vm14 =	vlt.f32 v27, v6  }
0x593: {  	vm0 =	vmand vm1, vm0;
	v41 =	vld.idx.msk [tilespmem:v8+s18+$0x0], $0xffff;
	v2 =	vsel vm14, v54, v2;
	v63 =	vadd.s32 $0x1, v11  }
0x594: {  	vm7 =	veq.s32 v12, $0x0;
	v52 =	vand.u32 $0x7FFFFFFF, v45;
	v27 =	vld.idx.msk [tilespmem:v1+s17+$0x0], $0xffff;
	v7 =	vadd.s32 $0x1, v2  }
0x595: {  	vm5 =	veq.s32 v12, $0x63;
	v47 =	vsub.f32 v42, v29;
	v14 =	vmul.f32 v52, v57  }
0x596: {  	v21 =	vsel vm8, v9, v21;
	vm12 =	veq.s32 v34, $0x63;
	v0 =	vmul.f32 v22, v35  }
0x597: {  	vm3 =	vmand vm3, vm12;
	v34 =	vand.u32 $0x7FFFFFFF, v47;
	v14 =	vmul.f32 $-2.000000000e+00, v14;
	v13 =	vld.idx.msk [tilespmem:v61+s17+$0x0], $0xffff  }
0x598: {  	v0 =	vsel vm15, v0, v19;
	v40 =	vmul.f32 v34, v57;
	v48 =	vsub.f32 v55, v41;
	v10 =	vld.idx.msk [tilespmem:v63+s17+$0x0], $0xffff  }
0x599: {  	v53 =	vadd.s32 $0x2, v5;
	v14 =	vmul.f32 $1.442695020e+00, v14;
	vm15 =	vlt.f32 v27, v4;
	v12 =	vld.idx.msk [tilespmem:v7+s17+$0x0], $0xffff  }
0x59a: {  	v54 =	vadd.s32 $0x2, v11;
	v49 =	vand.u32 $0x7FFFFFFF, v48;
	v50 =	vsel vm15, $0x1, v62  }
0x59b: {  	(erf) = vpow2.f32 v14;
	v19 =	vmul.f32 v49, v57;
	v9 =	vadd.s32 v50, v1  }
0x59c: {  	v61 =	vadd.s32 $0x2, v2;
	v27 =	vmul.f32 $-2.000000000e+00, v40;
	vm12 =	vlt.f32 v13, v59  }
0x59d: {  	v22 =	vld [tilespmem:$0x1FD80];
	v52 =	vmul.f32 $-2.000000000e+00, v19;
	v14 =	vsel vm12, v53, v5;
	vm13 =	vlt.f32 v10, v58  }
0x59e: {  	v34 =	vld [tilespmem:$0x1FD90];
	v51 =	vmul.f32 $1.442695020e+00, v27;
	v11 =	vsel vm13, v54, v11;
	vm14 =	vlt.f32 v12, v6  }
0x59f: {  	vm4 =	vmand vm4, vm7;
	v63 =	vld.idx.msk [tilespmem:v60+s20+$0x0], $0xffff;
	v28 =	vmul.f32 $1.442695020e+00, v52;
	v2 =	vsel vm14, v61, v2  }
0x5a0: {  	v3 =	vmul.f32 v15, v3;
	v15 =	vxor.u32 $0x80000000, v15;
	(erf) = vpow2.f32 v51;
	v40 =	vld.idx.msk [tilespmem:v9+s18+$0x0], $0xffff  }
0x5a1: {  	v0 =	vsel vm3, v44, v0;
	vm3 =	vlt.f32 v43, v39;
	v50 =	vld [tilespmem:$0x1FDA0];
	(erf) = vpow2.f32 v28  }
0x5a2: {  	vm1 =	vgt.f32 v55, v41;
	v7 =	vsub.f32 $1.000000000e+00, v22;
	vm15 =	vmand vm2, vm5;
	v44 =	vld.idx.msk [tilespmem:v14+s17+$0x0], $0xffff  }
0x5a3: {  	vm5 =	vlt.f32 v36, v25;
	vm2 =	vgt.f32 v43, v39;
	v1 =	vmul.f32 v15, v37;
	v49 =	vld.idx.msk [tilespmem:v11+s17+$0x0], $0xffff  }
0x5a4: {  	v7 =	vmul.f32 v34, v7;
	v13 =	vsel vm0, v24, v21;
	v5 =	vadd.f32 v0, v35;
	v21 =	vpop (erf);
	v51 =	vld.idx.msk [tilespmem:v2+s17+$0x0], $0xffff  }
0x5a5: {  	v1 =	vsel vm4, v1, v16;
	v27 =	vadd.f32 $1.000000000e+00, v21;
	v34 =	vsub.f32 v4, v40  }
0x5a6: {  	v1 =	vsel vm15, v3, v1;
	v3 =	vadd.s32 v26, v60;
	v12 =	vmul.f32 v63, v50  }
0x5a7: {  	v10 =	vld.idx.msk [tilespmem:v60+s19+$0x0], $0xffff;
	(erf) = vrcp.f32 v27;
	v27 =	vand.u32 $0x7FFFFFFF, v34;
	vm7 =	vlt.f32 v44, v59  }
0x5a8: {  	v53 =	vmul.f32 v27, v57;
	v27 =	vsel vm7, $0x1, v62;
	vm8 =	vlt.f32 v49, v58  }
0x5a9: {  	v24 =	vpop (erf);
	v27 =	vadd.s32 v27, v14;
	v60 =	vsel vm8, $0x1, v62;
	vm9 =	vlt.f32 v51, v6  }
0x5aa: {  	v52 =	vadd.f32 $1.000000000e+00, v24;
	v63 =	vpop (erf);
	v22 =	vadd.s32 v60, v11;
	v28 =	vsel vm9, $0x1, v62  }
0x5ab: {  	v49 =	vmul.f32 $-2.000000000e+00, v53;
	v28 =	vadd.s32 v28, v2;
	v2 =	vadd.f32 $1.000000000e+00, v63  }
0x5ac: {  	v0 =	vxor.u32 $0x80000000, v7;
	v54 =	vld.idx.msk [tilespmem:v18+s20+$0x0], $0xffff;
	v19 =	vsub.f32 $1.000000000e+00, v10;
	(erf) = vrcp.f32 v52  }
0x5ad: {  	vm4 =	veq.s32 v3, $0x0;
	v61 =	vld.idx.msk [tilespmem:v17+s20+$0x0], $0xffff;
	(erf) = vrcp.f32 v2;
	v2 =	vmul.f32 $1.442695020e+00, v49  }
0x5ae: {  	vm10 =	veq.s32 v3, $0x63;
	v3 =	vmul.f32 v7, v19;
	v7 =	vadd.f32 v1, v37;
	v1 =	vld.idx.msk [tilespmem:v27+s18+$0x0], $0xffff  }
0x5af: {  	vm12 =	vlt.f32 v55, v41;
	vm0 =	vmand vm5, vm4;
	(erf) = vpow2.f32 v2;
	v2 =	vld.idx.msk [tilespmem:v22+s18+$0x0], $0xffff  }
0x5b0: {  	vm11 =	vmand vm6, vm10;
	v50 =	vadd.s32 v26, v18;
	v0 =	vmul.f32 v0, v10;
	v14 =	vld.idx.msk [tilespmem:v28+s18+$0x0], $0xffff  }
0x5b1: {  	vm4 =	vlt.f32 v42, v29;
	vm6 =	vgt.f32 v42, v29;
	vm13 =	veq.s32 v50, $0x63  }
0x5b2: {  	vm2 =	vmand vm2, vm13;
	v0 =	vsel vm0, v0, v12;
	v19 =	vadd.f32 v13, v38;
	v44 =	vld.idx.msk [tilespmem:v8+s20+$0x0], $0xffff  }
0x5b3: {  	v18 =	vld.idx.msk [tilespmem:v18+s19+$0x0], $0xffff;
	vm0 =	veq.s32 v50, $0x0;
	v52 =	vsub.f32 $1.000000000e+00, v21;
	v21 =	vsub.f32 v59, v1  }
0x5b4: {  	v12 =	vmul.f32 v61, v47;
	v0 =	vsel vm11, v3, v0;
	v35 =	vsub.f32 v58, v2  }
0x5b5: {  	v3 =	vmul.f32 v54, v45;
	v53 =	vpop (erf);
	v60 =	vand.u32 $0x7FFFFFFF, v21;
	v37 =	vsub.f32 v6, v14  }
0x5b6: {  	v36 =	vsub.f32 $1.000000000e+00, v63;
	v54 =	vpop (erf);
	v29 =	vmul.f32 v60, v57;
	v63 =	vand.u32 $0x7FFFFFFF, v35  }
0x5b7: {  	v13 =	vmul.f32 v44, v48;
	v61 =	vpop (erf);
	v42 =	vmul.f32 v63, v57;
	v43 =	vand.u32 $0x7FFFFFFF, v37  }
0x5b8: {  	v50 =	vsub.f32 $1.000000000e+00, v18;
	v44 =	vpop (erf);
	v39 =	vmul.f32 v43, v57;
	v29 =	vmul.f32 $-2.000000000e+00, v29  }
0x5b9: {  	vm0 =	vmand vm3, vm0;
	v45 =	vadd.f32 $1.000000000e+00, v44;
	v38 =	vmul.f32 $-2.000000000e+00, v42  }
0x5ba: {  	v24 =	vsub.f32 $1.000000000e+00, v24;
	v29 =	vmul.f32 $1.442695020e+00, v29;
	v39 =	vmul.f32 $-2.000000000e+00, v39  }
0x5bb: {  	v51 =	vadd.s32 v26, v17;
	v17 =	vld.idx.msk [tilespmem:v17+s19+$0x0], $0xffff;
	(erf) = vrcp.f32 v45;
	v48 =	vmul.f32 $1.442695020e+00, v38  }
0x5bc: {  	v47 =	vld.idx.msk [tilespmem:v8+s19+$0x0], $0xffff;
	v8 =	vadd.s32 v26, v8;
	(erf) = vpow2.f32 v29;
	v49 =	vmul.f32 $1.442695020e+00, v39  }
0x5bd: {  	v0 =	vadd.f32 v0, v10;
	vm11 =	veq.s32 v8, $0x0;
	(erf) = vpow2.f32 v48  }
0x5be: {  	vm7 =	veq.s32 v8, $0x63;
	vm12 =	vmand vm12, vm11;
	(erf) = vpow2.f32 v49  }
0x5bf: {  	vm1 =	vmand vm1, vm7;
	vm14 =	veq.s32 v51, $0x0;
	v16 =	vmul.f32 v53, v52  }
0x5c0: {  	vm15 =	veq.s32 v51, $0x63;
	vm9 =	vmand vm4, vm14;
	v51 =	vsub.f32 $1.000000000e+00, v17  }
0x5c1: {  	v11 =	vmul.f32 v16, v50;
	v16 =	vxor.u32 $0x80000000, v16;
	v24 =	vmul.f32 v54, v24  }
0x5c2: {  	vm13 =	vmand vm6, vm15;
	vm14 =	vlt.f32 v4, v40;
	v16 =	vmul.f32 v16, v18  }
0x5c3: {  	vm15 =	vgt.f32 v4, v40;
	v8 =	vmul.f32 v24, v51;
	v24 =	vxor.u32 $0x80000000, v24  }
0x5c4: {  	v52 =	vsub.f32 $1.000000000e+00, v47;
	v3 =	vsel vm0, v16, v3;
	v24 =	vmul.f32 v24, v17;
	v54 =	vpop (erf)  }
0x5c5: {  	v3 =	vsel vm2, v11, v3;
	vm3 =	vlt.f32 v59, v1;
	v36 =	vmul.f32 v61, v36;
	v61 =	vld.idx.msk [tilespmem:v9+s20+$0x0], $0xffff;
	v55 =	vpop (erf)  }
0x5c6: {  	vm0 =	vgt.f32 v59, v1;
	v12 =	vsel vm9, v24, v12;
	v60 =	vpop (erf);
	v24 =	vadd.f32 $1.000000000e+00, v55  }
0x5c7: {  	vm2 =	vlt.f32 v58, v2;
	v3 =	vadd.f32 v3, v18;
	v1 =	vpop (erf);
	v63 =	vadd.f32 $1.000000000e+00, v60  }
0x5c8: {  	v57 =	vld.idx.msk [tilespmem:v9+s19+$0x0], $0xffff;
	v53 =	vxor.u32 $0x80000000, v36;
	(erf) = vrcp.f32 v24;
	v24 =	vadd.f32 $1.000000000e+00, v1  }
0x5c9: {  	vm5 =	vlt.f32 v6, v14;
	v42 =	vld.idx.msk [tilespmem:v22+s20+$0x0], $0xffff;
	v29 =	vmul.f32 v53, v47;
	(erf) = vrcp.f32 v63  }
0x5ca: {  	v9 =	vadd.s32 v26, v9;
	(erf) = vrcp.f32 v24;
	v24 =	vmul.f32 v61, v34;
	v61 =	vld [tilespmem:$0x1FE70]  }
0x5cb: {  	v15 =	vmul.f32 v36, v52;
	v8 =	vsel vm13, v8, v12;
	v10 =	vsub.f32 $1.000000000e+00, v44  }
0x5cc: {  	vm9 =	veq.s32 v9, $0x0;
	vm10 =	veq.s32 v9, $0x63;
	v13 =	vsel vm12, v29, v13  }
0x5cd: {  	vm4 =	vmand vm14, vm9;
	vm11 =	vmand vm15, vm10;
	v39 =	vld.idx.msk [tilespmem:v27+s20+$0x0], $0xffff;
	v13 =	vsel vm1, v15, v13  }
0x5ce: {  	v8 =	vadd.f32 v8, v17;
	v53 =	vadd.s32 v26, v27;
	v45 =	vadd.f32 v13, v47;
	v47 =	vld.idx.msk [tilespmem:v27+s19+$0x0], $0xffff  }
0x5cf: {  	v51 =	vld.idx.msk [tilespmem:v22+s19+$0x0], $0xffff;
	v40 =	vsub.f32 $1.000000000e+00, v57;
	vm7 =	veq.s32 v53, $0x63;
	v50 =	vmul.f32 v42, v35  }
0x5d0: {  	v44 =	vld.idx.msk [tilespmem:v28+s20+$0x0], $0xffff;
	vm12 =	veq.s32 v53, $0x0;
	vm0 =	vmand vm0, vm7;
	v10 =	vmul.f32 v54, v10  }
0x5d1: {  	vm1 =	vgt.f32 v58, v2;
	v58 =	vadd.s32 v26, v28;
	vm3 =	vmand vm3, vm12;
	v54 =	vld.idx.msk [tilespmem:v28+s19+$0x0], $0xffff  }
0x5d2: {  	vm15 =	veq.s32 v58, $0x0;
	vm12 =	veq.s32 v58, $0x63;
	v2 =	vxor.u32 $0x80000000, v10;
	[tilespmem:v61+s22+$0x0] =	vst.idx.msk $0x3ff, v5  }
0x5d3: {  	v48 =	vmul.f32 v39, v21;
	v59 =	vsub.f32 $1.000000000e+00, v47;
	v2 =	vmul.f32 v2, v57;
	v18 =	vld [tilespmem:$0x1FE80]  }
0x5d4: {  	v11 =	vsub.f32 $1.000000000e+00, v55;
	v43 =	vmul.f32 v10, v40;
	v4 =	vsub.f32 $1.000000000e+00, v60  }
0x5d5: {  	v10 =	vmul.f32 v44, v37;
	v60 =	vsub.f32 $1.000000000e+00, v51;
	v2 =	vsel vm4, v2, v24;
	v49 =	vpop (erf)  }
0x5d6: {  	v1 =	vsub.f32 $1.000000000e+00, v1;
	v63 =	vsub.f32 $1.000000000e+00, v54;
	v2 =	vsel vm11, v43, v2;
	v52 =	vpop (erf)  }
0x5d7: {  	vm4 =	vgt.f32 v6, v14;
	v2 =	vadd.f32 v2, v57;
	v11 =	vmul.f32 v49, v11;
	v55 =	vpop (erf)  }
0x5d8: {  	v57 =	vadd.s32 v26, v22;
	v4 =	vmul.f32 v52, v4;
	v1 =	vmul.f32 v55, v1  }
0x5d9: {  	vm13 =	veq.s32 v57, $0x0;
	v16 =	vmul.f32 v11, v59;
	v11 =	vxor.u32 $0x80000000, v11  }
0x5da: {  	v17 =	vmul.f32 v4, v60;
	v5 =	vmul.f32 v1, v63;
	v1 =	vxor.u32 $0x80000000, v1  }
0x5db: {  	v4 =	vxor.u32 $0x80000000, v4;
	v11 =	vmul.f32 v11, v47;
	v1 =	vmul.f32 v1, v54;
	[tilespmem:v18+s22+$0x0] =	vst.idx.msk $0x3ff, v19  }
0x5dc: {  	vm2 =	vmand vm2, vm13;
	vm13 =	vmand vm5, vm15;
	v4 =	vmul.f32 v4, v51;
	v18 =	vld [tilespmem:$0x1FE90];
	[tilespmem:v30+s22+$0x0] =	vst.idx.msk $0x3ff, v0  }
0x5dd: {  	vm14 =	veq.s32 v57, $0x63;
	v1 =	vsel vm13, v1, v10;
	v0 =	vsel vm3, v11, v48;
	[tilespmem:v33+s22+$0x0] =	vst.idx.msk $0x3ff, v3  }
0x5de: {  	vm14 =	vmand vm1, vm14;
	v3 =	vsel vm2, v4, v50;
	[tilespmem:v32+s22+$0x0] =	vst.idx.msk $0x3ff, v8;
	v0 =	vsel vm0, v16, v0  }
0x5df: {  	vm15 =	vmand vm4, vm12;
	[tilespmem:v31+s22+$0x0] =	vst.idx.msk $0x3ff, v45;
	v3 =	vsel vm14, v17, v3;
	v0 =	vadd.f32 v0, v47  }
0x5e0: {  	v1 =	vsel vm15, v5, v1;
	[tilespmem:v20+s22+$0x0] =	vst.idx.msk $0x3ff, v2;
	v2 =	vadd.f32 v3, v51  }
0x5e1: {  	[tilespmem:v23+s22+$0x0] =	vst.idx.msk $0x3ff, v0;
	v0 =	vadd.f32 v1, v54  }
0x5e2: {  	s23 =	sadd.s32 $0x1, s23;
	[tilespmem:v46+s22+$0x0] =	vst.idx.msk $0x3ff, v2  }
0x5e3: {  	p0 =	sne.s32 s23, s11;
	[tilespmem:v56+s22+$0x0] =	vst.idx.msk $0x3ff, v0  }
.Ltmp3:
0x5e4: {  	[tilespmem:v18+s22+$0x0] =	vst.idx.msk $0x3ff, v7;
	(pc) =	sbr.rel @p0 .LBB2_1-.Ltmp3, $4  }
0x5e5: {  	[hbm4b:s10+s5] =	stream.linear.scatter [tilespmem:s22], [sflag:$0x2], $0x8000, $0x38;
	[tilespmem:$0x14780] =	vst v63  }
0x5e6: {  	_ =	swait.ge [sflag:s13], $0x8000  }
0x5e7: {  	[sflag:s13] =	ssyncset.done $0x0  }
0x5e8: {  	v1 =	vimm.s32 $0x1;
	v0 =	vlaneseq.u32;
	[sflag:s13] =	ssyncadd.s32 $0xFFFF8000  }
0x5e9: {  	_ =	sfence.sel $0x180000  }
0x5ea: {  	[bflag:$0x0] =	sbarrier.arrive $0xFFFF  }
0x5eb: {  	_ =	strace $0x90000047  }
0x5ec: {  	[bflag:$0x2] =	sbarrier.arrive $0xFFFF  }
0x5ed: {  	p0 =	sne.s32 s6, $0x0;
	s0 =	rddreg [dreg:$0x5]  }
0x5ee: {  	s0 =	sadd.s32 @!p0 $0x100000, s0  }
0x5ef: {  	[sflag:s0] =	ssyncadd.tile.s32 @!p0 $0x1;
	_ =	shalt  }
.Lfunc_end2:
_tile_overlayer_lowered:
.L_overlay_start_2:
0x5f0: {  	(tag) =	ssettag $0x2  }
0x5f1: {  	s0 =	rddreg [dreg:$0x0];
	s2 =	stileid.u32  }
0x5f2: {  	s1 =	rddreg [dreg:$0x1];
	p0 =	sne.s32 s2, $0x0  }
0x5f3: {  	s3 =	rddreg [dreg:$0x2];
	[bflag:$0x3] =	sbarrier.arrive $0xFFFF;
	s2 =	simm.s32 @!p0 $0x1C02  }
0x5f4: {  	[timem:s3], [sflag:s2] =	dma.local @!p0 [hbm:s0], s1  }
0x5f5: {  	s0 =	simm.s32 @!p0 $0x2  }
0x5f6: {  	_ =	swait.ge @!p0 [sflag:s0], s1  }
0x5f7: {  	s1 =	ssub.s32 @!p0 $0x0, s1;
	[sflag:s0] =	ssyncset.done @!p0 $0x0  }
0x5f8: {  	[sflag:s0] =	ssyncadd.s32 @!p0 s1  }
0x5f9: {  	[bflag:$0x3] =	sbarrier.arrive $0xFFFF  }
0x5fa: {  	_ =	shalt  }

</sc_bundles>
